<compile_context>
chip_gen: v7x
topology: tpu7x:2x2x1
jax: 0.10.2.dev20260603
libtpu: 0.0.44.dev20260713+nightly
codegen_flags: <defaults>
</compile_context>

<pallas_src>
import functools

import jax
import jax.numpy as jnp
from jax import lax
from jax.experimental import pallas as pl
from jax.experimental.pallas import tpu as pltpu
from jax.experimental.pallas import tpu_sc as plsc

_N = 10000
_D = 128
_E = 320000
_NC = 2
_NS = 16
_NW = _NC * _NS
_CH = 125
_NCH = 80
_RPS = _N // _NS


def _sc_mesh():
    return plsc.VectorSubcoreMesh(
        core_axis_name="c", subcore_axis_name="s",
        num_cores=_NC, num_subcores=_NS)


_TP = 10240
_RPP = _TP // _NS


def _sc_degrees(edges):

    @functools.partial(
        pl.kernel,
        out_type=jax.ShapeDtypeStruct((_NC, 2, _TP), jnp.float32),
        mesh=_sc_mesh(),
        scratch_types=[
            pltpu.VMEM((_NCH, _CH), jnp.int32),
            pltpu.VMEM((_NCH, _CH), jnp.int32),
            pltpu.VMEM((128,), jnp.float32),
            pltpu.VMEM((_RPP,), jnp.float32),
            pltpu.VMEM_SHARED((_TP,), jnp.float32),
            pltpu.VMEM_SHARED((_TP,), jnp.float32),
            pltpu.SemaphoreType.DMA,
        ],
    )
    def deg_kernel(edges_hbm, out_hbm, src_v, dst_v, ones_v, zeros_v,
                   acc_s, acc_d, ssem):
        c = lax.axis_index("c")
        s = lax.axis_index("s")
        wid = c * _NS + s

        def fill_zeros(i, _):
            zeros_v[pl.ds(i * 16, 16)] = jnp.zeros((16,), jnp.float32)
            return 0

        lax.fori_loop(0, _RPP // 16, fill_zeros, 0)

        def fill_ones(i, _):
            ones_v[pl.ds(i * 16, 16)] = jnp.ones((16,), jnp.float32)
            return 0

        lax.fori_loop(0, 8, fill_ones, 0)

        pltpu.sync_copy(zeros_v, acc_s.at[pl.ds(s * _RPP, _RPP)])
        pltpu.sync_copy(zeros_v, acc_d.at[pl.ds(s * _RPP, _RPP)])
        pltpu.sync_copy(edges_hbm.at[0, wid], src_v)
        pltpu.sync_copy(edges_hbm.at[1, wid], dst_v)
        plsc.subcore_barrier()

        ones_c = ones_v.at[pl.ds(0, _CH)]

        def body(m, _):
            for u in range(4):
                j = m * 4 + u
                pltpu.async_copy(ones_c, acc_s.at[src_v.at[j]], ssem,
                                 add=True)
                pltpu.async_copy(ones_c, acc_d.at[dst_v.at[j]], ssem,
                                 add=True)
            for u in range(8):
                pltpu.make_async_copy(ones_c, acc_s.at[src_v.at[0]],
                                      ssem).wait()
            return 0

        lax.fori_loop(0, _NCH // 4, body, 0)
        plsc.subcore_barrier()
        pltpu.sync_copy(acc_s.at[pl.ds(s * _RPP, _RPP)],
                        out_hbm.at[c, 0, pl.ds(s * _RPP, _RPP)])
        pltpu.sync_copy(acc_d.at[pl.ds(s * _RPP, _RPP)],
                        out_hbm.at[c, 1, pl.ds(s * _RPP, _RPP)])

    return deg_kernel(edges)


def _sc_edge_agg(table, edges):

    hch = _NCH // 2

    @functools.partial(
        pl.kernel,
        out_type=jax.ShapeDtypeStruct((_NC, _TP, _D), jnp.float32),
        mesh=_sc_mesh(),
        scratch_types=[
            pltpu.VMEM((_NCH // 2, _CH), jnp.int32),
            pltpu.VMEM((_NCH // 2, _CH), jnp.int32),
            pltpu.VMEM((128, _D), jnp.float32),
            pltpu.VMEM((128, _D), jnp.float32),
            pltpu.VMEM_SHARED((_TP, _D), jnp.float32),
            pltpu.SemaphoreType.DMA,
            pltpu.SemaphoreType.DMA,
        ],
    )
    def agg_kernel(tab_hbm, edges_hbm, out_hbm, src_v, dst_v, r0, r1,
                   acc, gsem, ssem):
        c = lax.axis_index("c")
        s = lax.axis_index("s")
        wid = c * _NS + s

        def fill_zeros(i, _):
            r0[i // 8, pl.ds((i % 8) * 16, 16)] = jnp.zeros((16,),
                                                            jnp.float32)
            return 0

        with jax.named_scope("agg_clear"):
            lax.fori_loop(0, 128 * _D // 16, fill_zeros, 0)

            def clear(k, _):
                pltpu.sync_copy(r0, acc.at[pl.ds(s * _RPP + k * 128, 128)])
                return 0

            lax.fori_loop(0, _RPP // 128, clear, 0)
            plsc.subcore_barrier()

        def wait_gather(buf):
            pltpu.make_async_copy(tab_hbm.at[src_v.at[0]],
                                  buf.at[pl.ds(0, _CH)], gsem).wait()

        for h in range(2):
          with jax.named_scope(f"agg_half{h}"):
            pltpu.sync_copy(edges_hbm.at[0, wid, pl.ds(h * hch, hch)], src_v)
            pltpu.sync_copy(edges_hbm.at[1, wid, pl.ds(h * hch, hch)], dst_v)
            pltpu.async_copy(tab_hbm.at[src_v.at[0]], r0.at[pl.ds(0, _CH)],
                             gsem)
            pltpu.async_copy(tab_hbm.at[src_v.at[1]], r1.at[pl.ds(0, _CH)],
                             gsem)

            def body(m, _):
                j0 = m * 2
                wait_gather(r0)
                pltpu.sync_copy(r0.at[pl.ds(0, _CH)], acc.at[dst_v.at[j0]],
                                add=True)

                @pl.when(m < hch // 2 - 1)
                def _():
                    pltpu.async_copy(tab_hbm.at[src_v.at[j0 + 2]],
                                     r0.at[pl.ds(0, _CH)], gsem)

                wait_gather(r1)
                pltpu.sync_copy(r1.at[pl.ds(0, _CH)],
                                acc.at[dst_v.at[j0 + 1]], add=True)

                @pl.when(m < hch // 2 - 1)
                def _():
                    pltpu.async_copy(tab_hbm.at[src_v.at[j0 + 3]],
                                     r1.at[pl.ds(0, _CH)], gsem)

                return 0

            lax.fori_loop(0, hch // 2, body, 0)
        with jax.named_scope("agg_out"):
            plsc.subcore_barrier()

            def copy_out(k, _):
                pltpu.sync_copy(acc.at[pl.ds(s * _RPP + k * 128, 128)],
                                out_hbm.at[c, pl.ds(s * _RPP + k * 128, 128)])
                return 0

            lax.fori_loop(0, _RPP // 128, copy_out, 0)

    return agg_kernel(table, edges)


_BLK = 1000


def _tc_pre(xp, W1, degs):

    def body(x_ref, w_ref, deg_ref, y_ref, ns_ref, nd_ref):
        deg = deg_ref[0] + deg_ref[1]
        dsrc, ddst = deg[0], deg[1]
        ns = jnp.where(dsrc > 0, lax.rsqrt(jnp.maximum(dsrc, 1.0)), 0.0)
        nd = jnp.where(ddst > 0, lax.rsqrt(jnp.maximum(ddst, 1.0)), 0.0)
        y = jnp.dot(x_ref[...], w_ref[...],
                    preferred_element_type=jnp.float32)
        y_ref[...] = y * ns[:, None]
        ns_ref[...] = ns[:, None]
        nd_ref[...] = nd[:, None]

    blk = 1024
    return pl.pallas_call(
        body,
        grid=(_TP // blk,),
        in_specs=[
            pl.BlockSpec((blk, _D), lambda i: (i, 0)),
            pl.BlockSpec((_D, _D), lambda i: (0, 0)),
            pl.BlockSpec((_NC, 2, blk), lambda i: (0, 0, i)),
        ],
        out_specs=[
            pl.BlockSpec((blk, _D), lambda i: (i, 0)),
            pl.BlockSpec((blk, 1), lambda i: (i, 0)),
            pl.BlockSpec((blk, 1), lambda i: (i, 0)),
        ],
        out_shape=[
            jax.ShapeDtypeStruct((_N, _D), jnp.float32),
            jax.ShapeDtypeStruct((_N, 1), jnp.float32),
            jax.ShapeDtypeStruct((_N, 1), jnp.float32),
        ],
    )(xp, W1, degs)


def _tc_mid(p1, ns, nd, b1, W2):

    def body(p_ref, ns_ref, nd_ref, b_ref, w_ref, y_ref):
        agg = p_ref[0] + p_ref[1]
        h = jnp.maximum(agg * nd_ref[...] + b_ref[...], 0.0)
        y = jnp.dot(h, w_ref[...], preferred_element_type=jnp.float32)
        y_ref[...] = y * ns_ref[...]

    return pl.pallas_call(
        body,
        grid=(_N // _BLK,),
        in_specs=[
            pl.BlockSpec((_NC, _BLK, _D), lambda i: (0, i, 0)),
            pl.BlockSpec((_BLK, 1), lambda i: (i, 0)),
            pl.BlockSpec((_BLK, 1), lambda i: (i, 0)),
            pl.BlockSpec((1, _D), lambda i: (0, 0)),
            pl.BlockSpec((_D, _D), lambda i: (0, 0)),
        ],
        out_specs=pl.BlockSpec((_BLK, _D), lambda i: (i, 0)),
        out_shape=jax.ShapeDtypeStruct((_N, _D), jnp.float32),
    )(p1, ns, nd, b1, W2)


def _tc_post(p2, nd, b2):

    def body(p_ref, nd_ref, b_ref, o_ref):
        agg = p_ref[0] + p_ref[1]
        o_ref[...] = jnp.maximum(agg * nd_ref[...] + b_ref[...], 0.0)

    blk = 1000
    return pl.pallas_call(
        body,
        grid=(_N // blk,),
        in_specs=[
            pl.BlockSpec((_NC, blk, _D), lambda i: (0, i, 0)),
            pl.BlockSpec((blk, 1), lambda i: (i, 0)),
            pl.BlockSpec((1, _D), lambda i: (0, 0)),
        ],
        out_specs=pl.BlockSpec((blk, _D), lambda i: (i, 0)),
        out_shape=jax.ShapeDtypeStruct((_N, _D), jnp.float32),
    )(p2, nd, b2)


def kernel(inputs, edge_index, W1, b1, W2, b2):
    x = inputs
    edges = edge_index.astype(jnp.int32).reshape(2, _NW, _NCH, _CH)
    b1r = b1.reshape(1, _D)
    b2r = b2.reshape(1, _D)

    degs = _sc_degrees(edges)
    y1, ns, nd = _tc_pre(x, W1, degs)
    p1 = _sc_edge_agg(y1, edges)
    y2 = _tc_mid(p1, ns, nd, b1r, W2)
    p2 = _sc_edge_agg(y2, edges)
    return _tc_post(p2, nd, b2r)

# --- scband reference (transcript-rebuilt; emitter-appended) ---
"""Pipeline reference for scband-gcn-47244640256453 (READ-ONLY COPY).

The authoritative reference and input builder live on the scoring server;
editing this copy changes nothing except your own understanding.
"""

import jax, jax.numpy as jnp
import numpy as np

N_NODES = 10000
N_EDGES = 320000
D_IN = 128
D_HID = 128
D_OUT = 128


def setup_inputs(seed: int = 0) -> dict:
    key = jax.random.key(seed)
    k1, k2, k3, k4, k5, k6 = jax.random.split(key, 6)
    x = jax.random.normal(k1, (N_NODES, D_IN), dtype=jnp.float32)
    edge_index = jax.random.randint(k2, (2, N_EDGES), 0, N_NODES, dtype=jnp.int64)
    # GraphConv layer 1 params (glorot-ish init)
    W1 = jax.random.normal(k3, (D_IN, D_HID), dtype=jnp.float32) * (1.0 / np.sqrt(D_IN))
    b1 = jnp.zeros((D_HID,), dtype=jnp.float32)
    # GraphConv layer 2 params
    W2 = jax.random.normal(k4, (D_HID, D_OUT), dtype=jnp.float32) * (1.0 / np.sqrt(D_HID))
    b2 = jnp.zeros((D_OUT,), dtype=jnp.float32)
    return {"inputs": x, "edge_index": edge_index, "W1": W1, "b1": b1, "W2": W2, "b2": b2}


def _graph_conv(x, src, dst, W, b, n_nodes):
    # DGL GraphConv with norm='both':
    # h = D_in^{-1/2} A D_out^{-1/2} x W + b
    ones = jnp.ones((src.shape[0],), dtype=x.dtype)
    deg_out = jnp.zeros((n_nodes,), dtype=x.dtype).at[src].add(ones)
    deg_in = jnp.zeros((n_nodes,), dtype=x.dtype).at[dst].add(ones)
    norm_src = jnp.where(deg_out > 0, jax.lax.rsqrt(jnp.maximum(deg_out, 1.0)), 0.0)
    norm_dst = jnp.where(deg_in > 0, jax.lax.rsqrt(jnp.maximum(deg_in, 1.0)), 0.0)
    h = x * norm_src[:, None]
    msgs = jnp.take(h, src, axis=0)            # gather over edges
    agg = jnp.zeros((n_nodes, x.shape[1]), dtype=x.dtype).at[dst].add(msgs)  # scatter-add
    agg = agg * norm_dst[:, None]
    return agg @ W + b


def reference(inputs, edge_index, W1, b1, W2, b2):
    src = edge_index[0]
    dst = edge_index[1]
    n = inputs.shape[0]
    h = _graph_conv(inputs, src, dst, W1, b1, n)
    h = jax.nn.relu(h)
    h = _graph_conv(h, src, dst, W2, b2, n)
    h = jax.nn.relu(h)
    return h

if __name__ == "__main__":
    import jax
    _d = setup_inputs()
    print(jax.jit(kernel)(*tuple(_d.values())))

</pallas_src>

<mosaic_0001>
#map = affine_map<(d0, d1) -> (0, 0, 0, 0)>
#map1 = affine_map<(d0, d1) -> (0, 0, 0)>
module attributes {stable_mosaic.version = 14 : i64} {
  func.func @deg_kernel(%arg0: i32, %arg1: i32, %arg2: memref<2x32x80x125xi32, #tpu.memory_space<hbm>>, %arg3: memref<2x2x10240xf32, #tpu.memory_space<hbm>>, %arg4: memref<80x125xi32, #tpu.memory_space<vmem>>, %arg5: memref<80x125xi32, #tpu.memory_space<vmem>>, %arg6: memref<128xf32, #tpu.memory_space<vmem>>, %arg7: memref<640xf32, #tpu.memory_space<vmem>>, %arg8: memref<10240xf32, #tpu.memory_space<vmem_shared>>, %arg9: memref<10240xf32, #tpu.memory_space<vmem_shared>>, %arg10: memref<!tpu.dma_semaphore, #tpu.memory_space<semaphore_mem>>) attributes {dimension_semantics = [#tpu.dimension_semantics<core_parallel>, #tpu.dimension_semantics<subcore_parallel>], iteration_bounds = array<i64: 2, 16>, scalar_prefetch = 0 : i64, scratch_operands = 7 : i64, tpu.core_type = #tpu.core_type<sc_vector_subcore>, window_params = [{transform_indices = #map}, {transform_indices = #map1}]} {
    %mul3A = arith.constant 16 : i32
    %mul3A_0 = arith.muli %arg0, %mul3A : i32
    %add3A = arith.addi %mul3A_0, %arg1 : i32
    %scan3A = arith.constant 0 : i32
    %scan3A_1 = arith.constant 0 : i32
    %scan3A_2 = arith.constant 40 : i32
    %scan3A_3 = arith.addi %scan3A_1, %scan3A_2 : i32
    %scan3A_4 = arith.constant 1 : i32
    %scan3A_5 = scf.for %scan3A_37 = %scan3A_1 to %scan3A_3 step %scan3A_4 iter_args(%scan3A_38 = %scan3A) -> (i32)  : i32 {
      %broadcast_in_dim3A = arith.constant 0.000000e+00 : f32
      %broadcast_in_dim3A_39 = vector.broadcast %broadcast_in_dim3A : f32 to vector<16xf32>
      %mul3A_40 = arith.constant 16 : i32
      %mul3A_41 = arith.muli %scan3A_37, %mul3A_40 : i32
      %swap3A = arith.index_cast %mul3A_41 : i32 to index
      %swap3A_42 = tpu.vector_load %arg7[%swap3A] {strides = array<i32>} : memref<640xf32, #tpu.memory_space<vmem>>, vector<16xf32>,
      %swap3A_43 = vector.shape_cast %swap3A_42 : vector<16xf32> to vector<16xf32>
      %swap3A_44 = vector.shape_cast %broadcast_in_dim3A_39 : vector<16xf32> to vector<16xf32>
      tpu.vector_store %arg7[%swap3A], %swap3A_44 {strides = array<i32>} : memref<640xf32, #tpu.memory_space<vmem>>, vector<16xf32>,
      %scan3A_45 = arith.constant 0 : i32
      scf.yield %scan3A_45 : i32
    }
    %scan3A_6 = arith.constant 40 : i32
    %scan3A_7 = arith.constant 0 : i32
    %scan3A_8 = arith.constant 0 : i32
    %scan3A_9 = arith.constant 8 : i32
    %scan3A_10 = arith.addi %scan3A_8, %scan3A_9 : i32
    %scan3A_11 = arith.constant 1 : i32
    %scan3A_12 = scf.for %scan3A_37 = %scan3A_8 to %scan3A_10 step %scan3A_11 iter_args(%scan3A_38 = %scan3A_7) -> (i32)  : i32 {
      %broadcast_in_dim3A = arith.constant 1.000000e+00 : f32
      %broadcast_in_dim3A_39 = vector.broadcast %broadcast_in_dim3A : f32 to vector<16xf32>
      %mul3A_40 = arith.constant 16 : i32
      %mul3A_41 = arith.muli %scan3A_37, %mul3A_40 : i32
      %swap3A = arith.index_cast %mul3A_41 : i32 to index
      %swap3A_42 = tpu.vector_load %arg6[%swap3A] {strides = array<i32>} : memref<128xf32, #tpu.memory_space<vmem>>, vector<16xf32>,
      %swap3A_43 = vector.shape_cast %swap3A_42 : vector<16xf32> to vector<16xf32>
      %swap3A_44 = vector.shape_cast %broadcast_in_dim3A_39 : vector<16xf32> to vector<16xf32>
      tpu.vector_store %arg6[%swap3A], %swap3A_44 {strides = array<i32>} : memref<128xf32, #tpu.memory_space<vmem>>, vector<16xf32>,
      %scan3A_45 = arith.constant 0 : i32
      scf.yield %scan3A_45 : i32
    }
    %scan3A_13 = arith.constant 8 : i32
    %mul3A_14 = arith.constant 640 : i32
    %mul3A_15 = arith.muli %arg1, %mul3A_14 : i32
    "tpu.region"() ({
      %run_scoped3A_37 = tpu.sem_alloc : memref<!tpu.dma_semaphore, #tpu.memory_space<semaphore_mem>>
      %dma_start3A = tpu.memref_slice %arg8[%mul3A_15] : memref<10240xf32, #tpu.memory_space<vmem_shared>> -> memref<640xf32, #tpu.memory_space<vmem_shared>>
      %dma_start3A_38 = tpu.memref_slice %arg8[%mul3A_15] : memref<10240xf32, #tpu.memory_space<vmem_shared>> -> memref<640xf32, #tpu.memory_space<vmem_shared>>
      tpu.enqueue_dma source(%arg7 : memref<640xf32, #tpu.memory_space<vmem>>) target(%dma_start3A_38 : memref<640xf32, #tpu.memory_space<vmem_shared>>) target_semaphore(%run_scoped3A_37 : memref<!tpu.dma_semaphore, #tpu.memory_space<semaphore_mem>>)
      %dma_wait3A = tpu.memref_slice %arg8[%mul3A_15] : memref<10240xf32, #tpu.memory_space<vmem_shared>> -> memref<640xf32, #tpu.memory_space<vmem_shared>>
      %dma_wait3A_39 = tpu.memref_slice %arg8[%mul3A_15] : memref<10240xf32, #tpu.memory_space<vmem_shared>> -> memref<640xf32, #tpu.memory_space<vmem_shared>>
      tpu.wait_dma2 semaphore(%run_scoped3A_37 : memref<!tpu.dma_semaphore, #tpu.memory_space<semaphore_mem>>) src(%arg7 : memref<640xf32, #tpu.memory_space<vmem>>) dst(%dma_wait3A_39 : memref<640xf32, #tpu.memory_space<vmem_shared>>)
      tpu.yield
    }) : () -> ()
    %mul3A_16 = arith.constant 640 : i32
    %mul3A_17 = arith.muli %arg1, %mul3A_16 : i32
    "tpu.region"() ({
      %run_scoped3A_37 = tpu.sem_alloc : memref<!tpu.dma_semaphore, #tpu.memory_space<semaphore_mem>>
      %dma_start3A = tpu.memref_slice %arg9[%mul3A_17] : memref<10240xf32, #tpu.memory_space<vmem_shared>> -> memref<640xf32, #tpu.memory_space<vmem_shared>>
      %dma_start3A_38 = tpu.memref_slice %arg9[%mul3A_17] : memref<10240xf32, #tpu.memory_space<vmem_shared>> -> memref<640xf32, #tpu.memory_space<vmem_shared>>
      tpu.enqueue_dma source(%arg7 : memref<640xf32, #tpu.memory_space<vmem>>) target(%dma_start3A_38 : memref<640xf32, #tpu.memory_space<vmem_shared>>) target_semaphore(%run_scoped3A_37 : memref<!tpu.dma_semaphore, #tpu.memory_space<semaphore_mem>>)
      %dma_wait3A = tpu.memref_slice %arg9[%mul3A_17] : memref<10240xf32, #tpu.memory_space<vmem_shared>> -> memref<640xf32, #tpu.memory_space<vmem_shared>>
      %dma_wait3A_39 = tpu.memref_slice %arg9[%mul3A_17] : memref<10240xf32, #tpu.memory_space<vmem_shared>> -> memref<640xf32, #tpu.memory_space<vmem_shared>>
      tpu.wait_dma2 semaphore(%run_scoped3A_37 : memref<!tpu.dma_semaphore, #tpu.memory_space<semaphore_mem>>) src(%arg7 : memref<640xf32, #tpu.memory_space<vmem>>) dst(%dma_wait3A_39 : memref<640xf32, #tpu.memory_space<vmem_shared>>)
      tpu.yield
    }) : () -> ()
    %run_scoped3A = arith.constant 0 : i32
    "tpu.region"() ({
      %run_scoped3A_37 = tpu.sem_alloc : memref<!tpu.dma_semaphore, #tpu.memory_space<semaphore_mem>>
      %dma_start3A = arith.constant 0 : i32
      %dma_start3A_38 = arith.constant 0 : i32
      %dma_start3A_39 = tpu.memref_slice %arg2[%run_scoped3A, %add3A, %dma_start3A, %dma_start3A_38] : memref<2x32x80x125xi32, #tpu.memory_space<hbm>> -> memref<1x1x80x125xi32, #tpu.memory_space<hbm>>
      %dma_start3A_40 = tpu.memref_squeeze %dma_start3A_39 : memref<1x1x80x125xi32, #tpu.memory_space<hbm>> -> memref<80x125xi32, #tpu.memory_space<hbm>>
      %dma_start3A_41 = arith.constant 0 : i32
      %dma_start3A_42 = arith.constant 0 : i32
      %dma_start3A_43 = tpu.memref_slice %arg2[%run_scoped3A, %add3A, %dma_start3A_41, %dma_start3A_42] : memref<2x32x80x125xi32, #tpu.memory_space<hbm>> -> memref<1x1x80x125xi32, #tpu.memory_space<hbm>>
      %dma_start3A_44 = tpu.memref_squeeze %dma_start3A_43 : memref<1x1x80x125xi32, #tpu.memory_space<hbm>> -> memref<80x125xi32, #tpu.memory_space<hbm>>
      tpu.enqueue_dma source(%dma_start3A_44 : memref<80x125xi32, #tpu.memory_space<hbm>>) target(%arg4 : memref<80x125xi32, #tpu.memory_space<vmem>>) target_semaphore(%run_scoped3A_37 : memref<!tpu.dma_semaphore, #tpu.memory_space<semaphore_mem>>)
      %dma_wait3A = arith.constant 0 : i32
      %dma_wait3A_45 = arith.constant 0 : i32
      %dma_wait3A_46 = tpu.memref_slice %arg2[%run_scoped3A, %add3A, %dma_wait3A, %dma_wait3A_45] : memref<2x32x80x125xi32, #tpu.memory_space<hbm>> -> memref<1x1x80x125xi32, #tpu.memory_space<hbm>>
      %dma_wait3A_47 = tpu.memref_squeeze %dma_wait3A_46 : memref<1x1x80x125xi32, #tpu.memory_space<hbm>> -> memref<80x125xi32, #tpu.memory_space<hbm>>
      %dma_wait3A_48 = arith.constant 0 : i32
      %dma_wait3A_49 = arith.constant 0 : i32
      %dma_wait3A_50 = tpu.memref_slice %arg2[%run_scoped3A, %add3A, %dma_wait3A_48, %dma_wait3A_49] : memref<2x32x80x125xi32, #tpu.memory_space<hbm>> -> memref<1x1x80x125xi32, #tpu.memory_space<hbm>>
      %dma_wait3A_51 = tpu.memref_squeeze %dma_wait3A_50 : memref<1x1x80x125xi32, #tpu.memory_space<hbm>> -> memref<80x125xi32, #tpu.memory_space<hbm>>
      tpu.wait_dma2 semaphore(%run_scoped3A_37 : memref<!tpu.dma_semaphore, #tpu.memory_space<semaphore_mem>>) src(%dma_wait3A_51 : memref<80x125xi32, #tpu.memory_space<hbm>>) dst(%arg4 : memref<80x125xi32, #tpu.memory_space<vmem>>)
      tpu.yield
    }) : () -> ()
    %run_scoped3A_18 = arith.constant 1 : i32
    "tpu.region"() ({
      %run_scoped3A_37 = tpu.sem_alloc : memref<!tpu.dma_semaphore, #tpu.memory_space<semaphore_mem>>
      %dma_start3A = arith.constant 0 : i32
      %dma_start3A_38 = arith.constant 0 : i32
      %dma_start3A_39 = tpu.memref_slice %arg2[%run_scoped3A_18, %add3A, %dma_start3A, %dma_start3A_38] : memref<2x32x80x125xi32, #tpu.memory_space<hbm>> -> memref<1x1x80x125xi32, #tpu.memory_space<hbm>>
      %dma_start3A_40 = tpu.memref_squeeze %dma_start3A_39 : memref<1x1x80x125xi32, #tpu.memory_space<hbm>> -> memref<80x125xi32, #tpu.memory_space<hbm>>
      %dma_start3A_41 = arith.constant 0 : i32
      %dma_start3A_42 = arith.constant 0 : i32
      %dma_start3A_43 = tpu.memref_slice %arg2[%run_scoped3A_18, %add3A, %dma_start3A_41, %dma_start3A_42] : memref<2x32x80x125xi32, #tpu.memory_space<hbm>> -> memref<1x1x80x125xi32, #tpu.memory_space<hbm>>
      %dma_start3A_44 = tpu.memref_squeeze %dma_start3A_43 : memref<1x1x80x125xi32, #tpu.memory_space<hbm>> -> memref<80x125xi32, #tpu.memory_space<hbm>>
      tpu.enqueue_dma source(%dma_start3A_44 : memref<80x125xi32, #tpu.memory_space<hbm>>) target(%arg5 : memref<80x125xi32, #tpu.memory_space<vmem>>) target_semaphore(%run_scoped3A_37 : memref<!tpu.dma_semaphore, #tpu.memory_space<semaphore_mem>>)
      %dma_wait3A = arith.constant 0 : i32
      %dma_wait3A_45 = arith.constant 0 : i32
      %dma_wait3A_46 = tpu.memref_slice %arg2[%run_scoped3A_18, %add3A, %dma_wait3A, %dma_wait3A_45] : memref<2x32x80x125xi32, #tpu.memory_space<hbm>> -> memref<1x1x80x125xi32, #tpu.memory_space<hbm>>
      %dma_wait3A_47 = tpu.memref_squeeze %dma_wait3A_46 : memref<1x1x80x125xi32, #tpu.memory_space<hbm>> -> memref<80x125xi32, #tpu.memory_space<hbm>>
      %dma_wait3A_48 = arith.constant 0 : i32
      %dma_wait3A_49 = arith.constant 0 : i32
      %dma_wait3A_50 = tpu.memref_slice %arg2[%run_scoped3A_18, %add3A, %dma_wait3A_48, %dma_wait3A_49] : memref<2x32x80x125xi32, #tpu.memory_space<hbm>> -> memref<1x1x80x125xi32, #tpu.memory_space<hbm>>
      %dma_wait3A_51 = tpu.memref_squeeze %dma_wait3A_50 : memref<1x1x80x125xi32, #tpu.memory_space<hbm>> -> memref<80x125xi32, #tpu.memory_space<hbm>>
      tpu.wait_dma2 semaphore(%run_scoped3A_37 : memref<!tpu.dma_semaphore, #tpu.memory_space<semaphore_mem>>) src(%dma_wait3A_51 : memref<80x125xi32, #tpu.memory_space<hbm>>) dst(%arg5 : memref<80x125xi32, #tpu.memory_space<vmem>>)
      tpu.yield
    }) : () -> ()
    %barrier3A = arith.constant 0 : index
    tpu.barrier barrier_id(%barrier3A)
    %scan3A_19 = arith.constant 0 : i32
    %scan3A_20 = arith.constant 0 : i32
    %scan3A_21 = arith.constant 20 : i32
    %scan3A_22 = arith.addi %scan3A_20, %scan3A_21 : i32
    %scan3A_23 = arith.constant 1 : i32
    %scan3A_24 = scf.for %scan3A_37 = %scan3A_20 to %scan3A_22 step %scan3A_23 iter_args(%scan3A_38 = %scan3A_19) -> (i32)  : i32 {
      %mul3A_39 = arith.constant 4 : i32
      %mul3A_40 = arith.muli %scan3A_37, %mul3A_39 : i32
      %add3A_41 = arith.constant 0 : i32
      %add3A_42 = arith.addi %mul3A_40, %add3A_41 : i32
      %dma_start3A = arith.constant 0 : i32
      %dma_start3A_43 = tpu.memref_slice %arg6[%dma_start3A] : memref<128xf32, #tpu.memory_space<vmem>> -> memref<125xf32, #tpu.memory_space<vmem>>
      %dma_start3A_44 = arith.constant 0 : i32
      %dma_start3A_45 = tpu.memref_slice %arg4[%add3A_42, %dma_start3A_44] : memref<80x125xi32, #tpu.memory_space<vmem>> -> memref<1x125xi32, #tpu.memory_space<vmem>>
      %dma_start3A_46 = tpu.memref_squeeze %dma_start3A_45 : memref<1x125xi32, #tpu.memory_space<vmem>> -> memref<125xi32, #tpu.memory_space<vmem>>
      %dma_start3A_47 = arith.constant 0 : i32
      %dma_start3A_48 = tpu.memref_slice %arg8[%dma_start3A_47] : memref<10240xf32, #tpu.memory_space<vmem_shared>> -> memref<10240xf32, #tpu.memory_space<vmem_shared>>
      tpu.enqueue_indirect_dma source(%dma_start3A_43 : memref<125xf32, #tpu.memory_space<vmem>>) target(%dma_start3A_48 : memref<10240xf32, #tpu.memory_space<vmem_shared>>) offsets(%dma_start3A_46 : memref<125xi32, #tpu.memory_space<vmem>>) semaphore(%arg10 : memref<!tpu.dma_semaphore, #tpu.memory_space<semaphore_mem>>) {add = true}
      %dma_start3A_49 = arith.constant 0 : i32
      %dma_start3A_50 = tpu.memref_slice %arg6[%dma_start3A_49] : memref<128xf32, #tpu.memory_space<vmem>> -> memref<125xf32, #tpu.memory_space<vmem>>
      %dma_start3A_51 = arith.constant 0 : i32
      %dma_start3A_52 = tpu.memref_slice %arg5[%add3A_42, %dma_start3A_51] : memref<80x125xi32, #tpu.memory_space<vmem>> -> memref<1x125xi32, #tpu.memory_space<vmem>>
      %dma_start3A_53 = tpu.memref_squeeze %dma_start3A_52 : memref<1x125xi32, #tpu.memory_space<vmem>> -> memref<125xi32, #tpu.memory_space<vmem>>
      %dma_start3A_54 = arith.constant 0 : i32
      %dma_start3A_55 = tpu.memref_slice %arg9[%dma_start3A_54] : memref<10240xf32, #tpu.memory_space<vmem_shared>> -> memref<10240xf32, #tpu.memory_space<vmem_shared>>
      tpu.enqueue_indirect_dma source(%dma_start3A_50 : memref<125xf32, #tpu.memory_space<vmem>>) target(%dma_start3A_55 : memref<10240xf32, #tpu.memory_space<vmem_shared>>) offsets(%dma_start3A_53 : memref<125xi32, #tpu.memory_space<vmem>>) semaphore(%arg10 : memref<!tpu.dma_semaphore, #tpu.memory_space<semaphore_mem>>) {add = true}
      %mul3A_56 = arith.constant 4 : i32
      %mul3A_57 = arith.muli %scan3A_37, %mul3A_56 : i32
      %add3A_58 = arith.constant 1 : i32
      %add3A_59 = arith.addi %mul3A_57, %add3A_58 : i32
      %dma_start3A_60 = arith.constant 0 : i32
      %dma_start3A_61 = tpu.memref_slice %arg6[%dma_start3A_60] : memref<128xf32, #tpu.memory_space<vmem>> -> memref<125xf32, #tpu.memory_space<vmem>>
      %dma_start3A_62 = arith.constant 0 : i32
      %dma_start3A_63 = tpu.memref_slice %arg4[%add3A_59, %dma_start3A_62] : memref<80x125xi32, #tpu.memory_space<vmem>> -> memref<1x125xi32, #tpu.memory_space<vmem>>
      %dma_start3A_64 = tpu.memref_squeeze %dma_start3A_63 : memref<1x125xi32, #tpu.memory_space<vmem>> -> memref<125xi32, #tpu.memory_space<vmem>>
      %dma_start3A_65 = arith.constant 0 : i32
      %dma_start3A_66 = tpu.memref_slice %arg8[%dma_start3A_65] : memref<10240xf32, #tpu.memory_space<vmem_shared>> -> memref<10240xf32, #tpu.memory_space<vmem_shared>>
      tpu.enqueue_indirect_dma source(%dma_start3A_61 : memref<125xf32, #tpu.memory_space<vmem>>) target(%dma_start3A_66 : memref<10240xf32, #tpu.memory_space<vmem_shared>>) offsets(%dma_start3A_64 : memref<125xi32, #tpu.memory_space<vmem>>) semaphore(%arg10 : memref<!tpu.dma_semaphore, #tpu.memory_space<semaphore_mem>>) {add = true}
      %dma_start3A_67 = arith.constant 0 : i32
      %dma_start3A_68 = tpu.memref_slice %arg6[%dma_start3A_67] : memref<128xf32, #tpu.memory_space<vmem>> -> memref<125xf32, #tpu.memory_space<vmem>>
      %dma_start3A_69 = arith.constant 0 : i32
      %dma_start3A_70 = tpu.memref_slice %arg5[%add3A_59, %dma_start3A_69] : memref<80x125xi32, #tpu.memory_space<vmem>> -> memref<1x125xi32, #tpu.memory_space<vmem>>
      %dma_start3A_71 = tpu.memref_squeeze %dma_start3A_70 : memref<1x125xi32, #tpu.memory_space<vmem>> -> memref<125xi32, #tpu.memory_space<vmem>>
      %dma_start3A_72 = arith.constant 0 : i32
      %dma_start3A_73 = tpu.memref_slice %arg9[%dma_start3A_72] : memref<10240xf32, #tpu.memory_space<vmem_shared>> -> memref<10240xf32, #tpu.memory_space<vmem_shared>>
      tpu.enqueue_indirect_dma source(%dma_start3A_68 : memref<125xf32, #tpu.memory_space<vmem>>) target(%dma_start3A_73 : memref<10240xf32, #tpu.memory_space<vmem_shared>>) offsets(%dma_start3A_71 : memref<125xi32, #tpu.memory_space<vmem>>) semaphore(%arg10 : memref<!tpu.dma_semaphore, #tpu.memory_space<semaphore_mem>>) {add = true}
      %mul3A_74 = arith.constant 4 : i32
      %mul3A_75 = arith.muli %scan3A_37, %mul3A_74 : i32
      %add3A_76 = arith.constant 2 : i32
      %add3A_77 = arith.addi %mul3A_75, %add3A_76 : i32
      %dma_start3A_78 = arith.constant 0 : i32
      %dma_start3A_79 = tpu.memref_slice %arg6[%dma_start3A_78] : memref<128xf32, #tpu.memory_space<vmem>> -> memref<125xf32, #tpu.memory_space<vmem>>
      %dma_start3A_80 = arith.constant 0 : i32
      %dma_start3A_81 = tpu.memref_slice %arg4[%add3A_77, %dma_start3A_80] : memref<80x125xi32, #tpu.memory_space<vmem>> -> memref<1x125xi32, #tpu.memory_space<vmem>>
      %dma_start3A_82 = tpu.memref_squeeze %dma_start3A_81 : memref<1x125xi32, #tpu.memory_space<vmem>> -> memref<125xi32, #tpu.memory_space<vmem>>
      %dma_start3A_83 = arith.constant 0 : i32
      %dma_start3A_84 = tpu.memref_slice %arg8[%dma_start3A_83] : memref<10240xf32, #tpu.memory_space<vmem_shared>> -> memref<10240xf32, #tpu.memory_space<vmem_shared>>
      tpu.enqueue_indirect_dma source(%dma_start3A_79 : memref<125xf32, #tpu.memory_space<vmem>>) target(%dma_start3A_84 : memref<10240xf32, #tpu.memory_space<vmem_shared>>) offsets(%dma_start3A_82 : memref<125xi32, #tpu.memory_space<vmem>>) semaphore(%arg10 : memref<!tpu.dma_semaphore, #tpu.memory_space<semaphore_mem>>) {add = true}
      %dma_start3A_85 = arith.constant 0 : i32
      %dma_start3A_86 = tpu.memref_slice %arg6[%dma_start3A_85] : memref<128xf32, #tpu.memory_space<vmem>> -> memref<125xf32, #tpu.memory_space<vmem>>
      %dma_start3A_87 = arith.constant 0 : i32
      %dma_start3A_88 = tpu.memref_slice %arg5[%add3A_77, %dma_start3A_87] : memref<80x125xi32, #tpu.memory_space<vmem>> -> memref<1x125xi32, #tpu.memory_space<vmem>>
      %dma_start3A_89 = tpu.memref_squeeze %dma_start3A_88 : memref<1x125xi32, #tpu.memory_space<vmem>> -> memref<125xi32, #tpu.memory_space<vmem>>
      %dma_start3A_90 = arith.constant 0 : i32
      %dma_start3A_91 = tpu.memref_slice %arg9[%dma_start3A_90] : memref<10240xf32, #tpu.memory_space<vmem_shared>> -> memref<10240xf32, #tpu.memory_space<vmem_shared>>
      tpu.enqueue_indirect_dma source(%dma_start3A_86 : memref<125xf32, #tpu.memory_space<vmem>>) target(%dma_start3A_91 : memref<10240xf32, #tpu.memory_space<vmem_shared>>) offsets(%dma_start3A_89 : memref<125xi32, #tpu.memory_space<vmem>>) semaphore(%arg10 : memref<!tpu.dma_semaphore, #tpu.memory_space<semaphore_mem>>) {add = true}
      %mul3A_92 = arith.constant 4 : i32
      %mul3A_93 = arith.muli %scan3A_37, %mul3A_92 : i32
      %add3A_94 = arith.constant 3 : i32
      %add3A_95 = arith.addi %mul3A_93, %add3A_94 : i32
      %dma_start3A_96 = arith.constant 0 : i32
      %dma_start3A_97 = tpu.memref_slice %arg6[%dma_start3A_96] : memref<128xf32, #tpu.memory_space<vmem>> -> memref<125xf32, #tpu.memory_space<vmem>>
      %dma_start3A_98 = arith.constant 0 : i32
      %dma_start3A_99 = tpu.memref_slice %arg4[%add3A_95, %dma_start3A_98] : memref<80x125xi32, #tpu.memory_space<vmem>> -> memref<1x125xi32, #tpu.memory_space<vmem>>
      %dma_start3A_100 = tpu.memref_squeeze %dma_start3A_99 : memref<1x125xi32, #tpu.memory_space<vmem>> -> memref<125xi32, #tpu.memory_space<vmem>>
      %dma_start3A_101 = arith.constant 0 : i32
      %dma_start3A_102 = tpu.memref_slice %arg8[%dma_start3A_101] : memref<10240xf32, #tpu.memory_space<vmem_shared>> -> memref<10240xf32, #tpu.memory_space<vmem_shared>>
      tpu.enqueue_indirect_dma source(%dma_start3A_97 : memref<125xf32, #tpu.memory_space<vmem>>) target(%dma_start3A_102 : memref<10240xf32, #tpu.memory_space<vmem_shared>>) offsets(%dma_start3A_100 : memref<125xi32, #tpu.memory_space<vmem>>) semaphore(%arg10 : memref<!tpu.dma_semaphore, #tpu.memory_space<semaphore_mem>>) {add = true}
      %dma_start3A_103 = arith.constant 0 : i32
      %dma_start3A_104 = tpu.memref_slice %arg6[%dma_start3A_103] : memref<128xf32, #tpu.memory_space<vmem>> -> memref<125xf32, #tpu.memory_space<vmem>>
      %dma_start3A_105 = arith.constant 0 : i32
      %dma_start3A_106 = tpu.memref_slice %arg5[%add3A_95, %dma_start3A_105] : memref<80x125xi32, #tpu.memory_space<vmem>> -> memref<1x125xi32, #tpu.memory_space<vmem>>
      %dma_start3A_107 = tpu.memref_squeeze %dma_start3A_106 : memref<1x125xi32, #tpu.memory_space<vmem>> -> memref<125xi32, #tpu.memory_space<vmem>>
      %dma_start3A_108 = arith.constant 0 : i32
      %dma_start3A_109 = tpu.memref_slice %arg9[%dma_start3A_108] : memref<10240xf32, #tpu.memory_space<vmem_shared>> -> memref<10240xf32, #tpu.memory_space<vmem_shared>>
      tpu.enqueue_indirect_dma source(%dma_start3A_104 : memref<125xf32, #tpu.memory_space<vmem>>) target(%dma_start3A_109 : memref<10240xf32, #tpu.memory_space<vmem_shared>>) offsets(%dma_start3A_107 : memref<125xi32, #tpu.memory_space<vmem>>) semaphore(%arg10 : memref<!tpu.dma_semaphore, #tpu.memory_space<semaphore_mem>>) {add = true}
      %dma_wait3A = arith.constant 0 : i32
      %dma_wait3A_110 = arith.constant 0 : i32
      %dma_wait3A_111 = tpu.memref_slice %arg6[%dma_wait3A_110] : memref<128xf32, #tpu.memory_space<vmem>> -> memref<125xf32, #tpu.memory_space<vmem>>
      %dma_wait3A_112 = arith.constant 0 : i32
      %dma_wait3A_113 = tpu.memref_slice %arg4[%dma_wait3A, %dma_wait3A_112] : memref<80x125xi32, #tpu.memory_space<vmem>> -> memref<1x125xi32, #tpu.memory_space<vmem>>
      %dma_wait3A_114 = tpu.memref_squeeze %dma_wait3A_113 : memref<1x125xi32, #tpu.memory_space<vmem>> -> memref<125xi32, #tpu.memory_space<vmem>>
      %dma_wait3A_115 = arith.constant 0 : i32
      %dma_wait3A_116 = tpu.memref_slice %arg8[%dma_wait3A_115] : memref<10240xf32, #tpu.memory_space<vmem_shared>> -> memref<10240xf32, #tpu.memory_space<vmem_shared>>
      tpu.wait_indirect_dma semaphore(%arg10 : memref<!tpu.dma_semaphore, #tpu.memory_space<semaphore_mem>>) src(%dma_wait3A_111 : memref<125xf32, #tpu.memory_space<vmem>>) dst(%dma_wait3A_116 : memref<10240xf32, #tpu.memory_space<vmem_shared>>)
      %dma_wait3A_117 = arith.constant 0 : i32
      %dma_wait3A_118 = arith.constant 0 : i32
      %dma_wait3A_119 = tpu.memref_slice %arg6[%dma_wait3A_118] : memref<128xf32, #tpu.memory_space<vmem>> -> memref<125xf32, #tpu.memory_space<vmem>>
      %dma_wait3A_120 = arith.constant 0 : i32
      %dma_wait3A_121 = tpu.memref_slice %arg4[%dma_wait3A_117, %dma_wait3A_120] : memref<80x125xi32, #tpu.memory_space<vmem>> -> memref<1x125xi32, #tpu.memory_space<vmem>>
      %dma_wait3A_122 = tpu.memref_squeeze %dma_wait3A_121 : memref<1x125xi32, #tpu.memory_space<vmem>> -> memref<125xi32, #tpu.memory_space<vmem>>
      %dma_wait3A_123 = arith.constant 0 : i32
      %dma_wait3A_124 = tpu.memref_slice %arg8[%dma_wait3A_123] : memref<10240xf32, #tpu.memory_space<vmem_shared>> -> memref<10240xf32, #tpu.memory_space<vmem_shared>>
      tpu.wait_indirect_dma semaphore(%arg10 : memref<!tpu.dma_semaphore, #tpu.memory_space<semaphore_mem>>) src(%dma_wait3A_119 : memref<125xf32, #tpu.memory_space<vmem>>) dst(%dma_wait3A_124 : memref<10240xf32, #tpu.memory_space<vmem_shared>>)
      %dma_wait3A_125 = arith.constant 0 : i32
      %dma_wait3A_126 = arith.constant 0 : i32
      %dma_wait3A_127 = tpu.memref_slice %arg6[%dma_wait3A_126] : memref<128xf32, #tpu.memory_space<vmem>> -> memref<125xf32, #tpu.memory_space<vmem>>
      %dma_wait3A_128 = arith.constant 0 : i32
      %dma_wait3A_129 = tpu.memref_slice %arg4[%dma_wait3A_125, %dma_wait3A_128] : memref<80x125xi32, #tpu.memory_space<vmem>> -> memref<1x125xi32, #tpu.memory_space<vmem>>
      %dma_wait3A_130 = tpu.memref_squeeze %dma_wait3A_129 : memref<1x125xi32, #tpu.memory_space<vmem>> -> memref<125xi32, #tpu.memory_space<vmem>>
      %dma_wait3A_131 = arith.constant 0 : i32
      %dma_wait3A_132 = tpu.memref_slice %arg8[%dma_wait3A_131] : memref<10240xf32, #tpu.memory_space<vmem_shared>> -> memref<10240xf32, #tpu.memory_space<vmem_shared>>
      tpu.wait_indirect_dma semaphore(%arg10 : memref<!tpu.dma_semaphore, #tpu.memory_space<semaphore_mem>>) src(%dma_wait3A_127 : memref<125xf32, #tpu.memory_space<vmem>>) dst(%dma_wait3A_132 : memref<10240xf32, #tpu.memory_space<vmem_shared>>)
      %dma_wait3A_133 = arith.constant 0 : i32
      %dma_wait3A_134 = arith.constant 0 : i32
      %dma_wait3A_135 = tpu.memref_slice %arg6[%dma_wait3A_134] : memref<128xf32, #tpu.memory_space<vmem>> -> memref<125xf32, #tpu.memory_space<vmem>>
      %dma_wait3A_136 = arith.constant 0 : i32
      %dma_wait3A_137 = tpu.memref_slice %arg4[%dma_wait3A_133, %dma_wait3A_136] : memref<80x125xi32, #tpu.memory_space<vmem>> -> memref<1x125xi32, #tpu.memory_space<vmem>>
      %dma_wait3A_138 = tpu.memref_squeeze %dma_wait3A_137 : memref<1x125xi32, #tpu.memory_space<vmem>> -> memref<125xi32, #tpu.memory_space<vmem>>
      %dma_wait3A_139 = arith.constant 0 : i32
      %dma_wait3A_140 = tpu.memref_slice %arg8[%dma_wait3A_139] : memref<10240xf32, #tpu.memory_space<vmem_shared>> -> memref<10240xf32, #tpu.memory_space<vmem_shared>>
      tpu.wait_indirect_dma semaphore(%arg10 : memref<!tpu.dma_semaphore, #tpu.memory_space<semaphore_mem>>) src(%dma_wait3A_135 : memref<125xf32, #tpu.memory_space<vmem>>) dst(%dma_wait3A_140 : memref<10240xf32, #tpu.memory_space<vmem_shared>>)
      %dma_wait3A_141 = arith.constant 0 : i32
      %dma_wait3A_142 = arith.constant 0 : i32
      %dma_wait3A_143 = tpu.memref_slice %arg6[%dma_wait3A_142] : memref<128xf32, #tpu.memory_space<vmem>> -> memref<125xf32, #tpu.memory_space<vmem>>
      %dma_wait3A_144 = arith.constant 0 : i32
      %dma_wait3A_145 = tpu.memref_slice %arg4[%dma_wait3A_141, %dma_wait3A_144] : memref<80x125xi32, #tpu.memory_space<vmem>> -> memref<1x125xi32, #tpu.memory_space<vmem>>
      %dma_wait3A_146 = tpu.memref_squeeze %dma_wait3A_145 : memref<1x125xi32, #tpu.memory_space<vmem>> -> memref<125xi32, #tpu.memory_space<vmem>>
      %dma_wait3A_147 = arith.constant 0 : i32
      %dma_wait3A_148 = tpu.memref_slice %arg8[%dma_wait3A_147] : memref<10240xf32, #tpu.memory_space<vmem_shared>> -> memref<10240xf32, #tpu.memory_space<vmem_shared>>
      tpu.wait_indirect_dma semaphore(%arg10 : memref<!tpu.dma_semaphore, #tpu.memory_space<semaphore_mem>>) src(%dma_wait3A_143 : memref<125xf32, #tpu.memory_space<vmem>>) dst(%dma_wait3A_148 : memref<10240xf32, #tpu.memory_space<vmem_shared>>)
      %dma_wait3A_149 = arith.constant 0 : i32
      %dma_wait3A_150 = arith.constant 0 : i32
      %dma_wait3A_151 = tpu.memref_slice %arg6[%dma_wait3A_150] : memref<128xf32, #tpu.memory_space<vmem>> -> memref<125xf32, #tpu.memory_space<vmem>>
      %dma_wait3A_152 = arith.constant 0 : i32
      %dma_wait3A_153 = tpu.memref_slice %arg4[%dma_wait3A_149, %dma_wait3A_152] : memref<80x125xi32, #tpu.memory_space<vmem>> -> memref<1x125xi32, #tpu.memory_space<vmem>>
      %dma_wait3A_154 = tpu.memref_squeeze %dma_wait3A_153 : memref<1x125xi32, #tpu.memory_space<vmem>> -> memref<125xi32, #tpu.memory_space<vmem>>
      %dma_wait3A_155 = arith.constant 0 : i32
      %dma_wait3A_156 = tpu.memref_slice %arg8[%dma_wait3A_155] : memref<10240xf32, #tpu.memory_space<vmem_shared>> -> memref<10240xf32, #tpu.memory_space<vmem_shared>>
      tpu.wait_indirect_dma semaphore(%arg10 : memref<!tpu.dma_semaphore, #tpu.memory_space<semaphore_mem>>) src(%dma_wait3A_151 : memref<125xf32, #tpu.memory_space<vmem>>) dst(%dma_wait3A_156 : memref<10240xf32, #tpu.memory_space<vmem_shared>>)
      %dma_wait3A_157 = arith.constant 0 : i32
      %dma_wait3A_158 = arith.constant 0 : i32
      %dma_wait3A_159 = tpu.memref_slice %arg6[%dma_wait3A_158] : memref<128xf32, #tpu.memory_space<vmem>> -> memref<125xf32, #tpu.memory_space<vmem>>
      %dma_wait3A_160 = arith.constant 0 : i32
      %dma_wait3A_161 = tpu.memref_slice %arg4[%dma_wait3A_157, %dma_wait3A_160] : memref<80x125xi32, #tpu.memory_space<vmem>> -> memref<1x125xi32, #tpu.memory_space<vmem>>
      %dma_wait3A_162 = tpu.memref_squeeze %dma_wait3A_161 : memref<1x125xi32, #tpu.memory_space<vmem>> -> memref<125xi32, #tpu.memory_space<vmem>>
      %dma_wait3A_163 = arith.constant 0 : i32
      %dma_wait3A_164 = tpu.memref_slice %arg8[%dma_wait3A_163] : memref<10240xf32, #tpu.memory_space<vmem_shared>> -> memref<10240xf32, #tpu.memory_space<vmem_shared>>
      tpu.wait_indirect_dma semaphore(%arg10 : memref<!tpu.dma_semaphore, #tpu.memory_space<semaphore_mem>>) src(%dma_wait3A_159 : memref<125xf32, #tpu.memory_space<vmem>>) dst(%dma_wait3A_164 : memref<10240xf32, #tpu.memory_space<vmem_shared>>)
      %dma_wait3A_165 = arith.constant 0 : i32
      %dma_wait3A_166 = arith.constant 0 : i32
      %dma_wait3A_167 = tpu.memref_slice %arg6[%dma_wait3A_166] : memref<128xf32, #tpu.memory_space<vmem>> -> memref<125xf32, #tpu.memory_space<vmem>>
      %dma_wait3A_168 = arith.constant 0 : i32
      %dma_wait3A_169 = tpu.memref_slice %arg4[%dma_wait3A_165, %dma_wait3A_168] : memref<80x125xi32, #tpu.memory_space<vmem>> -> memref<1x125xi32, #tpu.memory_space<vmem>>
      %dma_wait3A_170 = tpu.memref_squeeze %dma_wait3A_169 : memref<1x125xi32, #tpu.memory_space<vmem>> -> memref<125xi32, #tpu.memory_space<vmem>>
      %dma_wait3A_171 = arith.constant 0 : i32
      %dma_wait3A_172 = tpu.memref_slice %arg8[%dma_wait3A_171] : memref<10240xf32, #tpu.memory_space<vmem_shared>> -> memref<10240xf32, #tpu.memory_space<vmem_shared>>
      tpu.wait_indirect_dma semaphore(%arg10 : memref<!tpu.dma_semaphore, #tpu.memory_space<semaphore_mem>>) src(%dma_wait3A_167 : memref<125xf32, #tpu.memory_space<vmem>>) dst(%dma_wait3A_172 : memref<10240xf32, #tpu.memory_space<vmem_shared>>)
      %scan3A_173 = arith.constant 0 : i32
      scf.yield %scan3A_173 : i32
    }
    %scan3A_25 = arith.constant 20 : i32
    %barrier3A_26 = arith.constant 0 : index
    tpu.barrier barrier_id(%barrier3A_26)
    %mul3A_27 = arith.constant 640 : i32
    %mul3A_28 = arith.muli %arg1, %mul3A_27 : i32
    %mul3A_29 = arith.constant 640 : i32
    %mul3A_30 = arith.muli %arg1, %mul3A_29 : i32
    %run_scoped3A_31 = arith.constant 0 : i32
    "tpu.region"() ({
      %run_scoped3A_37 = tpu.sem_alloc : memref<!tpu.dma_semaphore, #tpu.memory_space<semaphore_mem>>
      %dma_start3A = tpu.memref_slice %arg3[%arg0, %run_scoped3A_31, %mul3A_30] : memref<2x2x10240xf32, #tpu.memory_space<hbm>> -> memref<1x1x640xf32, #tpu.memory_space<hbm>>
      %dma_start3A_38 = tpu.memref_squeeze %dma_start3A : memref<1x1x640xf32, #tpu.memory_space<hbm>> -> memref<640xf32, #tpu.memory_space<hbm>>
      %dma_start3A_39 = tpu.memref_slice %arg8[%mul3A_28] : memref<10240xf32, #tpu.memory_space<vmem_shared>> -> memref<640xf32, #tpu.memory_space<vmem_shared>>
      tpu.enqueue_dma source(%dma_start3A_39 : memref<640xf32, #tpu.memory_space<vmem_shared>>) target(%dma_start3A_38 : memref<640xf32, #tpu.memory_space<hbm>>) target_semaphore(%run_scoped3A_37 : memref<!tpu.dma_semaphore, #tpu.memory_space<semaphore_mem>>)
      %dma_wait3A = tpu.memref_slice %arg3[%arg0, %run_scoped3A_31, %mul3A_30] : memref<2x2x10240xf32, #tpu.memory_space<hbm>> -> memref<1x1x640xf32, #tpu.memory_space<hbm>>
      %dma_wait3A_40 = tpu.memref_squeeze %dma_wait3A : memref<1x1x640xf32, #tpu.memory_space<hbm>> -> memref<640xf32, #tpu.memory_space<hbm>>
      %dma_wait3A_41 = tpu.memref_slice %arg8[%mul3A_28] : memref<10240xf32, #tpu.memory_space<vmem_shared>> -> memref<640xf32, #tpu.memory_space<vmem_shared>>
      tpu.wait_dma2 semaphore(%run_scoped3A_37 : memref<!tpu.dma_semaphore, #tpu.memory_space<semaphore_mem>>) src(%dma_wait3A_41 : memref<640xf32, #tpu.memory_space<vmem_shared>>) dst(%dma_wait3A_40 : memref<640xf32, #tpu.memory_space<hbm>>)
      tpu.yield
    }) : () -> ()
    %mul3A_32 = arith.constant 640 : i32
    %mul3A_33 = arith.muli %arg1, %mul3A_32 : i32
    %mul3A_34 = arith.constant 640 : i32
    %mul3A_35 = arith.muli %arg1, %mul3A_34 : i32
    %run_scoped3A_36 = arith.constant 1 : i32
    "tpu.region"() ({
      %run_scoped3A_37 = tpu.sem_alloc : memref<!tpu.dma_semaphore, #tpu.memory_space<semaphore_mem>>
      %dma_start3A = tpu.memref_slice %arg3[%arg0, %run_scoped3A_36, %mul3A_35] : memref<2x2x10240xf32, #tpu.memory_space<hbm>> -> memref<1x1x640xf32, #tpu.memory_space<hbm>>
      %dma_start3A_38 = tpu.memref_squeeze %dma_start3A : memref<1x1x640xf32, #tpu.memory_space<hbm>> -> memref<640xf32, #tpu.memory_space<hbm>>
      %dma_start3A_39 = tpu.memref_slice %arg9[%mul3A_33] : memref<10240xf32, #tpu.memory_space<vmem_shared>> -> memref<640xf32, #tpu.memory_space<vmem_shared>>
      tpu.enqueue_dma source(%dma_start3A_39 : memref<640xf32, #tpu.memory_space<vmem_shared>>) target(%dma_start3A_38 : memref<640xf32, #tpu.memory_space<hbm>>) target_semaphore(%run_scoped3A_37 : memref<!tpu.dma_semaphore, #tpu.memory_space<semaphore_mem>>)
      %dma_wait3A = tpu.memref_slice %arg3[%arg0, %run_scoped3A_36, %mul3A_35] : memref<2x2x10240xf32, #tpu.memory_space<hbm>> -> memref<1x1x640xf32, #tpu.memory_space<hbm>>
      %dma_wait3A_40 = tpu.memref_squeeze %dma_wait3A : memref<1x1x640xf32, #tpu.memory_space<hbm>> -> memref<640xf32, #tpu.memory_space<hbm>>
      %dma_wait3A_41 = tpu.memref_slice %arg9[%mul3A_33] : memref<10240xf32, #tpu.memory_space<vmem_shared>> -> memref<640xf32, #tpu.memory_space<vmem_shared>>
      tpu.wait_dma2 semaphore(%run_scoped3A_37 : memref<!tpu.dma_semaphore, #tpu.memory_space<semaphore_mem>>) src(%dma_wait3A_41 : memref<640xf32, #tpu.memory_space<vmem_shared>>) dst(%dma_wait3A_40 : memref<640xf32, #tpu.memory_space<hbm>>)
      tpu.yield
    }) : () -> ()
    return
  }
}

#map = affine_map<(d0, d1) -> (0, 0)>
#map1 = affine_map<(d0, d1) -> (0, 0, 0, 0)>
#map2 = affine_map<(d0, d1) -> (0, 0, 0)>
module attributes {stable_mosaic.version = 14 : i64} {
  func.func @agg_kernel(%arg0: i32, %arg1: i32, %arg2: memref<10000x128xf32, #tpu.memory_space<hbm>>, %arg3: memref<2x32x80x125xi32, #tpu.memory_space<hbm>>, %arg4: memref<2x10240x128xf32, #tpu.memory_space<hbm>>, %arg5: memref<40x125xi32, #tpu.memory_space<vmem>>, %arg6: memref<40x125xi32, #tpu.memory_space<vmem>>, %arg7: memref<128x128xf32, #tpu.memory_space<vmem>>, %arg8: memref<128x128xf32, #tpu.memory_space<vmem>>, %arg9: memref<10240x128xf32, #tpu.memory_space<vmem_shared>>, %arg10: memref<!tpu.dma_semaphore, #tpu.memory_space<semaphore_mem>>, %arg11: memref<!tpu.dma_semaphore, #tpu.memory_space<semaphore_mem>>) attributes {dimension_semantics = [#tpu.dimension_semantics<core_parallel>, #tpu.dimension_semantics<subcore_parallel>], iteration_bounds = array<i64: 2, 16>, scalar_prefetch = 0 : i64, scratch_operands = 7 : i64, tpu.core_type = #tpu.core_type<sc_vector_subcore>, window_params = [{transform_indices = #map}, {transform_indices = #map1}, {transform_indices = #map2}]} {
    %mul3A = arith.constant 16 : i32
    %mul3A_0 = arith.muli %arg0, %mul3A : i32
    %add3A = arith.addi %mul3A_0, %arg1 : i32
    "tpu.trace_start"() <{level = 10 : i32, message = "agg_clear"}> : () -> ()
    %scan3A = arith.constant 0 : i32
    %scan3A_1 = arith.constant 0 : i32
    %scan3A_2 = arith.constant 1024 : i32
    %scan3A_3 = arith.addi %scan3A_1, %scan3A_2 : i32
    %scan3A_4 = arith.constant 1 : i32
    %scan3A_5 = scf.for %scan3A_78 = %scan3A_1 to %scan3A_3 step %scan3A_4 iter_args(%scan3A_79 = %scan3A) -> (i32)  : i32 {
      %broadcast_in_dim3A = arith.constant 0.000000e+00 : f32
      %broadcast_in_dim3A_80 = vector.broadcast %broadcast_in_dim3A : f32 to vector<16xf32>
      %jit3A = arith.constant 8 : i32
      %div3A = arith.divsi %scan3A_78, %jit3A : i32
      %sign3A = arith.constant 0 : i32
      %sign3A_81 = arith.cmpi sgt, %scan3A_78, %sign3A : i32
      %sign3A_82 = arith.extui %sign3A_81 : i1 to i32
      %sign3A_83 = arith.constant 0 : i32
      %sign3A_84 = arith.cmpi slt, %scan3A_78, %sign3A_83 : i32
      %sign3A_85 = arith.extui %sign3A_84 : i1 to i32
      %sign3A_86 = arith.subi %sign3A_82, %sign3A_85 : i32
      %sign3A_87 = arith.constant 0 : i32
      %sign3A_88 = arith.cmpi sgt, %jit3A, %sign3A_87 : i32
      %sign3A_89 = arith.extui %sign3A_88 : i1 to i32
      %sign3A_90 = arith.constant 0 : i32
      %sign3A_91 = arith.cmpi slt, %jit3A, %sign3A_90 : i32
      %sign3A_92 = arith.extui %sign3A_91 : i1 to i32
      %sign3A_93 = arith.subi %sign3A_89, %sign3A_92 : i32
      %ne3A = arith.cmpi ne, %sign3A_86, %sign3A_93 : i32
      %rem3A = arith.remsi %scan3A_78, %jit3A : i32
      %ne3A_94 = arith.constant 0 : i32
      %ne3A_95 = arith.cmpi ne, %rem3A, %ne3A_94 : i32
      %and3A = arith.andi %ne3A, %ne3A_95 : i1
      %sub3A = arith.constant 1 : i32
      %sub3A_96 = arith.subi %div3A, %sub3A : i32
      %select_n3A = arith.select %and3A, %sub3A_96, %div3A : i32
      %jit3A_97 = arith.constant 8 : i32
      %eq3A = arith.constant 0 : i32
      %eq3A_98 = arith.cmpi eq, %jit3A_97, %eq3A : i32
      %jit3A_99 = arith.constant 1 : i32
      %select_n3A_100 = arith.select %eq3A_98, %jit3A_99, %jit3A_97 : i32
      %rem3A_101 = arith.remsi %scan3A_78, %select_n3A_100 : i32
      %ne3A_102 = arith.constant 0 : i32
      %ne3A_103 = arith.cmpi ne, %rem3A_101, %ne3A_102 : i32
      %lt3A = arith.constant 0 : i32
      %lt3A_104 = arith.cmpi slt, %rem3A_101, %lt3A : i32
      %lt3A_105 = arith.constant 0 : i32
      %lt3A_106 = arith.cmpi slt, %select_n3A_100, %lt3A_105 : i32
      %ne3A_107 = arith.xori %lt3A_104, %lt3A_106 : i1
      %and3A_108 = arith.andi %ne3A_107, %ne3A_103 : i1
      %add3A_109 = arith.addi %rem3A_101, %select_n3A_100 : i32
      %select_n3A_110 = arith.select %and3A_108, %add3A_109, %rem3A_101 : i32
      %mul3A_111 = arith.constant 16 : i32
      %mul3A_112 = arith.muli %select_n3A_110, %mul3A_111 : i32
      %swap3A = arith.index_cast %select_n3A : i32 to index
      %swap3A_113 = arith.index_cast %mul3A_112 : i32 to index
      %swap3A_114 = tpu.vector_load %arg7[%swap3A, %swap3A_113] {strides = array<i32>} : memref<128x128xf32, #tpu.memory_space<vmem>>, vector<1x16xf32>,
      %swap3A_115 = vector.shape_cast %swap3A_114 : vector<1x16xf32> to vector<16xf32>
      %swap3A_116 = vector.shape_cast %broadcast_in_dim3A_80 : vector<16xf32> to vector<1x16xf32>
      tpu.vector_store %arg7[%swap3A, %swap3A_113], %swap3A_116 {strides = array<i32>} : memref<128x128xf32, #tpu.memory_space<vmem>>, vector<1x16xf32>,
      %scan3A_117 = arith.constant 0 : i32
      scf.yield %scan3A_117 : i32
    }
    %scan3A_6 = arith.constant 1024 : i32
    %scan3A_7 = arith.constant 0 : i32
    %scan3A_8 = arith.constant 0 : i32
    %scan3A_9 = arith.constant 5 : i32
    %scan3A_10 = arith.addi %scan3A_8, %scan3A_9 : i32
    %scan3A_11 = arith.constant 1 : i32
    %scan3A_12 = scf.for %scan3A_78 = %scan3A_8 to %scan3A_10 step %scan3A_11 iter_args(%scan3A_79 = %scan3A_7) -> (i32)  : i32 {
      %mul3A_80 = arith.constant 640 : i32
      %mul3A_81 = arith.muli %arg1, %mul3A_80 : i32
      %mul3A_82 = arith.constant 128 : i32
      %mul3A_83 = arith.muli %scan3A_78, %mul3A_82 : i32
      %add3A_84 = arith.addi %mul3A_81, %mul3A_83 : i32
      "tpu.region"() ({
        %run_scoped3A_86 = tpu.sem_alloc : memref<!tpu.dma_semaphore, #tpu.memory_space<semaphore_mem>>
        %dma_start3A_87 = arith.constant 0 : i32
        %dma_start3A_88 = tpu.memref_slice %arg9[%add3A_84, %dma_start3A_87] : memref<10240x128xf32, #tpu.memory_space<vmem_shared>> -> memref<128x128xf32, #tpu.memory_space<vmem_shared>>
        %dma_start3A_89 = arith.constant 0 : i32
        %dma_start3A_90 = tpu.memref_slice %arg9[%add3A_84, %dma_start3A_89] : memref<10240x128xf32, #tpu.memory_space<vmem_shared>> -> memref<128x128xf32, #tpu.memory_space<vmem_shared>>
        tpu.enqueue_dma source(%arg7 : memref<128x128xf32, #tpu.memory_space<vmem>>) target(%dma_start3A_90 : memref<128x128xf32, #tpu.memory_space<vmem_shared>>) target_semaphore(%run_scoped3A_86 : memref<!tpu.dma_semaphore, #tpu.memory_space<semaphore_mem>>)
        %dma_wait3A = arith.constant 0 : i32
        %dma_wait3A_91 = tpu.memref_slice %arg9[%add3A_84, %dma_wait3A] : memref<10240x128xf32, #tpu.memory_space<vmem_shared>> -> memref<128x128xf32, #tpu.memory_space<vmem_shared>>
        %dma_wait3A_92 = arith.constant 0 : i32
        %dma_wait3A_93 = tpu.memref_slice %arg9[%add3A_84, %dma_wait3A_92] : memref<10240x128xf32, #tpu.memory_space<vmem_shared>> -> memref<128x128xf32, #tpu.memory_space<vmem_shared>>
        tpu.wait_dma2 semaphore(%run_scoped3A_86 : memref<!tpu.dma_semaphore, #tpu.memory_space<semaphore_mem>>) src(%arg7 : memref<128x128xf32, #tpu.memory_space<vmem>>) dst(%dma_wait3A_93 : memref<128x128xf32, #tpu.memory_space<vmem_shared>>)
        tpu.yield
      }) : () -> ()
      %scan3A_85 = arith.constant 0 : i32
      scf.yield %scan3A_85 : i32
    }
    %scan3A_13 = arith.constant 5 : i32
    %barrier3A = arith.constant 0 : index
    tpu.barrier barrier_id(%barrier3A)
    %run_scoped3A = arith.constant 0 : i32
    "tpu.trace_stop"() : () -> ()
    "tpu.trace_start"() <{level = 10 : i32, message = "agg_half0"}> : () -> ()
    "tpu.region"() ({
      %run_scoped3A_78 = tpu.sem_alloc : memref<!tpu.dma_semaphore, #tpu.memory_space<semaphore_mem>>
      %dma_start3A_79 = arith.constant 0 : i32
      %dma_start3A_80 = arith.constant 0 : i32
      %dma_start3A_81 = tpu.memref_slice %arg3[%run_scoped3A, %add3A, %dma_start3A_79, %dma_start3A_80] : memref<2x32x80x125xi32, #tpu.memory_space<hbm>> -> memref<1x1x40x125xi32, #tpu.memory_space<hbm>>
      %dma_start3A_82 = tpu.memref_squeeze %dma_start3A_81 : memref<1x1x40x125xi32, #tpu.memory_space<hbm>> -> memref<40x125xi32, #tpu.memory_space<hbm>>
      %dma_start3A_83 = arith.constant 0 : i32
      %dma_start3A_84 = arith.constant 0 : i32
      %dma_start3A_85 = tpu.memref_slice %arg3[%run_scoped3A, %add3A, %dma_start3A_83, %dma_start3A_84] : memref<2x32x80x125xi32, #tpu.memory_space<hbm>> -> memref<1x1x40x125xi32, #tpu.memory_space<hbm>>
      %dma_start3A_86 = tpu.memref_squeeze %dma_start3A_85 : memref<1x1x40x125xi32, #tpu.memory_space<hbm>> -> memref<40x125xi32, #tpu.memory_space<hbm>>
      tpu.enqueue_dma source(%dma_start3A_86 : memref<40x125xi32, #tpu.memory_space<hbm>>) target(%arg5 : memref<40x125xi32, #tpu.memory_space<vmem>>) target_semaphore(%run_scoped3A_78 : memref<!tpu.dma_semaphore, #tpu.memory_space<semaphore_mem>>)
      %dma_wait3A = arith.constant 0 : i32
      %dma_wait3A_87 = arith.constant 0 : i32
      %dma_wait3A_88 = tpu.memref_slice %arg3[%run_scoped3A, %add3A, %dma_wait3A, %dma_wait3A_87] : memref<2x32x80x125xi32, #tpu.memory_space<hbm>> -> memref<1x1x40x125xi32, #tpu.memory_space<hbm>>
      %dma_wait3A_89 = tpu.memref_squeeze %dma_wait3A_88 : memref<1x1x40x125xi32, #tpu.memory_space<hbm>> -> memref<40x125xi32, #tpu.memory_space<hbm>>
      %dma_wait3A_90 = arith.constant 0 : i32
      %dma_wait3A_91 = arith.constant 0 : i32
      %dma_wait3A_92 = tpu.memref_slice %arg3[%run_scoped3A, %add3A, %dma_wait3A_90, %dma_wait3A_91] : memref<2x32x80x125xi32, #tpu.memory_space<hbm>> -> memref<1x1x40x125xi32, #tpu.memory_space<hbm>>
      %dma_wait3A_93 = tpu.memref_squeeze %dma_wait3A_92 : memref<1x1x40x125xi32, #tpu.memory_space<hbm>> -> memref<40x125xi32, #tpu.memory_space<hbm>>
      tpu.wait_dma2 semaphore(%run_scoped3A_78 : memref<!tpu.dma_semaphore, #tpu.memory_space<semaphore_mem>>) src(%dma_wait3A_93 : memref<40x125xi32, #tpu.memory_space<hbm>>) dst(%arg5 : memref<40x125xi32, #tpu.memory_space<vmem>>)
      tpu.yield
    }) : () -> ()
    %run_scoped3A_14 = arith.constant 1 : i32
    "tpu.region"() ({
      %run_scoped3A_78 = tpu.sem_alloc : memref<!tpu.dma_semaphore, #tpu.memory_space<semaphore_mem>>
      %dma_start3A_79 = arith.constant 0 : i32
      %dma_start3A_80 = arith.constant 0 : i32
      %dma_start3A_81 = tpu.memref_slice %arg3[%run_scoped3A_14, %add3A, %dma_start3A_79, %dma_start3A_80] : memref<2x32x80x125xi32, #tpu.memory_space<hbm>> -> memref<1x1x40x125xi32, #tpu.memory_space<hbm>>
      %dma_start3A_82 = tpu.memref_squeeze %dma_start3A_81 : memref<1x1x40x125xi32, #tpu.memory_space<hbm>> -> memref<40x125xi32, #tpu.memory_space<hbm>>
      %dma_start3A_83 = arith.constant 0 : i32
      %dma_start3A_84 = arith.constant 0 : i32
      %dma_start3A_85 = tpu.memref_slice %arg3[%run_scoped3A_14, %add3A, %dma_start3A_83, %dma_start3A_84] : memref<2x32x80x125xi32, #tpu.memory_space<hbm>> -> memref<1x1x40x125xi32, #tpu.memory_space<hbm>>
      %dma_start3A_86 = tpu.memref_squeeze %dma_start3A_85 : memref<1x1x40x125xi32, #tpu.memory_space<hbm>> -> memref<40x125xi32, #tpu.memory_space<hbm>>
      tpu.enqueue_dma source(%dma_start3A_86 : memref<40x125xi32, #tpu.memory_space<hbm>>) target(%arg6 : memref<40x125xi32, #tpu.memory_space<vmem>>) target_semaphore(%run_scoped3A_78 : memref<!tpu.dma_semaphore, #tpu.memory_space<semaphore_mem>>)
      %dma_wait3A = arith.constant 0 : i32
      %dma_wait3A_87 = arith.constant 0 : i32
      %dma_wait3A_88 = tpu.memref_slice %arg3[%run_scoped3A_14, %add3A, %dma_wait3A, %dma_wait3A_87] : memref<2x32x80x125xi32, #tpu.memory_space<hbm>> -> memref<1x1x40x125xi32, #tpu.memory_space<hbm>>
      %dma_wait3A_89 = tpu.memref_squeeze %dma_wait3A_88 : memref<1x1x40x125xi32, #tpu.memory_space<hbm>> -> memref<40x125xi32, #tpu.memory_space<hbm>>
      %dma_wait3A_90 = arith.constant 0 : i32
      %dma_wait3A_91 = arith.constant 0 : i32
      %dma_wait3A_92 = tpu.memref_slice %arg3[%run_scoped3A_14, %add3A, %dma_wait3A_90, %dma_wait3A_91] : memref<2x32x80x125xi32, #tpu.memory_space<hbm>> -> memref<1x1x40x125xi32, #tpu.memory_space<hbm>>
      %dma_wait3A_93 = tpu.memref_squeeze %dma_wait3A_92 : memref<1x1x40x125xi32, #tpu.memory_space<hbm>> -> memref<40x125xi32, #tpu.memory_space<hbm>>
      tpu.wait_dma2 semaphore(%run_scoped3A_78 : memref<!tpu.dma_semaphore, #tpu.memory_space<semaphore_mem>>) src(%dma_wait3A_93 : memref<40x125xi32, #tpu.memory_space<hbm>>) dst(%arg6 : memref<40x125xi32, #tpu.memory_space<vmem>>)
      tpu.yield
    }) : () -> ()
    %dma_start3A = arith.constant 0 : i32
    %dma_start3A_15 = arith.constant 0 : i32
    %dma_start3A_16 = arith.constant 0 : i32
    %dma_start3A_17 = tpu.memref_slice %arg7[%dma_start3A_15, %dma_start3A_16] : memref<128x128xf32, #tpu.memory_space<vmem>> -> memref<125x128xf32, #tpu.memory_space<vmem>>
    %dma_start3A_18 = arith.constant 0 : i32
    %dma_start3A_19 = tpu.memref_slice %arg5[%dma_start3A, %dma_start3A_18] : memref<40x125xi32, #tpu.memory_space<vmem>> -> memref<1x125xi32, #tpu.memory_space<vmem>>
    %dma_start3A_20 = tpu.memref_squeeze %dma_start3A_19 : memref<1x125xi32, #tpu.memory_space<vmem>> -> memref<125xi32, #tpu.memory_space<vmem>>
    %dma_start3A_21 = arith.constant 0 : i32
    %dma_start3A_22 = arith.constant 0 : i32
    %dma_start3A_23 = tpu.memref_slice %arg2[%dma_start3A_21, %dma_start3A_22] : memref<10000x128xf32, #tpu.memory_space<hbm>> -> memref<10000x128xf32, #tpu.memory_space<hbm>>
    tpu.enqueue_indirect_dma source(%dma_start3A_23 : memref<10000x128xf32, #tpu.memory_space<hbm>>) target(%dma_start3A_17 : memref<125x128xf32, #tpu.memory_space<vmem>>) offsets(%dma_start3A_20 : memref<125xi32, #tpu.memory_space<vmem>>) semaphore(%arg10 : memref<!tpu.dma_semaphore, #tpu.memory_space<semaphore_mem>>)
    %dma_start3A_24 = arith.constant 1 : i32
    %dma_start3A_25 = arith.constant 0 : i32
    %dma_start3A_26 = arith.constant 0 : i32
    %dma_start3A_27 = tpu.memref_slice %arg8[%dma_start3A_25, %dma_start3A_26] : memref<128x128xf32, #tpu.memory_space<vmem>> -> memref<125x128xf32, #tpu.memory_space<vmem>>
    %dma_start3A_28 = arith.constant 0 : i32
    %dma_start3A_29 = tpu.memref_slice %arg5[%dma_start3A_24, %dma_start3A_28] : memref<40x125xi32, #tpu.memory_space<vmem>> -> memref<1x125xi32, #tpu.memory_space<vmem>>
    %dma_start3A_30 = tpu.memref_squeeze %dma_start3A_29 : memref<1x125xi32, #tpu.memory_space<vmem>> -> memref<125xi32, #tpu.memory_space<vmem>>
    %dma_start3A_31 = arith.constant 0 : i32
    %dma_start3A_32 = arith.constant 0 : i32
    %dma_start3A_33 = tpu.memref_slice %arg2[%dma_start3A_31, %dma_start3A_32] : memref<10000x128xf32, #tpu.memory_space<hbm>> -> memref<10000x128xf32, #tpu.memory_space<hbm>>
    tpu.enqueue_indirect_dma source(%dma_start3A_33 : memref<10000x128xf32, #tpu.memory_space<hbm>>) target(%dma_start3A_27 : memref<125x128xf32, #tpu.memory_space<vmem>>) offsets(%dma_start3A_30 : memref<125xi32, #tpu.memory_space<vmem>>) semaphore(%arg10 : memref<!tpu.dma_semaphore, #tpu.memory_space<semaphore_mem>>)
    %scan3A_34 = arith.constant 0 : i32
    %scan3A_35 = arith.constant 0 : i32
    %scan3A_36 = arith.constant 20 : i32
    %scan3A_37 = arith.addi %scan3A_35, %scan3A_36 : i32
    %scan3A_38 = arith.constant 1 : i32
    %scan3A_39 = scf.for %scan3A_78 = %scan3A_35 to %scan3A_37 step %scan3A_38 iter_args(%scan3A_79 = %scan3A_34) -> (i32)  : i32 {
      %mul3A_80 = arith.constant 2 : i32
      %mul3A_81 = arith.muli %scan3A_78, %mul3A_80 : i32
      %dma_wait3A = arith.constant 0 : i32
      %dma_wait3A_82 = arith.constant 0 : i32
      %dma_wait3A_83 = arith.constant 0 : i32
      %dma_wait3A_84 = tpu.memref_slice %arg7[%dma_wait3A_82, %dma_wait3A_83] : memref<128x128xf32, #tpu.memory_space<vmem>> -> memref<125x128xf32, #tpu.memory_space<vmem>>
      %dma_wait3A_85 = arith.constant 0 : i32
      %dma_wait3A_86 = tpu.memref_slice %arg5[%dma_wait3A, %dma_wait3A_85] : memref<40x125xi32, #tpu.memory_space<vmem>> -> memref<1x125xi32, #tpu.memory_space<vmem>>
      %dma_wait3A_87 = tpu.memref_squeeze %dma_wait3A_86 : memref<1x125xi32, #tpu.memory_space<vmem>> -> memref<125xi32, #tpu.memory_space<vmem>>
      %dma_wait3A_88 = arith.constant 0 : i32
      %dma_wait3A_89 = arith.constant 0 : i32
      %dma_wait3A_90 = tpu.memref_slice %arg2[%dma_wait3A_88, %dma_wait3A_89] : memref<10000x128xf32, #tpu.memory_space<hbm>> -> memref<10000x128xf32, #tpu.memory_space<hbm>>
      tpu.wait_indirect_dma semaphore(%arg10 : memref<!tpu.dma_semaphore, #tpu.memory_space<semaphore_mem>>) src(%dma_wait3A_90 : memref<10000x128xf32, #tpu.memory_space<hbm>>) dst(%dma_wait3A_84 : memref<125x128xf32, #tpu.memory_space<vmem>>)
      "tpu.region"() ({
        %run_scoped3A_111 = tpu.sem_alloc : memref<!tpu.dma_semaphore, #tpu.memory_space<semaphore_mem>>
        %dma_start3A_112 = arith.constant 0 : i32
        %dma_start3A_113 = arith.constant 0 : i32
        %dma_start3A_114 = tpu.memref_slice %arg7[%dma_start3A_112, %dma_start3A_113] : memref<128x128xf32, #tpu.memory_space<vmem>> -> memref<125x128xf32, #tpu.memory_space<vmem>>
        %dma_start3A_115 = arith.constant 0 : i32
        %dma_start3A_116 = tpu.memref_slice %arg6[%mul3A_81, %dma_start3A_115] : memref<40x125xi32, #tpu.memory_space<vmem>> -> memref<1x125xi32, #tpu.memory_space<vmem>>
        %dma_start3A_117 = tpu.memref_squeeze %dma_start3A_116 : memref<1x125xi32, #tpu.memory_space<vmem>> -> memref<125xi32, #tpu.memory_space<vmem>>
        %dma_start3A_118 = arith.constant 0 : i32
        %dma_start3A_119 = arith.constant 0 : i32
        %dma_start3A_120 = tpu.memref_slice %arg9[%dma_start3A_118, %dma_start3A_119] : memref<10240x128xf32, #tpu.memory_space<vmem_shared>> -> memref<10240x128xf32, #tpu.memory_space<vmem_shared>>
        tpu.enqueue_indirect_dma source(%dma_start3A_114 : memref<125x128xf32, #tpu.memory_space<vmem>>) target(%dma_start3A_120 : memref<10240x128xf32, #tpu.memory_space<vmem_shared>>) offsets(%dma_start3A_117 : memref<125xi32, #tpu.memory_space<vmem>>) semaphore(%run_scoped3A_111 : memref<!tpu.dma_semaphore, #tpu.memory_space<semaphore_mem>>) {add = true}
        %dma_wait3A_121 = arith.constant 0 : i32
        %dma_wait3A_122 = arith.constant 0 : i32
        %dma_wait3A_123 = tpu.memref_slice %arg7[%dma_wait3A_121, %dma_wait3A_122] : memref<128x128xf32, #tpu.memory_space<vmem>> -> memref<125x128xf32, #tpu.memory_space<vmem>>
        %dma_wait3A_124 = arith.constant 0 : i32
        %dma_wait3A_125 = tpu.memref_slice %arg6[%mul3A_81, %dma_wait3A_124] : memref<40x125xi32, #tpu.memory_space<vmem>> -> memref<1x125xi32, #tpu.memory_space<vmem>>
        %dma_wait3A_126 = tpu.memref_squeeze %dma_wait3A_125 : memref<1x125xi32, #tpu.memory_space<vmem>> -> memref<125xi32, #tpu.memory_space<vmem>>
        %dma_wait3A_127 = arith.constant 0 : i32
        %dma_wait3A_128 = arith.constant 0 : i32
        %dma_wait3A_129 = tpu.memref_slice %arg9[%dma_wait3A_127, %dma_wait3A_128] : memref<10240x128xf32, #tpu.memory_space<vmem_shared>> -> memref<10240x128xf32, #tpu.memory_space<vmem_shared>>
        tpu.wait_indirect_dma semaphore(%run_scoped3A_111 : memref<!tpu.dma_semaphore, #tpu.memory_space<semaphore_mem>>) src(%dma_wait3A_123 : memref<125x128xf32, #tpu.memory_space<vmem>>) dst(%dma_wait3A_129 : memref<10240x128xf32, #tpu.memory_space<vmem_shared>>)
        tpu.yield
      }) : () -> ()
      %lt3A = arith.constant 19 : i32
      %lt3A_91 = arith.cmpi slt, %scan3A_78, %lt3A : i32
      %convert_element_type3A = arith.extui %lt3A_91 : i1 to i32
      %cond3A = arith.constant 0 : i32
      %cond3A_92 = arith.cmpi ne, %convert_element_type3A, %cond3A : i32
      scf.if %cond3A_92 {
        %add3A_111 = arith.constant 2 : i32
        %add3A_112 = arith.addi %mul3A_81, %add3A_111 : i32
        %dma_start3A_113 = arith.constant 0 : i32
        %dma_start3A_114 = arith.constant 0 : i32
        %dma_start3A_115 = tpu.memref_slice %arg7[%dma_start3A_113, %dma_start3A_114] : memref<128x128xf32, #tpu.memory_space<vmem>> -> memref<125x128xf32, #tpu.memory_space<vmem>>
        %dma_start3A_116 = arith.constant 0 : i32
        %dma_start3A_117 = tpu.memref_slice %arg5[%add3A_112, %dma_start3A_116] : memref<40x125xi32, #tpu.memory_space<vmem>> -> memref<1x125xi32, #tpu.memory_space<vmem>>
        %dma_start3A_118 = tpu.memref_squeeze %dma_start3A_117 : memref<1x125xi32, #tpu.memory_space<vmem>> -> memref<125xi32, #tpu.memory_space<vmem>>
        %dma_start3A_119 = arith.constant 0 : i32
        %dma_start3A_120 = arith.constant 0 : i32
        %dma_start3A_121 = tpu.memref_slice %arg2[%dma_start3A_119, %dma_start3A_120] : memref<10000x128xf32, #tpu.memory_space<hbm>> -> memref<10000x128xf32, #tpu.memory_space<hbm>>
        tpu.enqueue_indirect_dma source(%dma_start3A_121 : memref<10000x128xf32, #tpu.memory_space<hbm>>) target(%dma_start3A_115 : memref<125x128xf32, #tpu.memory_space<vmem>>) offsets(%dma_start3A_118 : memref<125xi32, #tpu.memory_space<vmem>>) semaphore(%arg10 : memref<!tpu.dma_semaphore, #tpu.memory_space<semaphore_mem>>)
      } else {
      }
      %dma_wait3A_93 = arith.constant 0 : i32
      %dma_wait3A_94 = arith.constant 0 : i32
      %dma_wait3A_95 = arith.constant 0 : i32
      %dma_wait3A_96 = tpu.memref_slice %arg8[%dma_wait3A_94, %dma_wait3A_95] : memref<128x128xf32, #tpu.memory_space<vmem>> -> memref<125x128xf32, #tpu.memory_space<vmem>>
      %dma_wait3A_97 = arith.constant 0 : i32
      %dma_wait3A_98 = tpu.memref_slice %arg5[%dma_wait3A_93, %dma_wait3A_97] : memref<40x125xi32, #tpu.memory_space<vmem>> -> memref<1x125xi32, #tpu.memory_space<vmem>>
      %dma_wait3A_99 = tpu.memref_squeeze %dma_wait3A_98 : memref<1x125xi32, #tpu.memory_space<vmem>> -> memref<125xi32, #tpu.memory_space<vmem>>
      %dma_wait3A_100 = arith.constant 0 : i32
      %dma_wait3A_101 = arith.constant 0 : i32
      %dma_wait3A_102 = tpu.memref_slice %arg2[%dma_wait3A_100, %dma_wait3A_101] : memref<10000x128xf32, #tpu.memory_space<hbm>> -> memref<10000x128xf32, #tpu.memory_space<hbm>>
      tpu.wait_indirect_dma semaphore(%arg10 : memref<!tpu.dma_semaphore, #tpu.memory_space<semaphore_mem>>) src(%dma_wait3A_102 : memref<10000x128xf32, #tpu.memory_space<hbm>>) dst(%dma_wait3A_96 : memref<125x128xf32, #tpu.memory_space<vmem>>)
      %add3A_103 = arith.constant 1 : i32
      %add3A_104 = arith.addi %mul3A_81, %add3A_103 : i32
      "tpu.region"() ({
        %run_scoped3A_111 = tpu.sem_alloc : memref<!tpu.dma_semaphore, #tpu.memory_space<semaphore_mem>>
        %dma_start3A_112 = arith.constant 0 : i32
        %dma_start3A_113 = arith.constant 0 : i32
        %dma_start3A_114 = tpu.memref_slice %arg8[%dma_start3A_112, %dma_start3A_113] : memref<128x128xf32, #tpu.memory_space<vmem>> -> memref<125x128xf32, #tpu.memory_space<vmem>>
        %dma_start3A_115 = arith.constant 0 : i32
        %dma_start3A_116 = tpu.memref_slice %arg6[%add3A_104, %dma_start3A_115] : memref<40x125xi32, #tpu.memory_space<vmem>> -> memref<1x125xi32, #tpu.memory_space<vmem>>
        %dma_start3A_117 = tpu.memref_squeeze %dma_start3A_116 : memref<1x125xi32, #tpu.memory_space<vmem>> -> memref<125xi32, #tpu.memory_space<vmem>>
        %dma_start3A_118 = arith.constant 0 : i32
        %dma_start3A_119 = arith.constant 0 : i32
        %dma_start3A_120 = tpu.memref_slice %arg9[%dma_start3A_118, %dma_start3A_119] : memref<10240x128xf32, #tpu.memory_space<vmem_shared>> -> memref<10240x128xf32, #tpu.memory_space<vmem_shared>>
        tpu.enqueue_indirect_dma source(%dma_start3A_114 : memref<125x128xf32, #tpu.memory_space<vmem>>) target(%dma_start3A_120 : memref<10240x128xf32, #tpu.memory_space<vmem_shared>>) offsets(%dma_start3A_117 : memref<125xi32, #tpu.memory_space<vmem>>) semaphore(%run_scoped3A_111 : memref<!tpu.dma_semaphore, #tpu.memory_space<semaphore_mem>>) {add = true}
        %dma_wait3A_121 = arith.constant 0 : i32
        %dma_wait3A_122 = arith.constant 0 : i32
        %dma_wait3A_123 = tpu.memref_slice %arg8[%dma_wait3A_121, %dma_wait3A_122] : memref<128x128xf32, #tpu.memory_space<vmem>> -> memref<125x128xf32, #tpu.memory_space<vmem>>
        %dma_wait3A_124 = arith.constant 0 : i32
        %dma_wait3A_125 = tpu.memref_slice %arg6[%add3A_104, %dma_wait3A_124] : memref<40x125xi32, #tpu.memory_space<vmem>> -> memref<1x125xi32, #tpu.memory_space<vmem>>
        %dma_wait3A_126 = tpu.memref_squeeze %dma_wait3A_125 : memref<1x125xi32, #tpu.memory_space<vmem>> -> memref<125xi32, #tpu.memory_space<vmem>>
        %dma_wait3A_127 = arith.constant 0 : i32
        %dma_wait3A_128 = arith.constant 0 : i32
        %dma_wait3A_129 = tpu.memref_slice %arg9[%dma_wait3A_127, %dma_wait3A_128] : memref<10240x128xf32, #tpu.memory_space<vmem_shared>> -> memref<10240x128xf32, #tpu.memory_space<vmem_shared>>
        tpu.wait_indirect_dma semaphore(%run_scoped3A_111 : memref<!tpu.dma_semaphore, #tpu.memory_space<semaphore_mem>>) src(%dma_wait3A_123 : memref<125x128xf32, #tpu.memory_space<vmem>>) dst(%dma_wait3A_129 : memref<10240x128xf32, #tpu.memory_space<vmem_shared>>)
        tpu.yield
      }) : () -> ()
      %lt3A_105 = arith.constant 19 : i32
      %lt3A_106 = arith.cmpi slt, %scan3A_78, %lt3A_105 : i32
      %convert_element_type3A_107 = arith.extui %lt3A_106 : i1 to i32
      %cond3A_108 = arith.constant 0 : i32
      %cond3A_109 = arith.cmpi ne, %convert_element_type3A_107, %cond3A_108 : i32
      scf.if %cond3A_109 {
        %add3A_111 = arith.constant 3 : i32
        %add3A_112 = arith.addi %mul3A_81, %add3A_111 : i32
        %dma_start3A_113 = arith.constant 0 : i32
        %dma_start3A_114 = arith.constant 0 : i32
        %dma_start3A_115 = tpu.memref_slice %arg8[%dma_start3A_113, %dma_start3A_114] : memref<128x128xf32, #tpu.memory_space<vmem>> -> memref<125x128xf32, #tpu.memory_space<vmem>>
        %dma_start3A_116 = arith.constant 0 : i32
        %dma_start3A_117 = tpu.memref_slice %arg5[%add3A_112, %dma_start3A_116] : memref<40x125xi32, #tpu.memory_space<vmem>> -> memref<1x125xi32, #tpu.memory_space<vmem>>
        %dma_start3A_118 = tpu.memref_squeeze %dma_start3A_117 : memref<1x125xi32, #tpu.memory_space<vmem>> -> memref<125xi32, #tpu.memory_space<vmem>>
        %dma_start3A_119 = arith.constant 0 : i32
        %dma_start3A_120 = arith.constant 0 : i32
        %dma_start3A_121 = tpu.memref_slice %arg2[%dma_start3A_119, %dma_start3A_120] : memref<10000x128xf32, #tpu.memory_space<hbm>> -> memref<10000x128xf32, #tpu.memory_space<hbm>>
        tpu.enqueue_indirect_dma source(%dma_start3A_121 : memref<10000x128xf32, #tpu.memory_space<hbm>>) target(%dma_start3A_115 : memref<125x128xf32, #tpu.memory_space<vmem>>) offsets(%dma_start3A_118 : memref<125xi32, #tpu.memory_space<vmem>>) semaphore(%arg10 : memref<!tpu.dma_semaphore, #tpu.memory_space<semaphore_mem>>)
      } else {
      }
      %scan3A_110 = arith.constant 0 : i32
      scf.yield %scan3A_110 : i32
    }
    %scan3A_40 = arith.constant 20 : i32
    %run_scoped3A_41 = arith.constant 0 : i32
    "tpu.trace_stop"() : () -> ()
    "tpu.trace_start"() <{level = 10 : i32, message = "agg_half1"}> : () -> ()
    "tpu.region"() ({
      %run_scoped3A_78 = tpu.sem_alloc : memref<!tpu.dma_semaphore, #tpu.memory_space<semaphore_mem>>
      %dma_start3A_79 = arith.constant 40 : i32
      %dma_start3A_80 = arith.constant 0 : i32
      %dma_start3A_81 = tpu.memref_slice %arg3[%run_scoped3A_41, %add3A, %dma_start3A_79, %dma_start3A_80] : memref<2x32x80x125xi32, #tpu.memory_space<hbm>> -> memref<1x1x40x125xi32, #tpu.memory_space<hbm>>
      %dma_start3A_82 = tpu.memref_squeeze %dma_start3A_81 : memref<1x1x40x125xi32, #tpu.memory_space<hbm>> -> memref<40x125xi32, #tpu.memory_space<hbm>>
      %dma_start3A_83 = arith.constant 40 : i32
      %dma_start3A_84 = arith.constant 0 : i32
      %dma_start3A_85 = tpu.memref_slice %arg3[%run_scoped3A_41, %add3A, %dma_start3A_83, %dma_start3A_84] : memref<2x32x80x125xi32, #tpu.memory_space<hbm>> -> memref<1x1x40x125xi32, #tpu.memory_space<hbm>>
      %dma_start3A_86 = tpu.memref_squeeze %dma_start3A_85 : memref<1x1x40x125xi32, #tpu.memory_space<hbm>> -> memref<40x125xi32, #tpu.memory_space<hbm>>
      tpu.enqueue_dma source(%dma_start3A_86 : memref<40x125xi32, #tpu.memory_space<hbm>>) target(%arg5 : memref<40x125xi32, #tpu.memory_space<vmem>>) target_semaphore(%run_scoped3A_78 : memref<!tpu.dma_semaphore, #tpu.memory_space<semaphore_mem>>)
      %dma_wait3A = arith.constant 40 : i32
      %dma_wait3A_87 = arith.constant 0 : i32
      %dma_wait3A_88 = tpu.memref_slice %arg3[%run_scoped3A_41, %add3A, %dma_wait3A, %dma_wait3A_87] : memref<2x32x80x125xi32, #tpu.memory_space<hbm>> -> memref<1x1x40x125xi32, #tpu.memory_space<hbm>>
      %dma_wait3A_89 = tpu.memref_squeeze %dma_wait3A_88 : memref<1x1x40x125xi32, #tpu.memory_space<hbm>> -> memref<40x125xi32, #tpu.memory_space<hbm>>
      %dma_wait3A_90 = arith.constant 40 : i32
      %dma_wait3A_91 = arith.constant 0 : i32
      %dma_wait3A_92 = tpu.memref_slice %arg3[%run_scoped3A_41, %add3A, %dma_wait3A_90, %dma_wait3A_91] : memref<2x32x80x125xi32, #tpu.memory_space<hbm>> -> memref<1x1x40x125xi32, #tpu.memory_space<hbm>>
      %dma_wait3A_93 = tpu.memref_squeeze %dma_wait3A_92 : memref<1x1x40x125xi32, #tpu.memory_space<hbm>> -> memref<40x125xi32, #tpu.memory_space<hbm>>
      tpu.wait_dma2 semaphore(%run_scoped3A_78 : memref<!tpu.dma_semaphore, #tpu.memory_space<semaphore_mem>>) src(%dma_wait3A_93 : memref<40x125xi32, #tpu.memory_space<hbm>>) dst(%arg5 : memref<40x125xi32, #tpu.memory_space<vmem>>)
      tpu.yield
    }) : () -> ()
    %run_scoped3A_42 = arith.constant 1 : i32
    "tpu.region"() ({
      %run_scoped3A_78 = tpu.sem_alloc : memref<!tpu.dma_semaphore, #tpu.memory_space<semaphore_mem>>
      %dma_start3A_79 = arith.constant 40 : i32
      %dma_start3A_80 = arith.constant 0 : i32
      %dma_start3A_81 = tpu.memref_slice %arg3[%run_scoped3A_42, %add3A, %dma_start3A_79, %dma_start3A_80] : memref<2x32x80x125xi32, #tpu.memory_space<hbm>> -> memref<1x1x40x125xi32, #tpu.memory_space<hbm>>
      %dma_start3A_82 = tpu.memref_squeeze %dma_start3A_81 : memref<1x1x40x125xi32, #tpu.memory_space<hbm>> -> memref<40x125xi32, #tpu.memory_space<hbm>>
      %dma_start3A_83 = arith.constant 40 : i32
      %dma_start3A_84 = arith.constant 0 : i32
      %dma_start3A_85 = tpu.memref_slice %arg3[%run_scoped3A_42, %add3A, %dma_start3A_83, %dma_start3A_84] : memref<2x32x80x125xi32, #tpu.memory_space<hbm>> -> memref<1x1x40x125xi32, #tpu.memory_space<hbm>>
      %dma_start3A_86 = tpu.memref_squeeze %dma_start3A_85 : memref<1x1x40x125xi32, #tpu.memory_space<hbm>> -> memref<40x125xi32, #tpu.memory_space<hbm>>
      tpu.enqueue_dma source(%dma_start3A_86 : memref<40x125xi32, #tpu.memory_space<hbm>>) target(%arg6 : memref<40x125xi32, #tpu.memory_space<vmem>>) target_semaphore(%run_scoped3A_78 : memref<!tpu.dma_semaphore, #tpu.memory_space<semaphore_mem>>)
      %dma_wait3A = arith.constant 40 : i32
      %dma_wait3A_87 = arith.constant 0 : i32
      %dma_wait3A_88 = tpu.memref_slice %arg3[%run_scoped3A_42, %add3A, %dma_wait3A, %dma_wait3A_87] : memref<2x32x80x125xi32, #tpu.memory_space<hbm>> -> memref<1x1x40x125xi32, #tpu.memory_space<hbm>>
      %dma_wait3A_89 = tpu.memref_squeeze %dma_wait3A_88 : memref<1x1x40x125xi32, #tpu.memory_space<hbm>> -> memref<40x125xi32, #tpu.memory_space<hbm>>
      %dma_wait3A_90 = arith.constant 40 : i32
      %dma_wait3A_91 = arith.constant 0 : i32
      %dma_wait3A_92 = tpu.memref_slice %arg3[%run_scoped3A_42, %add3A, %dma_wait3A_90, %dma_wait3A_91] : memref<2x32x80x125xi32, #tpu.memory_space<hbm>> -> memref<1x1x40x125xi32, #tpu.memory_space<hbm>>
      %dma_wait3A_93 = tpu.memref_squeeze %dma_wait3A_92 : memref<1x1x40x125xi32, #tpu.memory_space<hbm>> -> memref<40x125xi32, #tpu.memory_space<hbm>>
      tpu.wait_dma2 semaphore(%run_scoped3A_78 : memref<!tpu.dma_semaphore, #tpu.memory_space<semaphore_mem>>) src(%dma_wait3A_93 : memref<40x125xi32, #tpu.memory_space<hbm>>) dst(%arg6 : memref<40x125xi32, #tpu.memory_space<vmem>>)
      tpu.yield
    }) : () -> ()
    %dma_start3A_43 = arith.constant 0 : i32
    %dma_start3A_44 = arith.constant 0 : i32
    %dma_start3A_45 = arith.constant 0 : i32
    %dma_start3A_46 = tpu.memref_slice %arg7[%dma_start3A_44, %dma_start3A_45] : memref<128x128xf32, #tpu.memory_space<vmem>> -> memref<125x128xf32, #tpu.memory_space<vmem>>
    %dma_start3A_47 = arith.constant 0 : i32
    %dma_start3A_48 = tpu.memref_slice %arg5[%dma_start3A_43, %dma_start3A_47] : memref<40x125xi32, #tpu.memory_space<vmem>> -> memref<1x125xi32, #tpu.memory_space<vmem>>
    %dma_start3A_49 = tpu.memref_squeeze %dma_start3A_48 : memref<1x125xi32, #tpu.memory_space<vmem>> -> memref<125xi32, #tpu.memory_space<vmem>>
    %dma_start3A_50 = arith.constant 0 : i32
    %dma_start3A_51 = arith.constant 0 : i32
    %dma_start3A_52 = tpu.memref_slice %arg2[%dma_start3A_50, %dma_start3A_51] : memref<10000x128xf32, #tpu.memory_space<hbm>> -> memref<10000x128xf32, #tpu.memory_space<hbm>>
    tpu.enqueue_indirect_dma source(%dma_start3A_52 : memref<10000x128xf32, #tpu.memory_space<hbm>>) target(%dma_start3A_46 : memref<125x128xf32, #tpu.memory_space<vmem>>) offsets(%dma_start3A_49 : memref<125xi32, #tpu.memory_space<vmem>>) semaphore(%arg10 : memref<!tpu.dma_semaphore, #tpu.memory_space<semaphore_mem>>)
    %dma_start3A_53 = arith.constant 1 : i32
    %dma_start3A_54 = arith.constant 0 : i32
    %dma_start3A_55 = arith.constant 0 : i32
    %dma_start3A_56 = tpu.memref_slice %arg8[%dma_start3A_54, %dma_start3A_55] : memref<128x128xf32, #tpu.memory_space<vmem>> -> memref<125x128xf32, #tpu.memory_space<vmem>>
    %dma_start3A_57 = arith.constant 0 : i32
    %dma_start3A_58 = tpu.memref_slice %arg5[%dma_start3A_53, %dma_start3A_57] : memref<40x125xi32, #tpu.memory_space<vmem>> -> memref<1x125xi32, #tpu.memory_space<vmem>>
    %dma_start3A_59 = tpu.memref_squeeze %dma_start3A_58 : memref<1x125xi32, #tpu.memory_space<vmem>> -> memref<125xi32, #tpu.memory_space<vmem>>
    %dma_start3A_60 = arith.constant 0 : i32
    %dma_start3A_61 = arith.constant 0 : i32
    %dma_start3A_62 = tpu.memref_slice %arg2[%dma_start3A_60, %dma_start3A_61] : memref<10000x128xf32, #tpu.memory_space<hbm>> -> memref<10000x128xf32, #tpu.memory_space<hbm>>
    tpu.enqueue_indirect_dma source(%dma_start3A_62 : memref<10000x128xf32, #tpu.memory_space<hbm>>) target(%dma_start3A_56 : memref<125x128xf32, #tpu.memory_space<vmem>>) offsets(%dma_start3A_59 : memref<125xi32, #tpu.memory_space<vmem>>) semaphore(%arg10 : memref<!tpu.dma_semaphore, #tpu.memory_space<semaphore_mem>>)
    %scan3A_63 = arith.constant 0 : i32
    %scan3A_64 = arith.constant 0 : i32
    %scan3A_65 = arith.constant 20 : i32
    %scan3A_66 = arith.addi %scan3A_64, %scan3A_65 : i32
    %scan3A_67 = arith.constant 1 : i32
    %scan3A_68 = scf.for %scan3A_78 = %scan3A_64 to %scan3A_66 step %scan3A_67 iter_args(%scan3A_79 = %scan3A_63) -> (i32)  : i32 {
      %mul3A_80 = arith.constant 2 : i32
      %mul3A_81 = arith.muli %scan3A_78, %mul3A_80 : i32
      %dma_wait3A = arith.constant 0 : i32
      %dma_wait3A_82 = arith.constant 0 : i32
      %dma_wait3A_83 = arith.constant 0 : i32
      %dma_wait3A_84 = tpu.memref_slice %arg7[%dma_wait3A_82, %dma_wait3A_83] : memref<128x128xf32, #tpu.memory_space<vmem>> -> memref<125x128xf32, #tpu.memory_space<vmem>>
      %dma_wait3A_85 = arith.constant 0 : i32
      %dma_wait3A_86 = tpu.memref_slice %arg5[%dma_wait3A, %dma_wait3A_85] : memref<40x125xi32, #tpu.memory_space<vmem>> -> memref<1x125xi32, #tpu.memory_space<vmem>>
      %dma_wait3A_87 = tpu.memref_squeeze %dma_wait3A_86 : memref<1x125xi32, #tpu.memory_space<vmem>> -> memref<125xi32, #tpu.memory_space<vmem>>
      %dma_wait3A_88 = arith.constant 0 : i32
      %dma_wait3A_89 = arith.constant 0 : i32
      %dma_wait3A_90 = tpu.memref_slice %arg2[%dma_wait3A_88, %dma_wait3A_89] : memref<10000x128xf32, #tpu.memory_space<hbm>> -> memref<10000x128xf32, #tpu.memory_space<hbm>>
      tpu.wait_indirect_dma semaphore(%arg10 : memref<!tpu.dma_semaphore, #tpu.memory_space<semaphore_mem>>) src(%dma_wait3A_90 : memref<10000x128xf32, #tpu.memory_space<hbm>>) dst(%dma_wait3A_84 : memref<125x128xf32, #tpu.memory_space<vmem>>)
      "tpu.region"() ({
        %run_scoped3A_111 = tpu.sem_alloc : memref<!tpu.dma_semaphore, #tpu.memory_space<semaphore_mem>>
        %dma_start3A_112 = arith.constant 0 : i32
        %dma_start3A_113 = arith.constant 0 : i32
        %dma_start3A_114 = tpu.memref_slice %arg7[%dma_start3A_112, %dma_start3A_113] : memref<128x128xf32, #tpu.memory_space<vmem>> -> memref<125x128xf32, #tpu.memory_space<vmem>>
        %dma_start3A_115 = arith.constant 0 : i32
        %dma_start3A_116 = tpu.memref_slice %arg6[%mul3A_81, %dma_start3A_115] : memref<40x125xi32, #tpu.memory_space<vmem>> -> memref<1x125xi32, #tpu.memory_space<vmem>>
        %dma_start3A_117 = tpu.memref_squeeze %dma_start3A_116 : memref<1x125xi32, #tpu.memory_space<vmem>> -> memref<125xi32, #tpu.memory_space<vmem>>
        %dma_start3A_118 = arith.constant 0 : i32
        %dma_start3A_119 = arith.constant 0 : i32
        %dma_start3A_120 = tpu.memref_slice %arg9[%dma_start3A_118, %dma_start3A_119] : memref<10240x128xf32, #tpu.memory_space<vmem_shared>> -> memref<10240x128xf32, #tpu.memory_space<vmem_shared>>
        tpu.enqueue_indirect_dma source(%dma_start3A_114 : memref<125x128xf32, #tpu.memory_space<vmem>>) target(%dma_start3A_120 : memref<10240x128xf32, #tpu.memory_space<vmem_shared>>) offsets(%dma_start3A_117 : memref<125xi32, #tpu.memory_space<vmem>>) semaphore(%run_scoped3A_111 : memref<!tpu.dma_semaphore, #tpu.memory_space<semaphore_mem>>) {add = true}
        %dma_wait3A_121 = arith.constant 0 : i32
        %dma_wait3A_122 = arith.constant 0 : i32
        %dma_wait3A_123 = tpu.memref_slice %arg7[%dma_wait3A_121, %dma_wait3A_122] : memref<128x128xf32, #tpu.memory_space<vmem>> -> memref<125x128xf32, #tpu.memory_space<vmem>>
        %dma_wait3A_124 = arith.constant 0 : i32
        %dma_wait3A_125 = tpu.memref_slice %arg6[%mul3A_81, %dma_wait3A_124] : memref<40x125xi32, #tpu.memory_space<vmem>> -> memref<1x125xi32, #tpu.memory_space<vmem>>
        %dma_wait3A_126 = tpu.memref_squeeze %dma_wait3A_125 : memref<1x125xi32, #tpu.memory_space<vmem>> -> memref<125xi32, #tpu.memory_space<vmem>>
        %dma_wait3A_127 = arith.constant 0 : i32
        %dma_wait3A_128 = arith.constant 0 : i32
        %dma_wait3A_129 = tpu.memref_slice %arg9[%dma_wait3A_127, %dma_wait3A_128] : memref<10240x128xf32, #tpu.memory_space<vmem_shared>> -> memref<10240x128xf32, #tpu.memory_space<vmem_shared>>
        tpu.wait_indirect_dma semaphore(%run_scoped3A_111 : memref<!tpu.dma_semaphore, #tpu.memory_space<semaphore_mem>>) src(%dma_wait3A_123 : memref<125x128xf32, #tpu.memory_space<vmem>>) dst(%dma_wait3A_129 : memref<10240x128xf32, #tpu.memory_space<vmem_shared>>)
        tpu.yield
      }) : () -> ()
      %lt3A = arith.constant 19 : i32
      %lt3A_91 = arith.cmpi slt, %scan3A_78, %lt3A : i32
      %convert_element_type3A = arith.extui %lt3A_91 : i1 to i32
      %cond3A = arith.constant 0 : i32
      %cond3A_92 = arith.cmpi ne, %convert_element_type3A, %cond3A : i32
      scf.if %cond3A_92 {
        %add3A_111 = arith.constant 2 : i32
        %add3A_112 = arith.addi %mul3A_81, %add3A_111 : i32
        %dma_start3A_113 = arith.constant 0 : i32
        %dma_start3A_114 = arith.constant 0 : i32
        %dma_start3A_115 = tpu.memref_slice %arg7[%dma_start3A_113, %dma_start3A_114] : memref<128x128xf32, #tpu.memory_space<vmem>> -> memref<125x128xf32, #tpu.memory_space<vmem>>
        %dma_start3A_116 = arith.constant 0 : i32
        %dma_start3A_117 = tpu.memref_slice %arg5[%add3A_112, %dma_start3A_116] : memref<40x125xi32, #tpu.memory_space<vmem>> -> memref<1x125xi32, #tpu.memory_space<vmem>>
        %dma_start3A_118 = tpu.memref_squeeze %dma_start3A_117 : memref<1x125xi32, #tpu.memory_space<vmem>> -> memref<125xi32, #tpu.memory_space<vmem>>
        %dma_start3A_119 = arith.constant 0 : i32
        %dma_start3A_120 = arith.constant 0 : i32
        %dma_start3A_121 = tpu.memref_slice %arg2[%dma_start3A_119, %dma_start3A_120] : memref<10000x128xf32, #tpu.memory_space<hbm>> -> memref<10000x128xf32, #tpu.memory_space<hbm>>
        tpu.enqueue_indirect_dma source(%dma_start3A_121 : memref<10000x128xf32, #tpu.memory_space<hbm>>) target(%dma_start3A_115 : memref<125x128xf32, #tpu.memory_space<vmem>>) offsets(%dma_start3A_118 : memref<125xi32, #tpu.memory_space<vmem>>) semaphore(%arg10 : memref<!tpu.dma_semaphore, #tpu.memory_space<semaphore_mem>>)
      } else {
      }
      %dma_wait3A_93 = arith.constant 0 : i32
      %dma_wait3A_94 = arith.constant 0 : i32
      %dma_wait3A_95 = arith.constant 0 : i32
      %dma_wait3A_96 = tpu.memref_slice %arg8[%dma_wait3A_94, %dma_wait3A_95] : memref<128x128xf32, #tpu.memory_space<vmem>> -> memref<125x128xf32, #tpu.memory_space<vmem>>
      %dma_wait3A_97 = arith.constant 0 : i32
      %dma_wait3A_98 = tpu.memref_slice %arg5[%dma_wait3A_93, %dma_wait3A_97] : memref<40x125xi32, #tpu.memory_space<vmem>> -> memref<1x125xi32, #tpu.memory_space<vmem>>
      %dma_wait3A_99 = tpu.memref_squeeze %dma_wait3A_98 : memref<1x125xi32, #tpu.memory_space<vmem>> -> memref<125xi32, #tpu.memory_space<vmem>>
      %dma_wait3A_100 = arith.constant 0 : i32
      %dma_wait3A_101 = arith.constant 0 : i32
      %dma_wait3A_102 = tpu.memref_slice %arg2[%dma_wait3A_100, %dma_wait3A_101] : memref<10000x128xf32, #tpu.memory_space<hbm>> -> memref<10000x128xf32, #tpu.memory_space<hbm>>
      tpu.wait_indirect_dma semaphore(%arg10 : memref<!tpu.dma_semaphore, #tpu.memory_space<semaphore_mem>>) src(%dma_wait3A_102 : memref<10000x128xf32, #tpu.memory_space<hbm>>) dst(%dma_wait3A_96 : memref<125x128xf32, #tpu.memory_space<vmem>>)
      %add3A_103 = arith.constant 1 : i32
      %add3A_104 = arith.addi %mul3A_81, %add3A_103 : i32
      "tpu.region"() ({
        %run_scoped3A_111 = tpu.sem_alloc : memref<!tpu.dma_semaphore, #tpu.memory_space<semaphore_mem>>
        %dma_start3A_112 = arith.constant 0 : i32
        %dma_start3A_113 = arith.constant 0 : i32
        %dma_start3A_114 = tpu.memref_slice %arg8[%dma_start3A_112, %dma_start3A_113] : memref<128x128xf32, #tpu.memory_space<vmem>> -> memref<125x128xf32, #tpu.memory_space<vmem>>
        %dma_start3A_115 = arith.constant 0 : i32
        %dma_start3A_116 = tpu.memref_slice %arg6[%add3A_104, %dma_start3A_115] : memref<40x125xi32, #tpu.memory_space<vmem>> -> memref<1x125xi32, #tpu.memory_space<vmem>>
        %dma_start3A_117 = tpu.memref_squeeze %dma_start3A_116 : memref<1x125xi32, #tpu.memory_space<vmem>> -> memref<125xi32, #tpu.memory_space<vmem>>
        %dma_start3A_118 = arith.constant 0 : i32
        %dma_start3A_119 = arith.constant 0 : i32
        %dma_start3A_120 = tpu.memref_slice %arg9[%dma_start3A_118, %dma_start3A_119] : memref<10240x128xf32, #tpu.memory_space<vmem_shared>> -> memref<10240x128xf32, #tpu.memory_space<vmem_shared>>
        tpu.enqueue_indirect_dma source(%dma_start3A_114 : memref<125x128xf32, #tpu.memory_space<vmem>>) target(%dma_start3A_120 : memref<10240x128xf32, #tpu.memory_space<vmem_shared>>) offsets(%dma_start3A_117 : memref<125xi32, #tpu.memory_space<vmem>>) semaphore(%run_scoped3A_111 : memref<!tpu.dma_semaphore, #tpu.memory_space<semaphore_mem>>) {add = true}
        %dma_wait3A_121 = arith.constant 0 : i32
        %dma_wait3A_122 = arith.constant 0 : i32
        %dma_wait3A_123 = tpu.memref_slice %arg8[%dma_wait3A_121, %dma_wait3A_122] : memref<128x128xf32, #tpu.memory_space<vmem>> -> memref<125x128xf32, #tpu.memory_space<vmem>>
        %dma_wait3A_124 = arith.constant 0 : i32
        %dma_wait3A_125 = tpu.memref_slice %arg6[%add3A_104, %dma_wait3A_124] : memref<40x125xi32, #tpu.memory_space<vmem>> -> memref<1x125xi32, #tpu.memory_space<vmem>>
        %dma_wait3A_126 = tpu.memref_squeeze %dma_wait3A_125 : memref<1x125xi32, #tpu.memory_space<vmem>> -> memref<125xi32, #tpu.memory_space<vmem>>
        %dma_wait3A_127 = arith.constant 0 : i32
        %dma_wait3A_128 = arith.constant 0 : i32
        %dma_wait3A_129 = tpu.memref_slice %arg9[%dma_wait3A_127, %dma_wait3A_128] : memref<10240x128xf32, #tpu.memory_space<vmem_shared>> -> memref<10240x128xf32, #tpu.memory_space<vmem_shared>>
        tpu.wait_indirect_dma semaphore(%run_scoped3A_111 : memref<!tpu.dma_semaphore, #tpu.memory_space<semaphore_mem>>) src(%dma_wait3A_123 : memref<125x128xf32, #tpu.memory_space<vmem>>) dst(%dma_wait3A_129 : memref<10240x128xf32, #tpu.memory_space<vmem_shared>>)
        tpu.yield
      }) : () -> ()
      %lt3A_105 = arith.constant 19 : i32
      %lt3A_106 = arith.cmpi slt, %scan3A_78, %lt3A_105 : i32
      %convert_element_type3A_107 = arith.extui %lt3A_106 : i1 to i32
      %cond3A_108 = arith.constant 0 : i32
      %cond3A_109 = arith.cmpi ne, %convert_element_type3A_107, %cond3A_108 : i32
      scf.if %cond3A_109 {
        %add3A_111 = arith.constant 3 : i32
        %add3A_112 = arith.addi %mul3A_81, %add3A_111 : i32
        %dma_start3A_113 = arith.constant 0 : i32
        %dma_start3A_114 = arith.constant 0 : i32
        %dma_start3A_115 = tpu.memref_slice %arg8[%dma_start3A_113, %dma_start3A_114] : memref<128x128xf32, #tpu.memory_space<vmem>> -> memref<125x128xf32, #tpu.memory_space<vmem>>
        %dma_start3A_116 = arith.constant 0 : i32
        %dma_start3A_117 = tpu.memref_slice %arg5[%add3A_112, %dma_start3A_116] : memref<40x125xi32, #tpu.memory_space<vmem>> -> memref<1x125xi32, #tpu.memory_space<vmem>>
        %dma_start3A_118 = tpu.memref_squeeze %dma_start3A_117 : memref<1x125xi32, #tpu.memory_space<vmem>> -> memref<125xi32, #tpu.memory_space<vmem>>
        %dma_start3A_119 = arith.constant 0 : i32
        %dma_start3A_120 = arith.constant 0 : i32
        %dma_start3A_121 = tpu.memref_slice %arg2[%dma_start3A_119, %dma_start3A_120] : memref<10000x128xf32, #tpu.memory_space<hbm>> -> memref<10000x128xf32, #tpu.memory_space<hbm>>
        tpu.enqueue_indirect_dma source(%dma_start3A_121 : memref<10000x128xf32, #tpu.memory_space<hbm>>) target(%dma_start3A_115 : memref<125x128xf32, #tpu.memory_space<vmem>>) offsets(%dma_start3A_118 : memref<125xi32, #tpu.memory_space<vmem>>) semaphore(%arg10 : memref<!tpu.dma_semaphore, #tpu.memory_space<semaphore_mem>>)
      } else {
      }
      %scan3A_110 = arith.constant 0 : i32
      scf.yield %scan3A_110 : i32
    }
    %scan3A_69 = arith.constant 20 : i32
    "tpu.trace_stop"() : () -> ()
    "tpu.trace_start"() <{level = 10 : i32, message = "agg_out"}> : () -> ()
    %barrier3A_70 = arith.constant 0 : index
    tpu.barrier barrier_id(%barrier3A_70)
    %scan3A_71 = arith.constant 0 : i32
    %scan3A_72 = arith.constant 0 : i32
    %scan3A_73 = arith.constant 5 : i32
    %scan3A_74 = arith.addi %scan3A_72, %scan3A_73 : i32
    %scan3A_75 = arith.constant 1 : i32
    %scan3A_76 = scf.for %scan3A_78 = %scan3A_72 to %scan3A_74 step %scan3A_75 iter_args(%scan3A_79 = %scan3A_71) -> (i32)  : i32 {
      %mul3A_80 = arith.constant 640 : i32
      %mul3A_81 = arith.muli %arg1, %mul3A_80 : i32
      %mul3A_82 = arith.constant 128 : i32
      %mul3A_83 = arith.muli %scan3A_78, %mul3A_82 : i32
      %add3A_84 = arith.addi %mul3A_81, %mul3A_83 : i32
      %mul3A_85 = arith.constant 640 : i32
      %mul3A_86 = arith.muli %arg1, %mul3A_85 : i32
      %mul3A_87 = arith.constant 128 : i32
      %mul3A_88 = arith.muli %scan3A_78, %mul3A_87 : i32
      %add3A_89 = arith.addi %mul3A_86, %mul3A_88 : i32
      "tpu.region"() ({
        %run_scoped3A_91 = tpu.sem_alloc : memref<!tpu.dma_semaphore, #tpu.memory_space<semaphore_mem>>
        %dma_start3A_92 = arith.constant 0 : i32
        %dma_start3A_93 = tpu.memref_slice %arg4[%arg0, %add3A_89, %dma_start3A_92] : memref<2x10240x128xf32, #tpu.memory_space<hbm>> -> memref<1x128x128xf32, #tpu.memory_space<hbm>>
        %dma_start3A_94 = tpu.memref_squeeze %dma_start3A_93 : memref<1x128x128xf32, #tpu.memory_space<hbm>> -> memref<128x128xf32, #tpu.memory_space<hbm>>
        %dma_start3A_95 = arith.constant 0 : i32
        %dma_start3A_96 = tpu.memref_slice %arg9[%add3A_84, %dma_start3A_95] : memref<10240x128xf32, #tpu.memory_space<vmem_shared>> -> memref<128x128xf32, #tpu.memory_space<vmem_shared>>
        tpu.enqueue_dma source(%dma_start3A_96 : memref<128x128xf32, #tpu.memory_space<vmem_shared>>) target(%dma_start3A_94 : memref<128x128xf32, #tpu.memory_space<hbm>>) target_semaphore(%run_scoped3A_91 : memref<!tpu.dma_semaphore, #tpu.memory_space<semaphore_mem>>)
        %dma_wait3A = arith.constant 0 : i32
        %dma_wait3A_97 = tpu.memref_slice %arg4[%arg0, %add3A_89, %dma_wait3A] : memref<2x10240x128xf32, #tpu.memory_space<hbm>> -> memref<1x128x128xf32, #tpu.memory_space<hbm>>
        %dma_wait3A_98 = tpu.memref_squeeze %dma_wait3A_97 : memref<1x128x128xf32, #tpu.memory_space<hbm>> -> memref<128x128xf32, #tpu.memory_space<hbm>>
        %dma_wait3A_99 = arith.constant 0 : i32
        %dma_wait3A_100 = tpu.memref_slice %arg9[%add3A_84, %dma_wait3A_99] : memref<10240x128xf32, #tpu.memory_space<vmem_shared>> -> memref<128x128xf32, #tpu.memory_space<vmem_shared>>
        tpu.wait_dma2 semaphore(%run_scoped3A_91 : memref<!tpu.dma_semaphore, #tpu.memory_space<semaphore_mem>>) src(%dma_wait3A_100 : memref<128x128xf32, #tpu.memory_space<vmem_shared>>) dst(%dma_wait3A_98 : memref<128x128xf32, #tpu.memory_space<hbm>>)
        tpu.yield
      }) : () -> ()
      %scan3A_90 = arith.constant 0 : i32
      scf.yield %scan3A_90 : i32
    }
    %scan3A_77 = arith.constant 5 : i32
    "tpu.trace_stop"() : () -> ()
    return
  }
}

#map = affine_map<(d0, d1) -> (0, 0)>
#map1 = affine_map<(d0, d1) -> (0, 0, 0, 0)>
#map2 = affine_map<(d0, d1) -> (0, 0, 0)>
module attributes {stable_mosaic.version = 14 : i64} {
  func.func @agg_kernel(%arg0: i32, %arg1: i32, %arg2: memref<10000x128xf32, #tpu.memory_space<hbm>>, %arg3: memref<2x32x80x125xi32, #tpu.memory_space<hbm>>, %arg4: memref<2x10240x128xf32, #tpu.memory_space<hbm>>, %arg5: memref<40x125xi32, #tpu.memory_space<vmem>>, %arg6: memref<40x125xi32, #tpu.memory_space<vmem>>, %arg7: memref<128x128xf32, #tpu.memory_space<vmem>>, %arg8: memref<128x128xf32, #tpu.memory_space<vmem>>, %arg9: memref<10240x128xf32, #tpu.memory_space<vmem_shared>>, %arg10: memref<!tpu.dma_semaphore, #tpu.memory_space<semaphore_mem>>, %arg11: memref<!tpu.dma_semaphore, #tpu.memory_space<semaphore_mem>>) attributes {dimension_semantics = [#tpu.dimension_semantics<core_parallel>, #tpu.dimension_semantics<subcore_parallel>], iteration_bounds = array<i64: 2, 16>, scalar_prefetch = 0 : i64, scratch_operands = 7 : i64, tpu.core_type = #tpu.core_type<sc_vector_subcore>, window_params = [{transform_indices = #map}, {transform_indices = #map1}, {transform_indices = #map2}]} {
    %mul3A = arith.constant 16 : i32
    %mul3A_0 = arith.muli %arg0, %mul3A : i32
    %add3A = arith.addi %mul3A_0, %arg1 : i32
    "tpu.trace_start"() <{level = 10 : i32, message = "agg_clear"}> : () -> ()
    %scan3A = arith.constant 0 : i32
    %scan3A_1 = arith.constant 0 : i32
    %scan3A_2 = arith.constant 1024 : i32
    %scan3A_3 = arith.addi %scan3A_1, %scan3A_2 : i32
    %scan3A_4 = arith.constant 1 : i32
    %scan3A_5 = scf.for %scan3A_78 = %scan3A_1 to %scan3A_3 step %scan3A_4 iter_args(%scan3A_79 = %scan3A) -> (i32)  : i32 {
      %broadcast_in_dim3A = arith.constant 0.000000e+00 : f32
      %broadcast_in_dim3A_80 = vector.broadcast %broadcast_in_dim3A : f32 to vector<16xf32>
      %jit3A = arith.constant 8 : i32
      %div3A = arith.divsi %scan3A_78, %jit3A : i32
      %sign3A = arith.constant 0 : i32
      %sign3A_81 = arith.cmpi sgt, %scan3A_78, %sign3A : i32
      %sign3A_82 = arith.extui %sign3A_81 : i1 to i32
      %sign3A_83 = arith.constant 0 : i32
      %sign3A_84 = arith.cmpi slt, %scan3A_78, %sign3A_83 : i32
      %sign3A_85 = arith.extui %sign3A_84 : i1 to i32
      %sign3A_86 = arith.subi %sign3A_82, %sign3A_85 : i32
      %sign3A_87 = arith.constant 0 : i32
      %sign3A_88 = arith.cmpi sgt, %jit3A, %sign3A_87 : i32
      %sign3A_89 = arith.extui %sign3A_88 : i1 to i32
      %sign3A_90 = arith.constant 0 : i32
      %sign3A_91 = arith.cmpi slt, %jit3A, %sign3A_90 : i32
      %sign3A_92 = arith.extui %sign3A_91 : i1 to i32
      %sign3A_93 = arith.subi %sign3A_89, %sign3A_92 : i32
      %ne3A = arith.cmpi ne, %sign3A_86, %sign3A_93 : i32
      %rem3A = arith.remsi %scan3A_78, %jit3A : i32
      %ne3A_94 = arith.constant 0 : i32
      %ne3A_95 = arith.cmpi ne, %rem3A, %ne3A_94 : i32
      %and3A = arith.andi %ne3A, %ne3A_95 : i1
      %sub3A = arith.constant 1 : i32
      %sub3A_96 = arith.subi %div3A, %sub3A : i32
      %select_n3A = arith.select %and3A, %sub3A_96, %div3A : i32
      %jit3A_97 = arith.constant 8 : i32
      %eq3A = arith.constant 0 : i32
      %eq3A_98 = arith.cmpi eq, %jit3A_97, %eq3A : i32
      %jit3A_99 = arith.constant 1 : i32
      %select_n3A_100 = arith.select %eq3A_98, %jit3A_99, %jit3A_97 : i32
      %rem3A_101 = arith.remsi %scan3A_78, %select_n3A_100 : i32
      %ne3A_102 = arith.constant 0 : i32
      %ne3A_103 = arith.cmpi ne, %rem3A_101, %ne3A_102 : i32
      %lt3A = arith.constant 0 : i32
      %lt3A_104 = arith.cmpi slt, %rem3A_101, %lt3A : i32
      %lt3A_105 = arith.constant 0 : i32
      %lt3A_106 = arith.cmpi slt, %select_n3A_100, %lt3A_105 : i32
      %ne3A_107 = arith.xori %lt3A_104, %lt3A_106 : i1
      %and3A_108 = arith.andi %ne3A_107, %ne3A_103 : i1
      %add3A_109 = arith.addi %rem3A_101, %select_n3A_100 : i32
      %select_n3A_110 = arith.select %and3A_108, %add3A_109, %rem3A_101 : i32
      %mul3A_111 = arith.constant 16 : i32
      %mul3A_112 = arith.muli %select_n3A_110, %mul3A_111 : i32
      %swap3A = arith.index_cast %select_n3A : i32 to index
      %swap3A_113 = arith.index_cast %mul3A_112 : i32 to index
      %swap3A_114 = tpu.vector_load %arg7[%swap3A, %swap3A_113] {strides = array<i32>} : memref<128x128xf32, #tpu.memory_space<vmem>>, vector<1x16xf32>,
      %swap3A_115 = vector.shape_cast %swap3A_114 : vector<1x16xf32> to vector<16xf32>
      %swap3A_116 = vector.shape_cast %broadcast_in_dim3A_80 : vector<16xf32> to vector<1x16xf32>
      tpu.vector_store %arg7[%swap3A, %swap3A_113], %swap3A_116 {strides = array<i32>} : memref<128x128xf32, #tpu.memory_space<vmem>>, vector<1x16xf32>,
      %scan3A_117 = arith.constant 0 : i32
      scf.yield %scan3A_117 : i32
    }
    %scan3A_6 = arith.constant 1024 : i32
    %scan3A_7 = arith.constant 0 : i32
    %scan3A_8 = arith.constant 0 : i32
    %scan3A_9 = arith.constant 5 : i32
    %scan3A_10 = arith.addi %scan3A_8, %scan3A_9 : i32
    %scan3A_11 = arith.constant 1 : i32
    %scan3A_12 = scf.for %scan3A_78 = %scan3A_8 to %scan3A_10 step %scan3A_11 iter_args(%scan3A_79 = %scan3A_7) -> (i32)  : i32 {
      %mul3A_80 = arith.constant 640 : i32
      %mul3A_81 = arith.muli %arg1, %mul3A_80 : i32
      %mul3A_82 = arith.constant 128 : i32
      %mul3A_83 = arith.muli %scan3A_78, %mul3A_82 : i32
      %add3A_84 = arith.addi %mul3A_81, %mul3A_83 : i32
      "tpu.region"() ({
        %run_scoped3A_86 = tpu.sem_alloc : memref<!tpu.dma_semaphore, #tpu.memory_space<semaphore_mem>>
        %dma_start3A_87 = arith.constant 0 : i32
        %dma_start3A_88 = tpu.memref_slice %arg9[%add3A_84, %dma_start3A_87] : memref<10240x128xf32, #tpu.memory_space<vmem_shared>> -> memref<128x128xf32, #tpu.memory_space<vmem_shared>>
        %dma_start3A_89 = arith.constant 0 : i32
        %dma_start3A_90 = tpu.memref_slice %arg9[%add3A_84, %dma_start3A_89] : memref<10240x128xf32, #tpu.memory_space<vmem_shared>> -> memref<128x128xf32, #tpu.memory_space<vmem_shared>>
        tpu.enqueue_dma source(%arg7 : memref<128x128xf32, #tpu.memory_space<vmem>>) target(%dma_start3A_90 : memref<128x128xf32, #tpu.memory_space<vmem_shared>>) target_semaphore(%run_scoped3A_86 : memref<!tpu.dma_semaphore, #tpu.memory_space<semaphore_mem>>)
        %dma_wait3A = arith.constant 0 : i32
        %dma_wait3A_91 = tpu.memref_slice %arg9[%add3A_84, %dma_wait3A] : memref<10240x128xf32, #tpu.memory_space<vmem_shared>> -> memref<128x128xf32, #tpu.memory_space<vmem_shared>>
        %dma_wait3A_92 = arith.constant 0 : i32
        %dma_wait3A_93 = tpu.memref_slice %arg9[%add3A_84, %dma_wait3A_92] : memref<10240x128xf32, #tpu.memory_space<vmem_shared>> -> memref<128x128xf32, #tpu.memory_space<vmem_shared>>
        tpu.wait_dma2 semaphore(%run_scoped3A_86 : memref<!tpu.dma_semaphore, #tpu.memory_space<semaphore_mem>>) src(%arg7 : memref<128x128xf32, #tpu.memory_space<vmem>>) dst(%dma_wait3A_93 : memref<128x128xf32, #tpu.memory_space<vmem_shared>>)
        tpu.yield
      }) : () -> ()
      %scan3A_85 = arith.constant 0 : i32
      scf.yield %scan3A_85 : i32
    }
    %scan3A_13 = arith.constant 5 : i32
    %barrier3A = arith.constant 0 : index
    tpu.barrier barrier_id(%barrier3A)
    %run_scoped3A = arith.constant 0 : i32
    "tpu.trace_stop"() : () -> ()
    "tpu.trace_start"() <{level = 10 : i32, message = "agg_half0"}> : () -> ()
    "tpu.region"() ({
      %run_scoped3A_78 = tpu.sem_alloc : memref<!tpu.dma_semaphore, #tpu.memory_space<semaphore_mem>>
      %dma_start3A_79 = arith.constant 0 : i32
      %dma_start3A_80 = arith.constant 0 : i32
      %dma_start3A_81 = tpu.memref_slice %arg3[%run_scoped3A, %add3A, %dma_start3A_79, %dma_start3A_80] : memref<2x32x80x125xi32, #tpu.memory_space<hbm>> -> memref<1x1x40x125xi32, #tpu.memory_space<hbm>>
      %dma_start3A_82 = tpu.memref_squeeze %dma_start3A_81 : memref<1x1x40x125xi32, #tpu.memory_space<hbm>> -> memref<40x125xi32, #tpu.memory_space<hbm>>
      %dma_start3A_83 = arith.constant 0 : i32
      %dma_start3A_84 = arith.constant 0 : i32
      %dma_start3A_85 = tpu.memref_slice %arg3[%run_scoped3A, %add3A, %dma_start3A_83, %dma_start3A_84] : memref<2x32x80x125xi32, #tpu.memory_space<hbm>> -> memref<1x1x40x125xi32, #tpu.memory_space<hbm>>
      %dma_start3A_86 = tpu.memref_squeeze %dma_start3A_85 : memref<1x1x40x125xi32, #tpu.memory_space<hbm>> -> memref<40x125xi32, #tpu.memory_space<hbm>>
      tpu.enqueue_dma source(%dma_start3A_86 : memref<40x125xi32, #tpu.memory_space<hbm>>) target(%arg5 : memref<40x125xi32, #tpu.memory_space<vmem>>) target_semaphore(%run_scoped3A_78 : memref<!tpu.dma_semaphore, #tpu.memory_space<semaphore_mem>>)
      %dma_wait3A = arith.constant 0 : i32
      %dma_wait3A_87 = arith.constant 0 : i32
      %dma_wait3A_88 = tpu.memref_slice %arg3[%run_scoped3A, %add3A, %dma_wait3A, %dma_wait3A_87] : memref<2x32x80x125xi32, #tpu.memory_space<hbm>> -> memref<1x1x40x125xi32, #tpu.memory_space<hbm>>
      %dma_wait3A_89 = tpu.memref_squeeze %dma_wait3A_88 : memref<1x1x40x125xi32, #tpu.memory_space<hbm>> -> memref<40x125xi32, #tpu.memory_space<hbm>>
      %dma_wait3A_90 = arith.constant 0 : i32
      %dma_wait3A_91 = arith.constant 0 : i32
      %dma_wait3A_92 = tpu.memref_slice %arg3[%run_scoped3A, %add3A, %dma_wait3A_90, %dma_wait3A_91] : memref<2x32x80x125xi32, #tpu.memory_space<hbm>> -> memref<1x1x40x125xi32, #tpu.memory_space<hbm>>
      %dma_wait3A_93 = tpu.memref_squeeze %dma_wait3A_92 : memref<1x1x40x125xi32, #tpu.memory_space<hbm>> -> memref<40x125xi32, #tpu.memory_space<hbm>>
      tpu.wait_dma2 semaphore(%run_scoped3A_78 : memref<!tpu.dma_semaphore, #tpu.memory_space<semaphore_mem>>) src(%dma_wait3A_93 : memref<40x125xi32, #tpu.memory_space<hbm>>) dst(%arg5 : memref<40x125xi32, #tpu.memory_space<vmem>>)
      tpu.yield
    }) : () -> ()
    %run_scoped3A_14 = arith.constant 1 : i32
    "tpu.region"() ({
      %run_scoped3A_78 = tpu.sem_alloc : memref<!tpu.dma_semaphore, #tpu.memory_space<semaphore_mem>>
      %dma_start3A_79 = arith.constant 0 : i32
      %dma_start3A_80 = arith.constant 0 : i32
      %dma_start3A_81 = tpu.memref_slice %arg3[%run_scoped3A_14, %add3A, %dma_start3A_79, %dma_start3A_80] : memref<2x32x80x125xi32, #tpu.memory_space<hbm>> -> memref<1x1x40x125xi32, #tpu.memory_space<hbm>>
      %dma_start3A_82 = tpu.memref_squeeze %dma_start3A_81 : memref<1x1x40x125xi32, #tpu.memory_space<hbm>> -> memref<40x125xi32, #tpu.memory_space<hbm>>
      %dma_start3A_83 = arith.constant 0 : i32
      %dma_start3A_84 = arith.constant 0 : i32
      %dma_start3A_85 = tpu.memref_slice %arg3[%run_scoped3A_14, %add3A, %dma_start3A_83, %dma_start3A_84] : memref<2x32x80x125xi32, #tpu.memory_space<hbm>> -> memref<1x1x40x125xi32, #tpu.memory_space<hbm>>
      %dma_start3A_86 = tpu.memref_squeeze %dma_start3A_85 : memref<1x1x40x125xi32, #tpu.memory_space<hbm>> -> memref<40x125xi32, #tpu.memory_space<hbm>>
      tpu.enqueue_dma source(%dma_start3A_86 : memref<40x125xi32, #tpu.memory_space<hbm>>) target(%arg6 : memref<40x125xi32, #tpu.memory_space<vmem>>) target_semaphore(%run_scoped3A_78 : memref<!tpu.dma_semaphore, #tpu.memory_space<semaphore_mem>>)
      %dma_wait3A = arith.constant 0 : i32
      %dma_wait3A_87 = arith.constant 0 : i32
      %dma_wait3A_88 = tpu.memref_slice %arg3[%run_scoped3A_14, %add3A, %dma_wait3A, %dma_wait3A_87] : memref<2x32x80x125xi32, #tpu.memory_space<hbm>> -> memref<1x1x40x125xi32, #tpu.memory_space<hbm>>
      %dma_wait3A_89 = tpu.memref_squeeze %dma_wait3A_88 : memref<1x1x40x125xi32, #tpu.memory_space<hbm>> -> memref<40x125xi32, #tpu.memory_space<hbm>>
      %dma_wait3A_90 = arith.constant 0 : i32
      %dma_wait3A_91 = arith.constant 0 : i32
      %dma_wait3A_92 = tpu.memref_slice %arg3[%run_scoped3A_14, %add3A, %dma_wait3A_90, %dma_wait3A_91] : memref<2x32x80x125xi32, #tpu.memory_space<hbm>> -> memref<1x1x40x125xi32, #tpu.memory_space<hbm>>
      %dma_wait3A_93 = tpu.memref_squeeze %dma_wait3A_92 : memref<1x1x40x125xi32, #tpu.memory_space<hbm>> -> memref<40x125xi32, #tpu.memory_space<hbm>>
      tpu.wait_dma2 semaphore(%run_scoped3A_78 : memref<!tpu.dma_semaphore, #tpu.memory_space<semaphore_mem>>) src(%dma_wait3A_93 : memref<40x125xi32, #tpu.memory_space<hbm>>) dst(%arg6 : memref<40x125xi32, #tpu.memory_space<vmem>>)
      tpu.yield
    }) : () -> ()
    %dma_start3A = arith.constant 0 : i32
    %dma_start3A_15 = arith.constant 0 : i32
    %dma_start3A_16 = arith.constant 0 : i32
    %dma_start3A_17 = tpu.memref_slice %arg7[%dma_start3A_15, %dma_start3A_16] : memref<128x128xf32, #tpu.memory_space<vmem>> -> memref<125x128xf32, #tpu.memory_space<vmem>>
    %dma_start3A_18 = arith.constant 0 : i32
    %dma_start3A_19 = tpu.memref_slice %arg5[%dma_start3A, %dma_start3A_18] : memref<40x125xi32, #tpu.memory_space<vmem>> -> memref<1x125xi32, #tpu.memory_space<vmem>>
    %dma_start3A_20 = tpu.memref_squeeze %dma_start3A_19 : memref<1x125xi32, #tpu.memory_space<vmem>> -> memref<125xi32, #tpu.memory_space<vmem>>
    %dma_start3A_21 = arith.constant 0 : i32
    %dma_start3A_22 = arith.constant 0 : i32
    %dma_start3A_23 = tpu.memref_slice %arg2[%dma_start3A_21, %dma_start3A_22] : memref<10000x128xf32, #tpu.memory_space<hbm>> -> memref<10000x128xf32, #tpu.memory_space<hbm>>
    tpu.enqueue_indirect_dma source(%dma_start3A_23 : memref<10000x128xf32, #tpu.memory_space<hbm>>) target(%dma_start3A_17 : memref<125x128xf32, #tpu.memory_space<vmem>>) offsets(%dma_start3A_20 : memref<125xi32, #tpu.memory_space<vmem>>) semaphore(%arg10 : memref<!tpu.dma_semaphore, #tpu.memory_space<semaphore_mem>>)
    %dma_start3A_24 = arith.constant 1 : i32
    %dma_start3A_25 = arith.constant 0 : i32
    %dma_start3A_26 = arith.constant 0 : i32
    %dma_start3A_27 = tpu.memref_slice %arg8[%dma_start3A_25, %dma_start3A_26] : memref<128x128xf32, #tpu.memory_space<vmem>> -> memref<125x128xf32, #tpu.memory_space<vmem>>
    %dma_start3A_28 = arith.constant 0 : i32
    %dma_start3A_29 = tpu.memref_slice %arg5[%dma_start3A_24, %dma_start3A_28] : memref<40x125xi32, #tpu.memory_space<vmem>> -> memref<1x125xi32, #tpu.memory_space<vmem>>
    %dma_start3A_30 = tpu.memref_squeeze %dma_start3A_29 : memref<1x125xi32, #tpu.memory_space<vmem>> -> memref<125xi32, #tpu.memory_space<vmem>>
    %dma_start3A_31 = arith.constant 0 : i32
    %dma_start3A_32 = arith.constant 0 : i32
    %dma_start3A_33 = tpu.memref_slice %arg2[%dma_start3A_31, %dma_start3A_32] : memref<10000x128xf32, #tpu.memory_space<hbm>> -> memref<10000x128xf32, #tpu.memory_space<hbm>>
    tpu.enqueue_indirect_dma source(%dma_start3A_33 : memref<10000x128xf32, #tpu.memory_space<hbm>>) target(%dma_start3A_27 : memref<125x128xf32, #tpu.memory_space<vmem>>) offsets(%dma_start3A_30 : memref<125xi32, #tpu.memory_space<vmem>>) semaphore(%arg10 : memref<!tpu.dma_semaphore, #tpu.memory_space<semaphore_mem>>)
    %scan3A_34 = arith.constant 0 : i32
    %scan3A_35 = arith.constant 0 : i32
    %scan3A_36 = arith.constant 20 : i32
    %scan3A_37 = arith.addi %scan3A_35, %scan3A_36 : i32
    %scan3A_38 = arith.constant 1 : i32
    %scan3A_39 = scf.for %scan3A_78 = %scan3A_35 to %scan3A_37 step %scan3A_38 iter_args(%scan3A_79 = %scan3A_34) -> (i32)  : i32 {
      %mul3A_80 = arith.constant 2 : i32
      %mul3A_81 = arith.muli %scan3A_78, %mul3A_80 : i32
      %dma_wait3A = arith.constant 0 : i32
      %dma_wait3A_82 = arith.constant 0 : i32
      %dma_wait3A_83 = arith.constant 0 : i32
      %dma_wait3A_84 = tpu.memref_slice %arg7[%dma_wait3A_82, %dma_wait3A_83] : memref<128x128xf32, #tpu.memory_space<vmem>> -> memref<125x128xf32, #tpu.memory_space<vmem>>
      %dma_wait3A_85 = arith.constant 0 : i32
      %dma_wait3A_86 = tpu.memref_slice %arg5[%dma_wait3A, %dma_wait3A_85] : memref<40x125xi32, #tpu.memory_space<vmem>> -> memref<1x125xi32, #tpu.memory_space<vmem>>
      %dma_wait3A_87 = tpu.memref_squeeze %dma_wait3A_86 : memref<1x125xi32, #tpu.memory_space<vmem>> -> memref<125xi32, #tpu.memory_space<vmem>>
      %dma_wait3A_88 = arith.constant 0 : i32
      %dma_wait3A_89 = arith.constant 0 : i32
      %dma_wait3A_90 = tpu.memref_slice %arg2[%dma_wait3A_88, %dma_wait3A_89] : memref<10000x128xf32, #tpu.memory_space<hbm>> -> memref<10000x128xf32, #tpu.memory_space<hbm>>
      tpu.wait_indirect_dma semaphore(%arg10 : memref<!tpu.dma_semaphore, #tpu.memory_space<semaphore_mem>>) src(%dma_wait3A_90 : memref<10000x128xf32, #tpu.memory_space<hbm>>) dst(%dma_wait3A_84 : memref<125x128xf32, #tpu.memory_space<vmem>>)
      "tpu.region"() ({
        %run_scoped3A_111 = tpu.sem_alloc : memref<!tpu.dma_semaphore, #tpu.memory_space<semaphore_mem>>
        %dma_start3A_112 = arith.constant 0 : i32
        %dma_start3A_113 = arith.constant 0 : i32
        %dma_start3A_114 = tpu.memref_slice %arg7[%dma_start3A_112, %dma_start3A_113] : memref<128x128xf32, #tpu.memory_space<vmem>> -> memref<125x128xf32, #tpu.memory_space<vmem>>
        %dma_start3A_115 = arith.constant 0 : i32
        %dma_start3A_116 = tpu.memref_slice %arg6[%mul3A_81, %dma_start3A_115] : memref<40x125xi32, #tpu.memory_space<vmem>> -> memref<1x125xi32, #tpu.memory_space<vmem>>
        %dma_start3A_117 = tpu.memref_squeeze %dma_start3A_116 : memref<1x125xi32, #tpu.memory_space<vmem>> -> memref<125xi32, #tpu.memory_space<vmem>>
        %dma_start3A_118 = arith.constant 0 : i32
        %dma_start3A_119 = arith.constant 0 : i32
        %dma_start3A_120 = tpu.memref_slice %arg9[%dma_start3A_118, %dma_start3A_119] : memref<10240x128xf32, #tpu.memory_space<vmem_shared>> -> memref<10240x128xf32, #tpu.memory_space<vmem_shared>>
        tpu.enqueue_indirect_dma source(%dma_start3A_114 : memref<125x128xf32, #tpu.memory_space<vmem>>) target(%dma_start3A_120 : memref<10240x128xf32, #tpu.memory_space<vmem_shared>>) offsets(%dma_start3A_117 : memref<125xi32, #tpu.memory_space<vmem>>) semaphore(%run_scoped3A_111 : memref<!tpu.dma_semaphore, #tpu.memory_space<semaphore_mem>>) {add = true}
        %dma_wait3A_121 = arith.constant 0 : i32
        %dma_wait3A_122 = arith.constant 0 : i32
        %dma_wait3A_123 = tpu.memref_slice %arg7[%dma_wait3A_121, %dma_wait3A_122] : memref<128x128xf32, #tpu.memory_space<vmem>> -> memref<125x128xf32, #tpu.memory_space<vmem>>
        %dma_wait3A_124 = arith.constant 0 : i32
        %dma_wait3A_125 = tpu.memref_slice %arg6[%mul3A_81, %dma_wait3A_124] : memref<40x125xi32, #tpu.memory_space<vmem>> -> memref<1x125xi32, #tpu.memory_space<vmem>>
        %dma_wait3A_126 = tpu.memref_squeeze %dma_wait3A_125 : memref<1x125xi32, #tpu.memory_space<vmem>> -> memref<125xi32, #tpu.memory_space<vmem>>
        %dma_wait3A_127 = arith.constant 0 : i32
        %dma_wait3A_128 = arith.constant 0 : i32
        %dma_wait3A_129 = tpu.memref_slice %arg9[%dma_wait3A_127, %dma_wait3A_128] : memref<10240x128xf32, #tpu.memory_space<vmem_shared>> -> memref<10240x128xf32, #tpu.memory_space<vmem_shared>>
        tpu.wait_indirect_dma semaphore(%run_scoped3A_111 : memref<!tpu.dma_semaphore, #tpu.memory_space<semaphore_mem>>) src(%dma_wait3A_123 : memref<125x128xf32, #tpu.memory_space<vmem>>) dst(%dma_wait3A_129 : memref<10240x128xf32, #tpu.memory_space<vmem_shared>>)
        tpu.yield
      }) : () -> ()
      %lt3A = arith.constant 19 : i32
      %lt3A_91 = arith.cmpi slt, %scan3A_78, %lt3A : i32
      %convert_element_type3A = arith.extui %lt3A_91 : i1 to i32
      %cond3A = arith.constant 0 : i32
      %cond3A_92 = arith.cmpi ne, %convert_element_type3A, %cond3A : i32
      scf.if %cond3A_92 {
        %add3A_111 = arith.constant 2 : i32
        %add3A_112 = arith.addi %mul3A_81, %add3A_111 : i32
        %dma_start3A_113 = arith.constant 0 : i32
        %dma_start3A_114 = arith.constant 0 : i32
        %dma_start3A_115 = tpu.memref_slice %arg7[%dma_start3A_113, %dma_start3A_114] : memref<128x128xf32, #tpu.memory_space<vmem>> -> memref<125x128xf32, #tpu.memory_space<vmem>>
        %dma_start3A_116 = arith.constant 0 : i32
        %dma_start3A_117 = tpu.memref_slice %arg5[%add3A_112, %dma_start3A_116] : memref<40x125xi32, #tpu.memory_space<vmem>> -> memref<1x125xi32, #tpu.memory_space<vmem>>
        %dma_start3A_118 = tpu.memref_squeeze %dma_start3A_117 : memref<1x125xi32, #tpu.memory_space<vmem>> -> memref<125xi32, #tpu.memory_space<vmem>>
        %dma_start3A_119 = arith.constant 0 : i32
        %dma_start3A_120 = arith.constant 0 : i32
        %dma_start3A_121 = tpu.memref_slice %arg2[%dma_start3A_119, %dma_start3A_120] : memref<10000x128xf32, #tpu.memory_space<hbm>> -> memref<10000x128xf32, #tpu.memory_space<hbm>>
        tpu.enqueue_indirect_dma source(%dma_start3A_121 : memref<10000x128xf32, #tpu.memory_space<hbm>>) target(%dma_start3A_115 : memref<125x128xf32, #tpu.memory_space<vmem>>) offsets(%dma_start3A_118 : memref<125xi32, #tpu.memory_space<vmem>>) semaphore(%arg10 : memref<!tpu.dma_semaphore, #tpu.memory_space<semaphore_mem>>)
      } else {
      }
      %dma_wait3A_93 = arith.constant 0 : i32
      %dma_wait3A_94 = arith.constant 0 : i32
      %dma_wait3A_95 = arith.constant 0 : i32
      %dma_wait3A_96 = tpu.memref_slice %arg8[%dma_wait3A_94, %dma_wait3A_95] : memref<128x128xf32, #tpu.memory_space<vmem>> -> memref<125x128xf32, #tpu.memory_space<vmem>>
      %dma_wait3A_97 = arith.constant 0 : i32
      %dma_wait3A_98 = tpu.memref_slice %arg5[%dma_wait3A_93, %dma_wait3A_97] : memref<40x125xi32, #tpu.memory_space<vmem>> -> memref<1x125xi32, #tpu.memory_space<vmem>>
      %dma_wait3A_99 = tpu.memref_squeeze %dma_wait3A_98 : memref<1x125xi32, #tpu.memory_space<vmem>> -> memref<125xi32, #tpu.memory_space<vmem>>
      %dma_wait3A_100 = arith.constant 0 : i32
      %dma_wait3A_101 = arith.constant 0 : i32
      %dma_wait3A_102 = tpu.memref_slice %arg2[%dma_wait3A_100, %dma_wait3A_101] : memref<10000x128xf32, #tpu.memory_space<hbm>> -> memref<10000x128xf32, #tpu.memory_space<hbm>>
      tpu.wait_indirect_dma semaphore(%arg10 : memref<!tpu.dma_semaphore, #tpu.memory_space<semaphore_mem>>) src(%dma_wait3A_102 : memref<10000x128xf32, #tpu.memory_space<hbm>>) dst(%dma_wait3A_96 : memref<125x128xf32, #tpu.memory_space<vmem>>)
      %add3A_103 = arith.constant 1 : i32
      %add3A_104 = arith.addi %mul3A_81, %add3A_103 : i32
      "tpu.region"() ({
        %run_scoped3A_111 = tpu.sem_alloc : memref<!tpu.dma_semaphore, #tpu.memory_space<semaphore_mem>>
        %dma_start3A_112 = arith.constant 0 : i32
        %dma_start3A_113 = arith.constant 0 : i32
        %dma_start3A_114 = tpu.memref_slice %arg8[%dma_start3A_112, %dma_start3A_113] : memref<128x128xf32, #tpu.memory_space<vmem>> -> memref<125x128xf32, #tpu.memory_space<vmem>>
        %dma_start3A_115 = arith.constant 0 : i32
        %dma_start3A_116 = tpu.memref_slice %arg6[%add3A_104, %dma_start3A_115] : memref<40x125xi32, #tpu.memory_space<vmem>> -> memref<1x125xi32, #tpu.memory_space<vmem>>
        %dma_start3A_117 = tpu.memref_squeeze %dma_start3A_116 : memref<1x125xi32, #tpu.memory_space<vmem>> -> memref<125xi32, #tpu.memory_space<vmem>>
        %dma_start3A_118 = arith.constant 0 : i32
        %dma_start3A_119 = arith.constant 0 : i32
        %dma_start3A_120 = tpu.memref_slice %arg9[%dma_start3A_118, %dma_start3A_119] : memref<10240x128xf32, #tpu.memory_space<vmem_shared>> -> memref<10240x128xf32, #tpu.memory_space<vmem_shared>>
        tpu.enqueue_indirect_dma source(%dma_start3A_114 : memref<125x128xf32, #tpu.memory_space<vmem>>) target(%dma_start3A_120 : memref<10240x128xf32, #tpu.memory_space<vmem_shared>>) offsets(%dma_start3A_117 : memref<125xi32, #tpu.memory_space<vmem>>) semaphore(%run_scoped3A_111 : memref<!tpu.dma_semaphore, #tpu.memory_space<semaphore_mem>>) {add = true}
        %dma_wait3A_121 = arith.constant 0 : i32
        %dma_wait3A_122 = arith.constant 0 : i32
        %dma_wait3A_123 = tpu.memref_slice %arg8[%dma_wait3A_121, %dma_wait3A_122] : memref<128x128xf32, #tpu.memory_space<vmem>> -> memref<125x128xf32, #tpu.memory_space<vmem>>
        %dma_wait3A_124 = arith.constant 0 : i32
        %dma_wait3A_125 = tpu.memref_slice %arg6[%add3A_104, %dma_wait3A_124] : memref<40x125xi32, #tpu.memory_space<vmem>> -> memref<1x125xi32, #tpu.memory_space<vmem>>
        %dma_wait3A_126 = tpu.memref_squeeze %dma_wait3A_125 : memref<1x125xi32, #tpu.memory_space<vmem>> -> memref<125xi32, #tpu.memory_space<vmem>>
        %dma_wait3A_127 = arith.constant 0 : i32
        %dma_wait3A_128 = arith.constant 0 : i32
        %dma_wait3A_129 = tpu.memref_slice %arg9[%dma_wait3A_127, %dma_wait3A_128] : memref<10240x128xf32, #tpu.memory_space<vmem_shared>> -> memref<10240x128xf32, #tpu.memory_space<vmem_shared>>
        tpu.wait_indirect_dma semaphore(%run_scoped3A_111 : memref<!tpu.dma_semaphore, #tpu.memory_space<semaphore_mem>>) src(%dma_wait3A_123 : memref<125x128xf32, #tpu.memory_space<vmem>>) dst(%dma_wait3A_129 : memref<10240x128xf32, #tpu.memory_space<vmem_shared>>)
        tpu.yield
      }) : () -> ()
      %lt3A_105 = arith.constant 19 : i32
      %lt3A_106 = arith.cmpi slt, %scan3A_78, %lt3A_105 : i32
      %convert_element_type3A_107 = arith.extui %lt3A_106 : i1 to i32
      %cond3A_108 = arith.constant 0 : i32
      %cond3A_109 = arith.cmpi ne, %convert_element_type3A_107, %cond3A_108 : i32
      scf.if %cond3A_109 {
        %add3A_111 = arith.constant 3 : i32
        %add3A_112 = arith.addi %mul3A_81, %add3A_111 : i32
        %dma_start3A_113 = arith.constant 0 : i32
        %dma_start3A_114 = arith.constant 0 : i32
        %dma_start3A_115 = tpu.memref_slice %arg8[%dma_start3A_113, %dma_start3A_114] : memref<128x128xf32, #tpu.memory_space<vmem>> -> memref<125x128xf32, #tpu.memory_space<vmem>>
        %dma_start3A_116 = arith.constant 0 : i32
        %dma_start3A_117 = tpu.memref_slice %arg5[%add3A_112, %dma_start3A_116] : memref<40x125xi32, #tpu.memory_space<vmem>> -> memref<1x125xi32, #tpu.memory_space<vmem>>
        %dma_start3A_118 = tpu.memref_squeeze %dma_start3A_117 : memref<1x125xi32, #tpu.memory_space<vmem>> -> memref<125xi32, #tpu.memory_space<vmem>>
        %dma_start3A_119 = arith.constant 0 : i32
        %dma_start3A_120 = arith.constant 0 : i32
        %dma_start3A_121 = tpu.memref_slice %arg2[%dma_start3A_119, %dma_start3A_120] : memref<10000x128xf32, #tpu.memory_space<hbm>> -> memref<10000x128xf32, #tpu.memory_space<hbm>>
        tpu.enqueue_indirect_dma source(%dma_start3A_121 : memref<10000x128xf32, #tpu.memory_space<hbm>>) target(%dma_start3A_115 : memref<125x128xf32, #tpu.memory_space<vmem>>) offsets(%dma_start3A_118 : memref<125xi32, #tpu.memory_space<vmem>>) semaphore(%arg10 : memref<!tpu.dma_semaphore, #tpu.memory_space<semaphore_mem>>)
      } else {
      }
      %scan3A_110 = arith.constant 0 : i32
      scf.yield %scan3A_110 : i32
    }
    %scan3A_40 = arith.constant 20 : i32
    %run_scoped3A_41 = arith.constant 0 : i32
    "tpu.trace_stop"() : () -> ()
    "tpu.trace_start"() <{level = 10 : i32, message = "agg_half1"}> : () -> ()
    "tpu.region"() ({
      %run_scoped3A_78 = tpu.sem_alloc : memref<!tpu.dma_semaphore, #tpu.memory_space<semaphore_mem>>
      %dma_start3A_79 = arith.constant 40 : i32
      %dma_start3A_80 = arith.constant 0 : i32
      %dma_start3A_81 = tpu.memref_slice %arg3[%run_scoped3A_41, %add3A, %dma_start3A_79, %dma_start3A_80] : memref<2x32x80x125xi32, #tpu.memory_space<hbm>> -> memref<1x1x40x125xi32, #tpu.memory_space<hbm>>
      %dma_start3A_82 = tpu.memref_squeeze %dma_start3A_81 : memref<1x1x40x125xi32, #tpu.memory_space<hbm>> -> memref<40x125xi32, #tpu.memory_space<hbm>>
      %dma_start3A_83 = arith.constant 40 : i32
      %dma_start3A_84 = arith.constant 0 : i32
      %dma_start3A_85 = tpu.memref_slice %arg3[%run_scoped3A_41, %add3A, %dma_start3A_83, %dma_start3A_84] : memref<2x32x80x125xi32, #tpu.memory_space<hbm>> -> memref<1x1x40x125xi32, #tpu.memory_space<hbm>>
      %dma_start3A_86 = tpu.memref_squeeze %dma_start3A_85 : memref<1x1x40x125xi32, #tpu.memory_space<hbm>> -> memref<40x125xi32, #tpu.memory_space<hbm>>
      tpu.enqueue_dma source(%dma_start3A_86 : memref<40x125xi32, #tpu.memory_space<hbm>>) target(%arg5 : memref<40x125xi32, #tpu.memory_space<vmem>>) target_semaphore(%run_scoped3A_78 : memref<!tpu.dma_semaphore, #tpu.memory_space<semaphore_mem>>)
      %dma_wait3A = arith.constant 40 : i32
      %dma_wait3A_87 = arith.constant 0 : i32
      %dma_wait3A_88 = tpu.memref_slice %arg3[%run_scoped3A_41, %add3A, %dma_wait3A, %dma_wait3A_87] : memref<2x32x80x125xi32, #tpu.memory_space<hbm>> -> memref<1x1x40x125xi32, #tpu.memory_space<hbm>>
      %dma_wait3A_89 = tpu.memref_squeeze %dma_wait3A_88 : memref<1x1x40x125xi32, #tpu.memory_space<hbm>> -> memref<40x125xi32, #tpu.memory_space<hbm>>
      %dma_wait3A_90 = arith.constant 40 : i32
      %dma_wait3A_91 = arith.constant 0 : i32
      %dma_wait3A_92 = tpu.memref_slice %arg3[%run_scoped3A_41, %add3A, %dma_wait3A_90, %dma_wait3A_91] : memref<2x32x80x125xi32, #tpu.memory_space<hbm>> -> memref<1x1x40x125xi32, #tpu.memory_space<hbm>>
      %dma_wait3A_93 = tpu.memref_squeeze %dma_wait3A_92 : memref<1x1x40x125xi32, #tpu.memory_space<hbm>> -> memref<40x125xi32, #tpu.memory_space<hbm>>
      tpu.wait_dma2 semaphore(%run_scoped3A_78 : memref<!tpu.dma_semaphore, #tpu.memory_space<semaphore_mem>>) src(%dma_wait3A_93 : memref<40x125xi32, #tpu.memory_space<hbm>>) dst(%arg5 : memref<40x125xi32, #tpu.memory_space<vmem>>)
      tpu.yield
    }) : () -> ()
    %run_scoped3A_42 = arith.constant 1 : i32
    "tpu.region"() ({
      %run_scoped3A_78 = tpu.sem_alloc : memref<!tpu.dma_semaphore, #tpu.memory_space<semaphore_mem>>
      %dma_start3A_79 = arith.constant 40 : i32
      %dma_start3A_80 = arith.constant 0 : i32
      %dma_start3A_81 = tpu.memref_slice %arg3[%run_scoped3A_42, %add3A, %dma_start3A_79, %dma_start3A_80] : memref<2x32x80x125xi32, #tpu.memory_space<hbm>> -> memref<1x1x40x125xi32, #tpu.memory_space<hbm>>
      %dma_start3A_82 = tpu.memref_squeeze %dma_start3A_81 : memref<1x1x40x125xi32, #tpu.memory_space<hbm>> -> memref<40x125xi32, #tpu.memory_space<hbm>>
      %dma_start3A_83 = arith.constant 40 : i32
      %dma_start3A_84 = arith.constant 0 : i32
      %dma_start3A_85 = tpu.memref_slice %arg3[%run_scoped3A_42, %add3A, %dma_start3A_83, %dma_start3A_84] : memref<2x32x80x125xi32, #tpu.memory_space<hbm>> -> memref<1x1x40x125xi32, #tpu.memory_space<hbm>>
      %dma_start3A_86 = tpu.memref_squeeze %dma_start3A_85 : memref<1x1x40x125xi32, #tpu.memory_space<hbm>> -> memref<40x125xi32, #tpu.memory_space<hbm>>
      tpu.enqueue_dma source(%dma_start3A_86 : memref<40x125xi32, #tpu.memory_space<hbm>>) target(%arg6 : memref<40x125xi32, #tpu.memory_space<vmem>>) target_semaphore(%run_scoped3A_78 : memref<!tpu.dma_semaphore, #tpu.memory_space<semaphore_mem>>)
      %dma_wait3A = arith.constant 40 : i32
      %dma_wait3A_87 = arith.constant 0 : i32
      %dma_wait3A_88 = tpu.memref_slice %arg3[%run_scoped3A_42, %add3A, %dma_wait3A, %dma_wait3A_87] : memref<2x32x80x125xi32, #tpu.memory_space<hbm>> -> memref<1x1x40x125xi32, #tpu.memory_space<hbm>>
      %dma_wait3A_89 = tpu.memref_squeeze %dma_wait3A_88 : memref<1x1x40x125xi32, #tpu.memory_space<hbm>> -> memref<40x125xi32, #tpu.memory_space<hbm>>
      %dma_wait3A_90 = arith.constant 40 : i32
      %dma_wait3A_91 = arith.constant 0 : i32
      %dma_wait3A_92 = tpu.memref_slice %arg3[%run_scoped3A_42, %add3A, %dma_wait3A_90, %dma_wait3A_91] : memref<2x32x80x125xi32, #tpu.memory_space<hbm>> -> memref<1x1x40x125xi32, #tpu.memory_space<hbm>>
      %dma_wait3A_93 = tpu.memref_squeeze %dma_wait3A_92 : memref<1x1x40x125xi32, #tpu.memory_space<hbm>> -> memref<40x125xi32, #tpu.memory_space<hbm>>
      tpu.wait_dma2 semaphore(%run_scoped3A_78 : memref<!tpu.dma_semaphore, #tpu.memory_space<semaphore_mem>>) src(%dma_wait3A_93 : memref<40x125xi32, #tpu.memory_space<hbm>>) dst(%arg6 : memref<40x125xi32, #tpu.memory_space<vmem>>)
      tpu.yield
    }) : () -> ()
    %dma_start3A_43 = arith.constant 0 : i32
    %dma_start3A_44 = arith.constant 0 : i32
    %dma_start3A_45 = arith.constant 0 : i32
    %dma_start3A_46 = tpu.memref_slice %arg7[%dma_start3A_44, %dma_start3A_45] : memref<128x128xf32, #tpu.memory_space<vmem>> -> memref<125x128xf32, #tpu.memory_space<vmem>>
    %dma_start3A_47 = arith.constant 0 : i32
    %dma_start3A_48 = tpu.memref_slice %arg5[%dma_start3A_43, %dma_start3A_47] : memref<40x125xi32, #tpu.memory_space<vmem>> -> memref<1x125xi32, #tpu.memory_space<vmem>>
    %dma_start3A_49 = tpu.memref_squeeze %dma_start3A_48 : memref<1x125xi32, #tpu.memory_space<vmem>> -> memref<125xi32, #tpu.memory_space<vmem>>
    %dma_start3A_50 = arith.constant 0 : i32
    %dma_start3A_51 = arith.constant 0 : i32
    %dma_start3A_52 = tpu.memref_slice %arg2[%dma_start3A_50, %dma_start3A_51] : memref<10000x128xf32, #tpu.memory_space<hbm>> -> memref<10000x128xf32, #tpu.memory_space<hbm>>
    tpu.enqueue_indirect_dma source(%dma_start3A_52 : memref<10000x128xf32, #tpu.memory_space<hbm>>) target(%dma_start3A_46 : memref<125x128xf32, #tpu.memory_space<vmem>>) offsets(%dma_start3A_49 : memref<125xi32, #tpu.memory_space<vmem>>) semaphore(%arg10 : memref<!tpu.dma_semaphore, #tpu.memory_space<semaphore_mem>>)
    %dma_start3A_53 = arith.constant 1 : i32
    %dma_start3A_54 = arith.constant 0 : i32
    %dma_start3A_55 = arith.constant 0 : i32
    %dma_start3A_56 = tpu.memref_slice %arg8[%dma_start3A_54, %dma_start3A_55] : memref<128x128xf32, #tpu.memory_space<vmem>> -> memref<125x128xf32, #tpu.memory_space<vmem>>
    %dma_start3A_57 = arith.constant 0 : i32
    %dma_start3A_58 = tpu.memref_slice %arg5[%dma_start3A_53, %dma_start3A_57] : memref<40x125xi32, #tpu.memory_space<vmem>> -> memref<1x125xi32, #tpu.memory_space<vmem>>
    %dma_start3A_59 = tpu.memref_squeeze %dma_start3A_58 : memref<1x125xi32, #tpu.memory_space<vmem>> -> memref<125xi32, #tpu.memory_space<vmem>>
    %dma_start3A_60 = arith.constant 0 : i32
    %dma_start3A_61 = arith.constant 0 : i32
    %dma_start3A_62 = tpu.memref_slice %arg2[%dma_start3A_60, %dma_start3A_61] : memref<10000x128xf32, #tpu.memory_space<hbm>> -> memref<10000x128xf32, #tpu.memory_space<hbm>>
    tpu.enqueue_indirect_dma source(%dma_start3A_62 : memref<10000x128xf32, #tpu.memory_space<hbm>>) target(%dma_start3A_56 : memref<125x128xf32, #tpu.memory_space<vmem>>) offsets(%dma_start3A_59 : memref<125xi32, #tpu.memory_space<vmem>>) semaphore(%arg10 : memref<!tpu.dma_semaphore, #tpu.memory_space<semaphore_mem>>)
    %scan3A_63 = arith.constant 0 : i32
    %scan3A_64 = arith.constant 0 : i32
    %scan3A_65 = arith.constant 20 : i32
    %scan3A_66 = arith.addi %scan3A_64, %scan3A_65 : i32
    %scan3A_67 = arith.constant 1 : i32
    %scan3A_68 = scf.for %scan3A_78 = %scan3A_64 to %scan3A_66 step %scan3A_67 iter_args(%scan3A_79 = %scan3A_63) -> (i32)  : i32 {
      %mul3A_80 = arith.constant 2 : i32
      %mul3A_81 = arith.muli %scan3A_78, %mul3A_80 : i32
      %dma_wait3A = arith.constant 0 : i32
      %dma_wait3A_82 = arith.constant 0 : i32
      %dma_wait3A_83 = arith.constant 0 : i32
      %dma_wait3A_84 = tpu.memref_slice %arg7[%dma_wait3A_82, %dma_wait3A_83] : memref<128x128xf32, #tpu.memory_space<vmem>> -> memref<125x128xf32, #tpu.memory_space<vmem>>
      %dma_wait3A_85 = arith.constant 0 : i32
      %dma_wait3A_86 = tpu.memref_slice %arg5[%dma_wait3A, %dma_wait3A_85] : memref<40x125xi32, #tpu.memory_space<vmem>> -> memref<1x125xi32, #tpu.memory_space<vmem>>
      %dma_wait3A_87 = tpu.memref_squeeze %dma_wait3A_86 : memref<1x125xi32, #tpu.memory_space<vmem>> -> memref<125xi32, #tpu.memory_space<vmem>>
      %dma_wait3A_88 = arith.constant 0 : i32
      %dma_wait3A_89 = arith.constant 0 : i32
      %dma_wait3A_90 = tpu.memref_slice %arg2[%dma_wait3A_88, %dma_wait3A_89] : memref<10000x128xf32, #tpu.memory_space<hbm>> -> memref<10000x128xf32, #tpu.memory_space<hbm>>
      tpu.wait_indirect_dma semaphore(%arg10 : memref<!tpu.dma_semaphore, #tpu.memory_space<semaphore_mem>>) src(%dma_wait3A_90 : memref<10000x128xf32, #tpu.memory_space<hbm>>) dst(%dma_wait3A_84 : memref<125x128xf32, #tpu.memory_space<vmem>>)
      "tpu.region"() ({
        %run_scoped3A_111 = tpu.sem_alloc : memref<!tpu.dma_semaphore, #tpu.memory_space<semaphore_mem>>
        %dma_start3A_112 = arith.constant 0 : i32
        %dma_start3A_113 = arith.constant 0 : i32
        %dma_start3A_114 = tpu.memref_slice %arg7[%dma_start3A_112, %dma_start3A_113] : memref<128x128xf32, #tpu.memory_space<vmem>> -> memref<125x128xf32, #tpu.memory_space<vmem>>
        %dma_start3A_115 = arith.constant 0 : i32
        %dma_start3A_116 = tpu.memref_slice %arg6[%mul3A_81, %dma_start3A_115] : memref<40x125xi32, #tpu.memory_space<vmem>> -> memref<1x125xi32, #tpu.memory_space<vmem>>
        %dma_start3A_117 = tpu.memref_squeeze %dma_start3A_116 : memref<1x125xi32, #tpu.memory_space<vmem>> -> memref<125xi32, #tpu.memory_space<vmem>>
        %dma_start3A_118 = arith.constant 0 : i32
        %dma_start3A_119 = arith.constant 0 : i32
        %dma_start3A_120 = tpu.memref_slice %arg9[%dma_start3A_118, %dma_start3A_119] : memref<10240x128xf32, #tpu.memory_space<vmem_shared>> -> memref<10240x128xf32, #tpu.memory_space<vmem_shared>>
        tpu.enqueue_indirect_dma source(%dma_start3A_114 : memref<125x128xf32, #tpu.memory_space<vmem>>) target(%dma_start3A_120 : memref<10240x128xf32, #tpu.memory_space<vmem_shared>>) offsets(%dma_start3A_117 : memref<125xi32, #tpu.memory_space<vmem>>) semaphore(%run_scoped3A_111 : memref<!tpu.dma_semaphore, #tpu.memory_space<semaphore_mem>>) {add = true}
        %dma_wait3A_121 = arith.constant 0 : i32
        %dma_wait3A_122 = arith.constant 0 : i32
        %dma_wait3A_123 = tpu.memref_slice %arg7[%dma_wait3A_121, %dma_wait3A_122] : memref<128x128xf32, #tpu.memory_space<vmem>> -> memref<125x128xf32, #tpu.memory_space<vmem>>
        %dma_wait3A_124 = arith.constant 0 : i32
        %dma_wait3A_125 = tpu.memref_slice %arg6[%mul3A_81, %dma_wait3A_124] : memref<40x125xi32, #tpu.memory_space<vmem>> -> memref<1x125xi32, #tpu.memory_space<vmem>>
        %dma_wait3A_126 = tpu.memref_squeeze %dma_wait3A_125 : memref<1x125xi32, #tpu.memory_space<vmem>> -> memref<125xi32, #tpu.memory_space<vmem>>
        %dma_wait3A_127 = arith.constant 0 : i32
        %dma_wait3A_128 = arith.constant 0 : i32
        %dma_wait3A_129 = tpu.memref_slice %arg9[%dma_wait3A_127, %dma_wait3A_128] : memref<10240x128xf32, #tpu.memory_space<vmem_shared>> -> memref<10240x128xf32, #tpu.memory_space<vmem_shared>>
        tpu.wait_indirect_dma semaphore(%run_scoped3A_111 : memref<!tpu.dma_semaphore, #tpu.memory_space<semaphore_mem>>) src(%dma_wait3A_123 : memref<125x128xf32, #tpu.memory_space<vmem>>) dst(%dma_wait3A_129 : memref<10240x128xf32, #tpu.memory_space<vmem_shared>>)
        tpu.yield
      }) : () -> ()
      %lt3A = arith.constant 19 : i32
      %lt3A_91 = arith.cmpi slt, %scan3A_78, %lt3A : i32
      %convert_element_type3A = arith.extui %lt3A_91 : i1 to i32
      %cond3A = arith.constant 0 : i32
      %cond3A_92 = arith.cmpi ne, %convert_element_type3A, %cond3A : i32
      scf.if %cond3A_92 {
        %add3A_111 = arith.constant 2 : i32
        %add3A_112 = arith.addi %mul3A_81, %add3A_111 : i32
        %dma_start3A_113 = arith.constant 0 : i32
        %dma_start3A_114 = arith.constant 0 : i32
        %dma_start3A_115 = tpu.memref_slice %arg7[%dma_start3A_113, %dma_start3A_114] : memref<128x128xf32, #tpu.memory_space<vmem>> -> memref<125x128xf32, #tpu.memory_space<vmem>>
        %dma_start3A_116 = arith.constant 0 : i32
        %dma_start3A_117 = tpu.memref_slice %arg5[%add3A_112, %dma_start3A_116] : memref<40x125xi32, #tpu.memory_space<vmem>> -> memref<1x125xi32, #tpu.memory_space<vmem>>
        %dma_start3A_118 = tpu.memref_squeeze %dma_start3A_117 : memref<1x125xi32, #tpu.memory_space<vmem>> -> memref<125xi32, #tpu.memory_space<vmem>>
        %dma_start3A_119 = arith.constant 0 : i32
        %dma_start3A_120 = arith.constant 0 : i32
        %dma_start3A_121 = tpu.memref_slice %arg2[%dma_start3A_119, %dma_start3A_120] : memref<10000x128xf32, #tpu.memory_space<hbm>> -> memref<10000x128xf32, #tpu.memory_space<hbm>>
        tpu.enqueue_indirect_dma source(%dma_start3A_121 : memref<10000x128xf32, #tpu.memory_space<hbm>>) target(%dma_start3A_115 : memref<125x128xf32, #tpu.memory_space<vmem>>) offsets(%dma_start3A_118 : memref<125xi32, #tpu.memory_space<vmem>>) semaphore(%arg10 : memref<!tpu.dma_semaphore, #tpu.memory_space<semaphore_mem>>)
      } else {
      }
      %dma_wait3A_93 = arith.constant 0 : i32
      %dma_wait3A_94 = arith.constant 0 : i32
      %dma_wait3A_95 = arith.constant 0 : i32
      %dma_wait3A_96 = tpu.memref_slice %arg8[%dma_wait3A_94, %dma_wait3A_95] : memref<128x128xf32, #tpu.memory_space<vmem>> -> memref<125x128xf32, #tpu.memory_space<vmem>>
      %dma_wait3A_97 = arith.constant 0 : i32
      %dma_wait3A_98 = tpu.memref_slice %arg5[%dma_wait3A_93, %dma_wait3A_97] : memref<40x125xi32, #tpu.memory_space<vmem>> -> memref<1x125xi32, #tpu.memory_space<vmem>>
      %dma_wait3A_99 = tpu.memref_squeeze %dma_wait3A_98 : memref<1x125xi32, #tpu.memory_space<vmem>> -> memref<125xi32, #tpu.memory_space<vmem>>
      %dma_wait3A_100 = arith.constant 0 : i32
      %dma_wait3A_101 = arith.constant 0 : i32
      %dma_wait3A_102 = tpu.memref_slice %arg2[%dma_wait3A_100, %dma_wait3A_101] : memref<10000x128xf32, #tpu.memory_space<hbm>> -> memref<10000x128xf32, #tpu.memory_space<hbm>>
      tpu.wait_indirect_dma semaphore(%arg10 : memref<!tpu.dma_semaphore, #tpu.memory_space<semaphore_mem>>) src(%dma_wait3A_102 : memref<10000x128xf32, #tpu.memory_space<hbm>>) dst(%dma_wait3A_96 : memref<125x128xf32, #tpu.memory_space<vmem>>)
      %add3A_103 = arith.constant 1 : i32
      %add3A_104 = arith.addi %mul3A_81, %add3A_103 : i32
      "tpu.region"() ({
        %run_scoped3A_111 = tpu.sem_alloc : memref<!tpu.dma_semaphore, #tpu.memory_space<semaphore_mem>>
        %dma_start3A_112 = arith.constant 0 : i32
        %dma_start3A_113 = arith.constant 0 : i32
        %dma_start3A_114 = tpu.memref_slice %arg8[%dma_start3A_112, %dma_start3A_113] : memref<128x128xf32, #tpu.memory_space<vmem>> -> memref<125x128xf32, #tpu.memory_space<vmem>>
        %dma_start3A_115 = arith.constant 0 : i32
        %dma_start3A_116 = tpu.memref_slice %arg6[%add3A_104, %dma_start3A_115] : memref<40x125xi32, #tpu.memory_space<vmem>> -> memref<1x125xi32, #tpu.memory_space<vmem>>
        %dma_start3A_117 = tpu.memref_squeeze %dma_start3A_116 : memref<1x125xi32, #tpu.memory_space<vmem>> -> memref<125xi32, #tpu.memory_space<vmem>>
        %dma_start3A_118 = arith.constant 0 : i32
        %dma_start3A_119 = arith.constant 0 : i32
        %dma_start3A_120 = tpu.memref_slice %arg9[%dma_start3A_118, %dma_start3A_119] : memref<10240x128xf32, #tpu.memory_space<vmem_shared>> -> memref<10240x128xf32, #tpu.memory_space<vmem_shared>>
        tpu.enqueue_indirect_dma source(%dma_start3A_114 : memref<125x128xf32, #tpu.memory_space<vmem>>) target(%dma_start3A_120 : memref<10240x128xf32, #tpu.memory_space<vmem_shared>>) offsets(%dma_start3A_117 : memref<125xi32, #tpu.memory_space<vmem>>) semaphore(%run_scoped3A_111 : memref<!tpu.dma_semaphore, #tpu.memory_space<semaphore_mem>>) {add = true}
        %dma_wait3A_121 = arith.constant 0 : i32
        %dma_wait3A_122 = arith.constant 0 : i32
        %dma_wait3A_123 = tpu.memref_slice %arg8[%dma_wait3A_121, %dma_wait3A_122] : memref<128x128xf32, #tpu.memory_space<vmem>> -> memref<125x128xf32, #tpu.memory_space<vmem>>
        %dma_wait3A_124 = arith.constant 0 : i32
        %dma_wait3A_125 = tpu.memref_slice %arg6[%add3A_104, %dma_wait3A_124] : memref<40x125xi32, #tpu.memory_space<vmem>> -> memref<1x125xi32, #tpu.memory_space<vmem>>
        %dma_wait3A_126 = tpu.memref_squeeze %dma_wait3A_125 : memref<1x125xi32, #tpu.memory_space<vmem>> -> memref<125xi32, #tpu.memory_space<vmem>>
        %dma_wait3A_127 = arith.constant 0 : i32
        %dma_wait3A_128 = arith.constant 0 : i32
        %dma_wait3A_129 = tpu.memref_slice %arg9[%dma_wait3A_127, %dma_wait3A_128] : memref<10240x128xf32, #tpu.memory_space<vmem_shared>> -> memref<10240x128xf32, #tpu.memory_space<vmem_shared>>
        tpu.wait_indirect_dma semaphore(%run_scoped3A_111 : memref<!tpu.dma_semaphore, #tpu.memory_space<semaphore_mem>>) src(%dma_wait3A_123 : memref<125x128xf32, #tpu.memory_space<vmem>>) dst(%dma_wait3A_129 : memref<10240x128xf32, #tpu.memory_space<vmem_shared>>)
        tpu.yield
      }) : () -> ()
      %lt3A_105 = arith.constant 19 : i32
      %lt3A_106 = arith.cmpi slt, %scan3A_78, %lt3A_105 : i32
      %convert_element_type3A_107 = arith.extui %lt3A_106 : i1 to i32
      %cond3A_108 = arith.constant 0 : i32
      %cond3A_109 = arith.cmpi ne, %convert_element_type3A_107, %cond3A_108 : i32
      scf.if %cond3A_109 {
        %add3A_111 = arith.constant 3 : i32
        %add3A_112 = arith.addi %mul3A_81, %add3A_111 : i32
        %dma_start3A_113 = arith.constant 0 : i32
        %dma_start3A_114 = arith.constant 0 : i32
        %dma_start3A_115 = tpu.memref_slice %arg8[%dma_start3A_113, %dma_start3A_114] : memref<128x128xf32, #tpu.memory_space<vmem>> -> memref<125x128xf32, #tpu.memory_space<vmem>>
        %dma_start3A_116 = arith.constant 0 : i32
        %dma_start3A_117 = tpu.memref_slice %arg5[%add3A_112, %dma_start3A_116] : memref<40x125xi32, #tpu.memory_space<vmem>> -> memref<1x125xi32, #tpu.memory_space<vmem>>
        %dma_start3A_118 = tpu.memref_squeeze %dma_start3A_117 : memref<1x125xi32, #tpu.memory_space<vmem>> -> memref<125xi32, #tpu.memory_space<vmem>>
        %dma_start3A_119 = arith.constant 0 : i32
        %dma_start3A_120 = arith.constant 0 : i32
        %dma_start3A_121 = tpu.memref_slice %arg2[%dma_start3A_119, %dma_start3A_120] : memref<10000x128xf32, #tpu.memory_space<hbm>> -> memref<10000x128xf32, #tpu.memory_space<hbm>>
        tpu.enqueue_indirect_dma source(%dma_start3A_121 : memref<10000x128xf32, #tpu.memory_space<hbm>>) target(%dma_start3A_115 : memref<125x128xf32, #tpu.memory_space<vmem>>) offsets(%dma_start3A_118 : memref<125xi32, #tpu.memory_space<vmem>>) semaphore(%arg10 : memref<!tpu.dma_semaphore, #tpu.memory_space<semaphore_mem>>)
      } else {
      }
      %scan3A_110 = arith.constant 0 : i32
      scf.yield %scan3A_110 : i32
    }
    %scan3A_69 = arith.constant 20 : i32
    "tpu.trace_stop"() : () -> ()
    "tpu.trace_start"() <{level = 10 : i32, message = "agg_out"}> : () -> ()
    %barrier3A_70 = arith.constant 0 : index
    tpu.barrier barrier_id(%barrier3A_70)
    %scan3A_71 = arith.constant 0 : i32
    %scan3A_72 = arith.constant 0 : i32
    %scan3A_73 = arith.constant 5 : i32
    %scan3A_74 = arith.addi %scan3A_72, %scan3A_73 : i32
    %scan3A_75 = arith.constant 1 : i32
    %scan3A_76 = scf.for %scan3A_78 = %scan3A_72 to %scan3A_74 step %scan3A_75 iter_args(%scan3A_79 = %scan3A_71) -> (i32)  : i32 {
      %mul3A_80 = arith.constant 640 : i32
      %mul3A_81 = arith.muli %arg1, %mul3A_80 : i32
      %mul3A_82 = arith.constant 128 : i32
      %mul3A_83 = arith.muli %scan3A_78, %mul3A_82 : i32
      %add3A_84 = arith.addi %mul3A_81, %mul3A_83 : i32
      %mul3A_85 = arith.constant 640 : i32
      %mul3A_86 = arith.muli %arg1, %mul3A_85 : i32
      %mul3A_87 = arith.constant 128 : i32
      %mul3A_88 = arith.muli %scan3A_78, %mul3A_87 : i32
      %add3A_89 = arith.addi %mul3A_86, %mul3A_88 : i32
      "tpu.region"() ({
        %run_scoped3A_91 = tpu.sem_alloc : memref<!tpu.dma_semaphore, #tpu.memory_space<semaphore_mem>>
        %dma_start3A_92 = arith.constant 0 : i32
        %dma_start3A_93 = tpu.memref_slice %arg4[%arg0, %add3A_89, %dma_start3A_92] : memref<2x10240x128xf32, #tpu.memory_space<hbm>> -> memref<1x128x128xf32, #tpu.memory_space<hbm>>
        %dma_start3A_94 = tpu.memref_squeeze %dma_start3A_93 : memref<1x128x128xf32, #tpu.memory_space<hbm>> -> memref<128x128xf32, #tpu.memory_space<hbm>>
        %dma_start3A_95 = arith.constant 0 : i32
        %dma_start3A_96 = tpu.memref_slice %arg9[%add3A_84, %dma_start3A_95] : memref<10240x128xf32, #tpu.memory_space<vmem_shared>> -> memref<128x128xf32, #tpu.memory_space<vmem_shared>>
        tpu.enqueue_dma source(%dma_start3A_96 : memref<128x128xf32, #tpu.memory_space<vmem_shared>>) target(%dma_start3A_94 : memref<128x128xf32, #tpu.memory_space<hbm>>) target_semaphore(%run_scoped3A_91 : memref<!tpu.dma_semaphore, #tpu.memory_space<semaphore_mem>>)
        %dma_wait3A = arith.constant 0 : i32
        %dma_wait3A_97 = tpu.memref_slice %arg4[%arg0, %add3A_89, %dma_wait3A] : memref<2x10240x128xf32, #tpu.memory_space<hbm>> -> memref<1x128x128xf32, #tpu.memory_space<hbm>>
        %dma_wait3A_98 = tpu.memref_squeeze %dma_wait3A_97 : memref<1x128x128xf32, #tpu.memory_space<hbm>> -> memref<128x128xf32, #tpu.memory_space<hbm>>
        %dma_wait3A_99 = arith.constant 0 : i32
        %dma_wait3A_100 = tpu.memref_slice %arg9[%add3A_84, %dma_wait3A_99] : memref<10240x128xf32, #tpu.memory_space<vmem_shared>> -> memref<128x128xf32, #tpu.memory_space<vmem_shared>>
        tpu.wait_dma2 semaphore(%run_scoped3A_91 : memref<!tpu.dma_semaphore, #tpu.memory_space<semaphore_mem>>) src(%dma_wait3A_100 : memref<128x128xf32, #tpu.memory_space<vmem_shared>>) dst(%dma_wait3A_98 : memref<128x128xf32, #tpu.memory_space<hbm>>)
        tpu.yield
      }) : () -> ()
      %scan3A_90 = arith.constant 0 : i32
      scf.yield %scan3A_90 : i32
    }
    %scan3A_77 = arith.constant 5 : i32
    "tpu.trace_stop"() : () -> ()
    return
  }
}

module attributes {stable_mosaic.version = 14 : i64} {
  func.func @body(%arg0: i32, %arg1: memref<1024x128xf32, #tpu.memory_space<vmem>>, %arg2: memref<128x128xf32, #tpu.memory_space<vmem>>, %arg3: memref<2x2x1024xf32, #tpu.memory_space<vmem>>, %arg4: memref<1024x128xf32, #tpu.memory_space<vmem>>, %arg5: memref<1024x1xf32, #tpu.memory_space<vmem>>, %arg6: memref<1024x1xf32, #tpu.memory_space<vmem>>) attributes {dimension_semantics = [#tpu.dimension_semantics<arbitrary>], iteration_bounds = array<i64: 10>, scalar_prefetch = 0 : i64, scratch_operands = 0 : i64, tpu.core_type = #tpu.core_type<tc>, window_params = [{transform_indices = @transform_0, window_bounds = array<i64: 1024, 128>}, {pipeline_mode = #tpu.pipeline_mode<synchronous>, transform_indices = @transform_1, window_bounds = array<i64: 128, 128>}, {transform_indices = @transform_2, window_bounds = array<i64: 2, 2, 1024>}, {transform_indices = @transform_3, window_bounds = array<i64: 1024, 128>}, {transform_indices = @transform_4, window_bounds = array<i64: 1024, 1>}, {transform_indices = @transform_5, window_bounds = array<i64: 1024, 1>}]} {
    %get3A = arith.constant 0 : index
    %get3A_0 = arith.constant 0 : index
    %get3A_1 = arith.constant 0 : index
    %get3A_2 = vector.load %arg3[%get3A, %get3A_0, %get3A_1] : memref<2x2x1024xf32, #tpu.memory_space<vmem>>, vector<1x2x1024xf32>
    %get3A_3 = vector.shape_cast %get3A_2 : vector<1x2x1024xf32> to vector<2x1024xf32>
    %get3A_4 = arith.constant 1 : index
    %get3A_5 = arith.constant 0 : index
    %get3A_6 = arith.constant 0 : index
    %get3A_7 = vector.load %arg3[%get3A_4, %get3A_5, %get3A_6] : memref<2x2x1024xf32, #tpu.memory_space<vmem>>, vector<1x2x1024xf32>
    %get3A_8 = vector.shape_cast %get3A_7 : vector<1x2x1024xf32> to vector<2x1024xf32>
    %add3A = arith.addf %get3A_3, %get3A_8 : vector<2x1024xf32>
    %slice3A = vector.extract_strided_slice %add3A {offsets = [0, 0], sizes = [1, 1024], strides = [1, 1]} : vector<2x1024xf32> to vector<1x1024xf32>
    %squeeze3A = vector.shape_cast %slice3A : vector<1x1024xf32> to vector<1024xf32>
    %slice3A_9 = vector.extract_strided_slice %add3A {offsets = [1, 0], sizes = [1, 1024], strides = [1, 1]} : vector<2x1024xf32> to vector<1x1024xf32>
    %squeeze3A_10 = vector.shape_cast %slice3A_9 : vector<1x1024xf32> to vector<1024xf32>
    %gt3A = arith.constant 0.000000e+00 : f32
    %gt3A_11 = vector.broadcast %gt3A : f32 to vector<1024xf32>
    %gt3A_12 = arith.cmpf ogt, %squeeze3A, %gt3A_11 : vector<1024xf32>
    %max3A = arith.constant 1.000000e+00 : f32
    %max3A_13 = vector.broadcast %max3A : f32 to vector<1024xf32>
    %max3A_14 = arith.maximumf %squeeze3A, %max3A_13 : vector<1024xf32>
    %rsqrt3A = math.rsqrt %max3A_14 : vector<1024xf32>
    %jit3A = arith.constant 0.000000e+00 : f32
    %broadcast_in_dim3A = vector.broadcast %jit3A : f32 to vector<1024xf32>
    %select_n3A = arith.select %gt3A_12, %rsqrt3A, %broadcast_in_dim3A : vector<1024xi1>, vector<1024xf32>
    %gt3A_15 = arith.constant 0.000000e+00 : f32
    %gt3A_16 = vector.broadcast %gt3A_15 : f32 to vector<1024xf32>
    %gt3A_17 = arith.cmpf ogt, %squeeze3A_10, %gt3A_16 : vector<1024xf32>
    %max3A_18 = arith.constant 1.000000e+00 : f32
    %max3A_19 = vector.broadcast %max3A_18 : f32 to vector<1024xf32>
    %max3A_20 = arith.maximumf %squeeze3A_10, %max3A_19 : vector<1024xf32>
    %rsqrt3A_21 = math.rsqrt %max3A_20 : vector<1024xf32>
    %jit3A_22 = arith.constant 0.000000e+00 : f32
    %broadcast_in_dim3A_23 = vector.broadcast %jit3A_22 : f32 to vector<1024xf32>
    %select_n3A_24 = arith.select %gt3A_17, %rsqrt3A_21, %broadcast_in_dim3A_23 : vector<1024xi1>, vector<1024xf32>
    %get3A_25 = arith.constant 0 : index
    %get3A_26 = arith.constant 0 : index
    %get3A_27 = vector.load %arg1[%get3A_25, %get3A_26] : memref<1024x128xf32, #tpu.memory_space<vmem>>, vector<1024x128xf32>
    %get3A_28 = arith.constant 0 : index
    %get3A_29 = arith.constant 0 : index
    %get3A_30 = vector.load %arg2[%get3A_28, %get3A_29] : memref<128x128xf32, #tpu.memory_space<vmem>>, vector<128x128xf32>
    %dot_general3A = arith.constant dense<0.000000e+00> : vector<1024x128xf32>
    %dot_general3A_31 = tpu.matmul %get3A_27, %get3A_30, %dot_general3A {dimension_numbers = #tpu.dot_dimension_numbers<[1], [0], [0], [1], [0, 0, 1, 1], [], []>, transpose_lhs_hint = false} : vector<1024x128xf32>, vector<128x128xf32>, vector<1024x128xf32> -> vector<1024x128xf32>
    %broadcast_in_dim3A_32 = vector.shape_cast %select_n3A : vector<1024xf32> to vector<1024x1xf32>
    %mul3A = vector.broadcast %broadcast_in_dim3A_32 : vector<1024x1xf32> to vector<1024x128xf32>
    %mul3A_33 = arith.mulf %dot_general3A_31, %mul3A : vector<1024x128xf32>
    %swap3A = arith.constant 0 : index
    %swap3A_34 = arith.constant 0 : index
    %swap3A_35 = vector.load %arg4[%swap3A, %swap3A_34] : memref<1024x128xf32, #tpu.memory_space<vmem>>, vector<1024x128xf32>
    tpu.vector_store %arg4[%swap3A, %swap3A_34], %mul3A_33 {strides = array<i32>} : memref<1024x128xf32, #tpu.memory_space<vmem>>, vector<1024x128xf32>,
    %broadcast_in_dim3A_36 = vector.shape_cast %select_n3A : vector<1024xf32> to vector<1024x1xf32>
    %swap3A_37 = arith.constant 0 : index
    %swap3A_38 = arith.constant 0 : index
    %swap3A_39 = vector.load %arg5[%swap3A_37, %swap3A_38] : memref<1024x1xf32, #tpu.memory_space<vmem>>, vector<1024x1xf32>
    tpu.vector_store %arg5[%swap3A_37, %swap3A_38], %broadcast_in_dim3A_36 {strides = array<i32>} : memref<1024x1xf32, #tpu.memory_space<vmem>>, vector<1024x1xf32>,
    %broadcast_in_dim3A_40 = vector.shape_cast %select_n3A_24 : vector<1024xf32> to vector<1024x1xf32>
    %swap3A_41 = arith.constant 0 : index
    %swap3A_42 = arith.constant 0 : index
    %swap3A_43 = vector.load %arg6[%swap3A_41, %swap3A_42] : memref<1024x1xf32, #tpu.memory_space<vmem>>, vector<1024x1xf32>
    tpu.vector_store %arg6[%swap3A_41, %swap3A_42], %broadcast_in_dim3A_40 {strides = array<i32>} : memref<1024x1xf32, #tpu.memory_space<vmem>>, vector<1024x1xf32>,
    return
  }
  func.func @transform_0(%arg0: i32) -> (i32, i32) {
    %c0_i32 = arith.constant 0 : i32
    %c0_i32_0 = arith.constant 0 : i32
    return %arg0, %c0_i32 : i32, i32
  }
  func.func @transform_1(%arg0: i32) -> (i32, i32) {
    %c0_i32 = arith.constant 0 : i32
    %c0_i32_0 = arith.constant 0 : i32
    %c0_i32_1 = arith.constant 0 : i32
    return %c0_i32, %c0_i32_0 : i32, i32
  }
  func.func @transform_2(%arg0: i32) -> (i32, i32, i32) {
    %c0_i32 = arith.constant 0 : i32
    %c0_i32_0 = arith.constant 0 : i32
    %c0_i32_1 = arith.constant 0 : i32
    return %c0_i32, %c0_i32_0, %arg0 : i32, i32, i32
  }
  func.func @transform_3(%arg0: i32) -> (i32, i32) {
    %c0_i32 = arith.constant 0 : i32
    %c0_i32_0 = arith.constant 0 : i32
    return %arg0, %c0_i32 : i32, i32
  }
  func.func @transform_4(%arg0: i32) -> (i32, i32) {
    %c0_i32 = arith.constant 0 : i32
    %c0_i32_0 = arith.constant 0 : i32
    return %arg0, %c0_i32 : i32, i32
  }
  func.func @transform_5(%arg0: i32) -> (i32, i32) {
    %c0_i32 = arith.constant 0 : i32
    %c0_i32_0 = arith.constant 0 : i32
    return %arg0, %c0_i32 : i32, i32
  }
}

module attributes {stable_mosaic.version = 14 : i64} {
  func.func @body(%arg0: i32, %arg1: memref<2x1000x128xf32, #tpu.memory_space<vmem>>, %arg2: memref<1000x1xf32, #tpu.memory_space<vmem>>, %arg3: memref<1000x1xf32, #tpu.memory_space<vmem>>, %arg4: memref<1x128xf32, #tpu.memory_space<vmem>>, %arg5: memref<128x128xf32, #tpu.memory_space<vmem>>, %arg6: memref<1000x128xf32, #tpu.memory_space<vmem>>) attributes {dimension_semantics = [#tpu.dimension_semantics<arbitrary>], iteration_bounds = array<i64: 10>, scalar_prefetch = 0 : i64, scratch_operands = 0 : i64, tpu.core_type = #tpu.core_type<tc>, window_params = [{transform_indices = @transform_0, window_bounds = array<i64: 2, 1000, 128>}, {transform_indices = @transform_1, window_bounds = array<i64: 1000, 1>}, {transform_indices = @transform_2, window_bounds = array<i64: 1000, 1>}, {pipeline_mode = #tpu.pipeline_mode<synchronous>, transform_indices = @transform_3, window_bounds = array<i64: 1, 128>}, {pipeline_mode = #tpu.pipeline_mode<synchronous>, transform_indices = @transform_4, window_bounds = array<i64: 128, 128>}, {transform_indices = @transform_5, window_bounds = array<i64: 1000, 128>}]} {
    %get3A = arith.constant 0 : index
    %get3A_0 = arith.constant 0 : index
    %get3A_1 = arith.constant 0 : index
    %get3A_2 = vector.load %arg1[%get3A, %get3A_0, %get3A_1] : memref<2x1000x128xf32, #tpu.memory_space<vmem>>, vector<1x1000x128xf32>
    %get3A_3 = vector.shape_cast %get3A_2 : vector<1x1000x128xf32> to vector<1000x128xf32>
    %get3A_4 = arith.constant 1 : index
    %get3A_5 = arith.constant 0 : index
    %get3A_6 = arith.constant 0 : index
    %get3A_7 = vector.load %arg1[%get3A_4, %get3A_5, %get3A_6] : memref<2x1000x128xf32, #tpu.memory_space<vmem>>, vector<1x1000x128xf32>
    %get3A_8 = vector.shape_cast %get3A_7 : vector<1x1000x128xf32> to vector<1000x128xf32>
    %add3A = arith.addf %get3A_3, %get3A_8 : vector<1000x128xf32>
    %get3A_9 = arith.constant 0 : index
    %get3A_10 = arith.constant 0 : index
    %get3A_11 = vector.load %arg3[%get3A_9, %get3A_10] : memref<1000x1xf32, #tpu.memory_space<vmem>>, vector<1000x1xf32>
    %mul3A = vector.broadcast %get3A_11 : vector<1000x1xf32> to vector<1000x128xf32>
    %mul3A_12 = arith.mulf %add3A, %mul3A : vector<1000x128xf32>
    %get3A_13 = arith.constant 0 : index
    %get3A_14 = arith.constant 0 : index
    %get3A_15 = vector.load %arg4[%get3A_13, %get3A_14] : memref<1x128xf32, #tpu.memory_space<vmem>>, vector<1x128xf32>
    %add3A_16 = vector.broadcast %get3A_15 : vector<1x128xf32> to vector<1000x128xf32>
    %add3A_17 = arith.addf %mul3A_12, %add3A_16 : vector<1000x128xf32>
    %max3A = arith.constant 0.000000e+00 : f32
    %max3A_18 = vector.broadcast %max3A : f32 to vector<1000x128xf32>
    %max3A_19 = arith.maximumf %add3A_17, %max3A_18 : vector<1000x128xf32>
    %get3A_20 = arith.constant 0 : index
    %get3A_21 = arith.constant 0 : index
    %get3A_22 = vector.load %arg5[%get3A_20, %get3A_21] : memref<128x128xf32, #tpu.memory_space<vmem>>, vector<128x128xf32>
    %dot_general3A = arith.constant dense<0.000000e+00> : vector<1000x128xf32>
    %dot_general3A_23 = tpu.matmul %max3A_19, %get3A_22, %dot_general3A {dimension_numbers = #tpu.dot_dimension_numbers<[1], [0], [0], [1], [0, 0, 1, 1], [], []>, transpose_lhs_hint = false} : vector<1000x128xf32>, vector<128x128xf32>, vector<1000x128xf32> -> vector<1000x128xf32>
    %get3A_24 = arith.constant 0 : index
    %get3A_25 = arith.constant 0 : index
    %get3A_26 = vector.load %arg2[%get3A_24, %get3A_25] : memref<1000x1xf32, #tpu.memory_space<vmem>>, vector<1000x1xf32>
    %mul3A_27 = vector.broadcast %get3A_26 : vector<1000x1xf32> to vector<1000x128xf32>
    %mul3A_28 = arith.mulf %dot_general3A_23, %mul3A_27 : vector<1000x128xf32>
    %swap3A = arith.constant 0 : index
    %swap3A_29 = arith.constant 0 : index
    %swap3A_30 = vector.load %arg6[%swap3A, %swap3A_29] : memref<1000x128xf32, #tpu.memory_space<vmem>>, vector<1000x128xf32>
    tpu.vector_store %arg6[%swap3A, %swap3A_29], %mul3A_28 {strides = array<i32>} : memref<1000x128xf32, #tpu.memory_space<vmem>>, vector<1000x128xf32>,
    return
  }
  func.func @transform_0(%arg0: i32) -> (i32, i32, i32) {
    %c0_i32 = arith.constant 0 : i32
    %c0_i32_0 = arith.constant 0 : i32
    %c0_i32_1 = arith.constant 0 : i32
    return %c0_i32, %arg0, %c0_i32_0 : i32, i32, i32
  }
  func.func @transform_1(%arg0: i32) -> (i32, i32) {
    %c0_i32 = arith.constant 0 : i32
    %c0_i32_0 = arith.constant 0 : i32
    return %arg0, %c0_i32 : i32, i32
  }
  func.func @transform_2(%arg0: i32) -> (i32, i32) {
    %c0_i32 = arith.constant 0 : i32
    %c0_i32_0 = arith.constant 0 : i32
    return %arg0, %c0_i32 : i32, i32
  }
  func.func @transform_3(%arg0: i32) -> (i32, i32) {
    %c0_i32 = arith.constant 0 : i32
    %c0_i32_0 = arith.constant 0 : i32
    %c0_i32_1 = arith.constant 0 : i32
    return %c0_i32, %c0_i32_0 : i32, i32
  }
  func.func @transform_4(%arg0: i32) -> (i32, i32) {
    %c0_i32 = arith.constant 0 : i32
    %c0_i32_0 = arith.constant 0 : i32
    %c0_i32_1 = arith.constant 0 : i32
    return %c0_i32, %c0_i32_0 : i32, i32
  }
  func.func @transform_5(%arg0: i32) -> (i32, i32) {
    %c0_i32 = arith.constant 0 : i32
    %c0_i32_0 = arith.constant 0 : i32
    return %arg0, %c0_i32 : i32, i32
  }
}

module attributes {stable_mosaic.version = 14 : i64} {
  func.func @body(%arg0: i32, %arg1: memref<2x1000x128xf32, #tpu.memory_space<vmem>>, %arg2: memref<1000x1xf32, #tpu.memory_space<vmem>>, %arg3: memref<1x128xf32, #tpu.memory_space<vmem>>, %arg4: memref<1000x128xf32, #tpu.memory_space<vmem>>) attributes {dimension_semantics = [#tpu.dimension_semantics<arbitrary>], iteration_bounds = array<i64: 10>, scalar_prefetch = 0 : i64, scratch_operands = 0 : i64, tpu.core_type = #tpu.core_type<tc>, window_params = [{transform_indices = @transform_0, window_bounds = array<i64: 2, 1000, 128>}, {transform_indices = @transform_1, window_bounds = array<i64: 1000, 1>}, {pipeline_mode = #tpu.pipeline_mode<synchronous>, transform_indices = @transform_2, window_bounds = array<i64: 1, 128>}, {transform_indices = @transform_3, window_bounds = array<i64: 1000, 128>}]} {
    %get3A = arith.constant 0 : index
    %get3A_0 = arith.constant 0 : index
    %get3A_1 = arith.constant 0 : index
    %get3A_2 = vector.load %arg1[%get3A, %get3A_0, %get3A_1] : memref<2x1000x128xf32, #tpu.memory_space<vmem>>, vector<1x1000x128xf32>
    %get3A_3 = vector.shape_cast %get3A_2 : vector<1x1000x128xf32> to vector<1000x128xf32>
    %get3A_4 = arith.constant 1 : index
    %get3A_5 = arith.constant 0 : index
    %get3A_6 = arith.constant 0 : index
    %get3A_7 = vector.load %arg1[%get3A_4, %get3A_5, %get3A_6] : memref<2x1000x128xf32, #tpu.memory_space<vmem>>, vector<1x1000x128xf32>
    %get3A_8 = vector.shape_cast %get3A_7 : vector<1x1000x128xf32> to vector<1000x128xf32>
    %add3A = arith.addf %get3A_3, %get3A_8 : vector<1000x128xf32>
    %get3A_9 = arith.constant 0 : index
    %get3A_10 = arith.constant 0 : index
    %get3A_11 = vector.load %arg2[%get3A_9, %get3A_10] : memref<1000x1xf32, #tpu.memory_space<vmem>>, vector<1000x1xf32>
    %mul3A = vector.broadcast %get3A_11 : vector<1000x1xf32> to vector<1000x128xf32>
    %mul3A_12 = arith.mulf %add3A, %mul3A : vector<1000x128xf32>
    %get3A_13 = arith.constant 0 : index
    %get3A_14 = arith.constant 0 : index
    %get3A_15 = vector.load %arg3[%get3A_13, %get3A_14] : memref<1x128xf32, #tpu.memory_space<vmem>>, vector<1x128xf32>
    %add3A_16 = vector.broadcast %get3A_15 : vector<1x128xf32> to vector<1000x128xf32>
    %add3A_17 = arith.addf %mul3A_12, %add3A_16 : vector<1000x128xf32>
    %max3A = arith.constant 0.000000e+00 : f32
    %max3A_18 = vector.broadcast %max3A : f32 to vector<1000x128xf32>
    %max3A_19 = arith.maximumf %add3A_17, %max3A_18 : vector<1000x128xf32>
    %swap3A = arith.constant 0 : index
    %swap3A_20 = arith.constant 0 : index
    %swap3A_21 = vector.load %arg4[%swap3A, %swap3A_20] : memref<1000x128xf32, #tpu.memory_space<vmem>>, vector<1000x128xf32>
    tpu.vector_store %arg4[%swap3A, %swap3A_20], %max3A_19 {strides = array<i32>} : memref<1000x128xf32, #tpu.memory_space<vmem>>, vector<1000x128xf32>,
    return
  }
  func.func @transform_0(%arg0: i32) -> (i32, i32, i32) {
    %c0_i32 = arith.constant 0 : i32
    %c0_i32_0 = arith.constant 0 : i32
    %c0_i32_1 = arith.constant 0 : i32
    return %c0_i32, %arg0, %c0_i32_0 : i32, i32, i32
  }
  func.func @transform_1(%arg0: i32) -> (i32, i32) {
    %c0_i32 = arith.constant 0 : i32
    %c0_i32_0 = arith.constant 0 : i32
    return %arg0, %c0_i32 : i32, i32
  }
  func.func @transform_2(%arg0: i32) -> (i32, i32) {
    %c0_i32 = arith.constant 0 : i32
    %c0_i32_0 = arith.constant 0 : i32
    %c0_i32_1 = arith.constant 0 : i32
    return %c0_i32, %c0_i32_0 : i32, i32
  }
  func.func @transform_3(%arg0: i32) -> (i32, i32) {
    %c0_i32 = arith.constant 0 : i32
    %c0_i32_0 = arith.constant 0 : i32
    return %arg0, %c0_i32 : i32, i32
  }
}

</mosaic_0001>

<sc_bundles>
// kernel: kernel.11.cloned.1.call-start
scs
__scs_entry_jumppad:
0x0: {  	(pc) =	sbr.rel $0x88, $3  }
0x1: {  	(tag) =	ssettag $0x0;
	lr =	simm.s32 $0x1  }
0x2: {  	[smem:$0x3F9B] =	sst lr;
	_ =	strace $0xD0000000  }
0x3: {  	_ = 	snop  }
0x4: {  	_ = 	snop  }
0x5: {  	_ = 	snop  }
0x6: {  	_ = 	snop  }
0x7: {  	_ = 	snop  }
__scs_overlays_trampoline_lowered:
0x8: {  	[smem:$0x3FAA] =	sst s0  }
0x9: {  	[smem:$0x3FAB] =	sst s1  }
0xa: {  	[smem:$0x3FAC] =	sst s2  }
0xb: {  	[smem:$0x3FAD] =	sst s3  }
0xc: {  	[smem:$0x3FAE] =	sst s4  }
0xd: {  	[smem:$0x3FAF] =	sst s5  }
0xe: {  	[smem:$0x3FB0] =	sst s6  }
0xf: {  	[smem:$0x3FB1] =	sst s7  }
0x10: {  	[smem:$0x3FB2] =	sst s8  }
0x11: {  	[smem:$0x3FB3] =	sst s9;
	s0 =	simm.s32 @!p0 $0x0  }
0x12: {  	s1 =	sld [smem:$0x3F99];
	s0 =	simm.s32 @p0 $0x1  }
0x13: {  	[smem:$0x3FB4] =	sst s0;
	s0 =	simm.s32 @!p1 $0x0  }
0x14: {  	s2 =	sld [smem:$0x3F98];
	s0 =	simm.s32 @p1 $0x1  }
0x15: {  	[smem:$0x3FB5] =	sst s0;
	s0 =	simm.s32 @!p2 $0x0  }
0x16: {  	s3 =	sld [smem:$0x3FDB];
	s0 =	simm.s32 @p2 $0x1  }
0x17: {  	s4 =	simm.s32 $0x1BF5;
	[smem:$0x3FB7] =	sst s0  }
0x18: {  	s0 =	sld [smem:$0x3F9A];
	_ =	swait.ge [sflag:s4], $0x0  }
0x19: {  	s7 =	sld [smem:$0x3F9B]  }
0x1a: {  	s8 =	sadd.s32 $0xFFFFE003, lr  }
0x1b: {  	s9 =	sadd.s32 $0xFFFFFEF7, lr;
	s5 =	simm.s32 $0xFFFFFFFF;
	p2 =	slt.u32 s8, $0xFFFFF086  }
0x1c: {  	p1 =	slt.u32 s9, $0xF7A;
	s5 =	simm.s32 @!p2 $0x0  }
0x1d: {  	s5 =	simm.s32 @p1 $0x1;
	p0 =	seq.s32 s7, s2  }
0x1e: {  	s7 =	smul.u32 @!p0 $0xF7A, s2;
	p2 =	seq.s32 @!p0 s5, $0x0  }
0x1f: {  	s9 =	smul.u32 $0xF7A, s1;
	s8 =	simm.s32 @!p0 $0x1BF5;
	p2 =	por !p2, p0  }
0x20: {  	[sflag:s8] =	ssyncset.s32 @!p0 $0xFFFFF086;
	s6 =	sadd.s32 @!p0 s3, s7;
	s7 =	simm.s32 @!p0 $0x108  }
0x21: {  	s3 =	sadd.s32 s3, s9;
	s6 =	sadd.s32 @!p0 $0x88, s6;
	s7 =	simm.s32 @p2 $0x1082  }
0x22: {  	[simem:s7], [sflag:s8] =	dma.local @!p0 [hbm:s6], $0xF7A  }
0x23: {  	s9 =	sor.u32 $0xD0000000, s2;
	s6 =	simm.s32 $0x108;
	_ =	swait.ge @!p0 [sflag:s8], $0x0  }
0x24: {  	s3 =	sadd.s32 $0x88, s3;
	s6 =	simm.s32 @!p1 $0x1082;
	[sflag:s4] =	ssyncset.s32 $0xFFFFF086  }
0x25: {  	[simem:s6], [sflag:s4] =	dma.local [hbm:s3], $0xF7A  }
0x26: {  	[smem:$0x3F9B] =	sst s1;
	(tag) =	ssettag s2;
	_ =	strace s9  }
0x27: {  	s1 =	sld [smem:$0x3FAB]  }
0x28: {  	s2 =	sld [smem:$0x3FAC]  }
0x29: {  	s4 =	sld [smem:$0x3FAE]  }
0x2a: {  	p0 =	seq.s32 s5, $0x0;
	s5 =	sld [smem:$0x3FAF]  }
0x2b: {  	s6 =	sld [smem:$0x3FB0]  }
0x2c: {  	s7 =	sld [smem:$0x3FB1]  }
0x2d: {  	s3 =	simm.s32 $0x108;
	s8 =	sld [smem:$0x3FB2]  }
0x2e: {  	s3 =	simm.s32 @!p0 $0x1082;
	s9 =	sld [smem:$0x3FB3]  }
0x2f: {  	lr =	sadd.s32 s0, s3;
	s0 =	sld [smem:$0x3FAA]  }
0x30: {  	s3 =	sld [smem:$0x3FAD]  }
0x31: {  	[smem:$0x3FB6] =	sst s10  }
0x32: {  	s10 =	sld [smem:$0x3FB4];
	_ =	sdelay $0x3  }
0x33: {  	p0 =	seq.s32 s10, $0x1;
	s10 =	sld [smem:$0x3FB6];
	_ =	sdelay $0x3  }
0x34: {  	[smem:$0x3FB6] =	sst s10  }
0x35: {  	s10 =	sld [smem:$0x3FB5];
	_ =	sdelay $0x3  }
0x36: {  	p1 =	seq.s32 s10, $0x1;
	s10 =	sld [smem:$0x3FB6];
	_ =	sdelay $0x3  }
0x37: {  	[smem:$0x3FB6] =	sst s10  }
0x38: {  	s10 =	sld [smem:$0x3FB7]  }
0x39: {  	_ = 	snop;
	(pc) =	sbr.ind lr, $3  }
0x3a: {  	_ = 	snop  }
0x3b: {  	_ = 	snop  }
0x3c: {  	p2 =	seq.s32 s10, $0x1;
	s10 =	sld [smem:$0x3FB6]  }
0x3d: {  	_ =	shalt  }
0x3e: {  	_ =	shalt  }
0x3f: {  	_ =	shalt  }
0x40: {  	_ =	shalt  }
0x41: {  	_ =	shalt  }
0x42: {  	_ =	shalt  }
0x43: {  	_ =	shalt  }
0x44: {  	_ =	shalt  }
0x45: {  	_ =	shalt  }
0x46: {  	_ =	shalt  }
0x47: {  	_ =	shalt  }
0x48: {  	_ =	shalt  }
0x49: {  	_ =	shalt  }
0x4a: {  	_ =	shalt  }
0x4b: {  	_ =	shalt  }
0x4c: {  	_ =	shalt  }
0x4d: {  	_ =	shalt  }
0x4e: {  	_ =	shalt  }
0x4f: {  	_ =	shalt  }
0x50: {  	_ =	shalt  }
0x51: {  	_ =	shalt  }
0x52: {  	_ =	shalt  }
0x53: {  	_ =	shalt  }
0x54: {  	_ =	shalt  }
0x55: {  	_ =	shalt  }
0x56: {  	_ =	shalt  }
0x57: {  	_ =	shalt  }
0x58: {  	_ =	shalt  }
0x59: {  	_ =	shalt  }
0x5a: {  	_ =	shalt  }
0x5b: {  	_ =	shalt  }
0x5c: {  	_ =	shalt  }
0x5d: {  	_ =	shalt  }
0x5e: {  	_ =	shalt  }
0x5f: {  	_ =	shalt  }
0x60: {  	_ =	shalt  }
0x61: {  	_ =	shalt  }
0x62: {  	_ =	shalt  }
0x63: {  	_ =	shalt  }
0x64: {  	_ =	shalt  }
0x65: {  	_ =	shalt  }
0x66: {  	_ =	shalt  }
0x67: {  	_ =	shalt  }
0x68: {  	_ =	shalt  }
0x69: {  	_ =	shalt  }
0x6a: {  	_ =	shalt  }
0x6b: {  	_ =	shalt  }
0x6c: {  	_ =	shalt  }
0x6d: {  	_ =	shalt  }
0x6e: {  	_ =	shalt  }
0x6f: {  	_ =	shalt  }
0x70: {  	_ =	shalt  }
0x71: {  	_ =	shalt  }
0x72: {  	_ =	shalt  }
0x73: {  	_ =	shalt  }
0x74: {  	_ =	shalt  }
0x75: {  	_ =	shalt  }
0x76: {  	_ =	shalt  }
0x77: {  	_ =	shalt  }
0x78: {  	_ =	shalt  }
0x79: {  	_ =	shalt  }
0x7a: {  	_ =	shalt  }
0x7b: {  	_ =	shalt  }
0x7c: {  	_ =	shalt  }
0x7d: {  	_ =	shalt  }
0x7e: {  	_ =	shalt  }
0x7f: {  	_ =	shalt  }
0x80: {  	_ =	shalt  }
0x81: {  	_ =	shalt  }
0x82: {  	_ =	shalt  }
0x83: {  	_ =	shalt  }
0x84: {  	_ =	shalt  }
0x85: {  	_ =	shalt  }
0x86: {  	_ =	shalt  }
0x87: {  	_ =	shalt  }
.Lfunc_end0:
.L_simem_size_0:
called_computation.1_lowered:
.L_overlay_start_0:
0x88: {  	s2 =	sld [smem:$0x3FD9]  }
0x89: {  	s3 =	sld [smem:$0x3FFE];
	_ =	sdelay $0x1  }
0x8a: {  	s1 =	srdreg.scid  }
0x8b: {  	s0 =	sand.u32 $0x1, s1  }
0x8c: {  	s17 =	sshll.u32 s0, $0xA;
	s2 =	sadd.s32 s3, s2  }
0x8d: {  	s2 =	sadd.s32 s2, s17  }
0x8e: {  	[smem:$0x3FC2] =	sst s2  }
0x8f: {  	_ = 	snop  }
0x90: {  	s2 =	sld [smem:$0x3FD0];
	(tm) =	ssettm $0x1  }
0x91: {  	s18 =	sld [smem:$0x3FFB];
	_ =	sdelay $0x3  }
0x92: {  	_ =	strace s18  }
0x93: {  	s3 =	sld [smem:$0x3FFC];
	_ =	sdelay $0x3  }
0x94: {  	_ =	strace s3  }
0x95: {  	s3 =	sld [smem:$0x3FFD];
	_ =	sdelay $0x3  }
0x96: {  	_ =	strace s3  }
0x97: {  	_ =	strace $0x8FFFFFFF  }
0x98: {  	s19 =	sld [smem:$0x3FDB];
	_ =	sdelay $0x1  }
0x99: {  	s4 =	simm.s32 $_scs_section_size  }
0x9a: {  	s5 =	simm.s32 $_size__tile_overlayer_lowered;
	s6 =	simm.s32 $_tile_overlayer_lowered  }
0x9b: {  	s22 =	simm.s32 $0x1BFF;
	s21 =	sshll.u32 s6, $0x1;
	s3 =	sadd.s32 s4, s19  }
0x9c: {  	s7 =	simm.s32 $0x0;
	s20 =	sshll.u32 s5, $0x1;
	s5 =	sadd.s32 s21, s3  }
0x9d: {  	[timem:s7], [sflag:s22] =	dma.local [hbm:s5], s20  }
0x9e: {  	_ =	swait.ge [sflag:s22], s20  }
0x9f: {  	s4 =	ssub.s32 $0x0, s20;
	[sflag:s22] =	ssyncset.done $0x0  }
0xa0: {  	[sflag:s22] =	ssyncadd.s32 s4;
	_ =	sdelay $0x1  }
0xa1: {  	s23 =	simm.s32 $0x1B8B  }
0xa2: {  	_ =	swait.ge [sflag:s23], $0x1  }
0xa3: {  	[sflag:s23] =	ssyncset.done $0x0  }
0xa4: {  	s25 =	simm.s32 $0x1B8E;
	s24 =	sld [smem:$0x3FFE];
	[sflag:s23] =	ssyncadd.s32 $0xFFFFFFFF  }
0xa5: {  	s26 =	simm.s32 $execute0_lowered;
	[smem:$0x3FD2] =	sst s25  }
0xa6: {  	s5 =	sshll.u32 s26, $0x1;
	_ =	strace $0x80000049;
	[dreg:$0x1] =	wrdreg $0xFFFFFFFF  }
0xa7: {  	s28 =	simm.s32 $_size_execute0_lowered;
	s3 =	sadd.s32 s3, s5;
	[dreg:$0x0] =	wrdreg $0x0  }
0xa8: {  	s5 =	sshll.u32 s28, $0x1;
	[dreg:$0x2] =	wrdreg s3  }
0xa9: {  	[dreg:$0x3] =	wrdreg s5  }
0xaa: {  	[dreg:$0x4] =	wrdreg $0xC0  }
0xab: {  	_ =	task [dreg:s7], $0x5FFFF  }
0xac: {  	[dreg:$0x1] =	wrdreg $0xFFFFFFFF  }
0xad: {  	[dreg:$0x0] =	wrdreg $0x60  }
0xae: {  	[dreg:$0x2] =	wrdreg s2  }
0xaf: {  	[dreg:$0x3] =	wrdreg s24  }
0xb0: {  	[dreg:$0x4] =	wrdreg $0xA8000  }
0xb1: {  	[dreg:$0x5] =	wrdreg $0x9  }
0xb2: {  	_ =	task.clear_ibuf [dreg:s7], $0x6FFFF;
	_ =	strace $0x90000049  }
0xb3: {  	s29 =	simm.s32 $0x9;
	_ =	strace $0x8000004F  }
0xb4: {  	_ =	swait.ge [sflag:s29], $0x1  }
0xb5: {  	[sflag:s29] =	ssyncadd.s32 $0xFFFFFFFF  }
0xb6: {  	_ =	strace $0x9000004F  }
0xb7: {  	_ =	sfence  }
0xb8: {  	s30 =	sld [smem:$0x0];
	_ =	sdelay $0x2  }
0xb9: {  	s31 =	sshll.u32 s1, $0xD;
	s1 =	sshrl.u32 s1, $0x2  }
0xba: {  	s3 =	sand.u32 $0x4000, s31;
	s1 =	sadd.s32 s1, s30  }
0xbb: {  	s0 =	sor.u32 s3, s0;
	s1 =	sshll.u32 s1, $0x11  }
0xbc: {  	s0 =	sor.u32 s1, s0  }
0xbd: {  	s0 =	sadd.s32 $0x8F2B, s0  }
0xbe: {  	[sflag:s0] =	ssyncadd.remote.s32 $0x1  }
0xbf: {  	_ =	sfence.sel $0xFFFF  }
0xc0: {  	[dreg:$0x0] =	wrdreg $0xFFFFFFFF;
	(pc) =	sbr.abs _section_cstart, $3  }
0xc1: {  	[dreg:$0x1] =	wrdreg $0xFFFFFFFF  }
0xc2: {  	_ =	task.clear_ibuf [dreg:s7], $0x2FFFF;
	_ =	strace $0x9FFFFFFF  }
0xc3: {  	(tm) =	ssettm $0x7FFFFFFF  }
tec
execute0_lowered:
.L_overlay_start_1:
0x0: {  	(tag) =	ssettag $0x1  }
0x1: {  	s0 =	srdreg.scid;
	s1 =	rddreg [dreg:$0x0]  }
0x2: {  	s2 =	rddreg [dreg:$0x1];
	s7 =	stileid.u32  }
0x3: {  	s3 =	rddreg [dreg:$0x2];
	s5 =	simm.s32 $0x0;
	s28 =	simm.s32 $0x7D  }
0x4: {  	s29 =	simm.s32 $0x80;
	s30 =	simm.s32 $0x6800;
	s31 =	simm.s32 $0x1  }
0x5: {  	s0 =	sand.u32 $0x1, s0;
	[smem:$0x7FF] =	sst s5;
	s16 =	smul.u32 $0x50000, s7  }
0x6: {  	s4 =	sshll.u32 s0, $0x4;
	_ =	strace $0x8000004A;
	s6 =	smul.u32 $0x140000, s0  }
0x7: {  	s0 =	ssub.s32 $0x2, s0;
	s4 =	sor.u32 s7, s4;
	s7 =	smul.u32 $0x14000, s7  }
0x8: {  	s8 =	sshrl.u32 s0, $0x1;
	s5 =	sshrl.u32 s16, $0x2;
	s4 =	smul.u32 $0x2800, s4  }
0x9: {  	s0 =	ssub.s32 s0, s8;
	s5 =	sadd.s32 s5, s3;
	s17 =	sadd.s32 s6, s7  }
0xa: {  	s11 =	smax.u32 s0, $0x1;
	s12 =	sadd.s32 $0x4000, s5;
	s20 =	sadd.s32 $0x4000, s7  }
0xb: {  	s13 =	sadd.s32 $0x8000, s5;
	s14 =	sadd.s32 $0xC000, s5;
	s15 =	sadd.s32 $0x10000, s5  }
0xc: {  	s22 =	sadd.s32 $0x8000, s7;
	s4 =	sshrl.u32 s4, $0x3;
	s8 =	sshrl.u32 s17, $0x3  }
0xd: {  	s21 =	sadd.s32 s6, s20;
	s0 =	sadd.s32 s20, s3;
	s4 =	sadd.s32 s4, s2  }
0xe: {  	s23 =	sadd.s32 s6, s22;
	s20 =	simm.s32 $0x2800;
	s9 =	sadd.s32 $0x2600, s4  }
0xf: {  	s2 =	sadd.s32 $0x16600, s2;
	s18 =	sadd.s32 $0xC600, s4;
	[dreg:$0x4] =	wrdreg s9  }
0x10: {  	s19 =	sadd.s32 $0x2880, s4;
	s4 =	sadd.s32 $0xC880, s4;
	[dreg:$0x5] =	wrdreg s18  }
0x11: {  	s10 =	sadd.s32 s2, s8;
	s8 =	sadd.s32 s22, s3;
	[dreg:$0x6] =	wrdreg s19  }
0x12: {  	s22 =	sshrl.u32 s0, $0x3;
	s0 =	simm.s32 $0x2780;
	[dreg:$0x7] =	wrdreg s4  }
0x13: {  	s4 =	sshrl.u32 s21, $0x3;
	s19 =	sadd.s32 $0xC000, s7;
	s7 =	sadd.s32 $0x10000, s7  }
0x14: {  	s21 =	simm.s32 $0x2;
	s16 =	sadd.s32 s2, s4;
	s4 =	sshrl.u32 s23, $0x3  }
0x15: {  	s24 =	sadd.s32 s6, s19;
	s6 =	sadd.s32 s6, s7;
	s25 =	sadd.s32 s19, s3  }
0x16: {  	s26 =	sadd.s32 s7, s3;
	s23 =	sshrl.u32 s8, $0x3;
	s17 =	sadd.s32 s2, s4  }
0x17: {  	s4 =	sshrl.u32 s24, $0x3;
	s6 =	sshrl.u32 s6, $0x3;
	s24 =	sshrl.u32 s25, $0x3  }
0x18: {  	s25 =	sshrl.u32 s26, $0x3;
	s26 =	simm.s32 $0x1400;
	s18 =	sadd.s32 s2, s4  }
0x19: {  	v0 =	vimm.f32 $0.0e+00;
	s19 =	sadd.s32 s2, s6;
	s2 =	simm.s32 $0x2700;
	s4 =	simm.s32 $0x0  }
.LBB2_1:
0x1a: {  	s7 =	simm.s32 $0x0  }
0x1b: {  	s6 =	sand.u32 $0xFE00, s7  }
0x1c: {  	_ =	strace $0x8000004B;
	s7 =	sand.u32 $0x70, s7;
	s8 =	sshrl.u32 s6, $0x2  }
0x1d: {  	s6 =	simm.s32 $0x40;
	s8 =	sor.u32 s7, s8;
	s7 =	simm.s32 $0x0  }
.LBB2_2:
0x1e: {  	p0 =	seq.s32 s6, $0xFFC0  }
0x1f: {  	[tilespmem:s8+$0x2800] =	vst v0;
	s7 =	sadd.s32 $0x10, s7;
	s8 =	smov.u32 s6;
	s6 =	sadd.s32 $0x40, s6  }
.Ltmp0:
0x20: {  	(pc) =	sbr.rel @!p0 .LBB2_2-.Ltmp0, $4  }
0x21: {  	_ = 	snop  }
0x22: {  	s8 =	sand.u32 $0xFE00, s8  }
0x23: {  	s9 =	sand.u32 $0x70, s7;
	s8 =	sshrl.u32 s8, $0x2  }
0x24: {  	s8 =	sor.u32 s9, s8  }
0x25: {  	[tilespmem:s8+$0x2800] =	vst v0  }
0x26: {  	[spmem:s5] =	stream.linear.scatter [tilespmem:s20], [sflag:$0x2], $0x4000, $0x200038;
	[tilespmem:$0x1E800] =	vst v63  }
0x27: {  	_ =	swait.ge [sflag:s21], $0x4000  }
0x28: {  	[sflag:s21] =	ssyncset.done $0x0  }
0x29: {  	[sflag:s21] =	ssyncadd.s32 $0xFFFFC000  }
0x2a: {  	[spmem:s12] =	stream.linear.scatter [tilespmem:s20], [sflag:$0x2], $0x4000, $0x200038;
	[tilespmem:$0x1E800] =	vst v63  }
0x2b: {  	_ =	swait.ge [sflag:s21], $0x4000  }
0x2c: {  	[sflag:s21] =	ssyncset.done $0x0  }
0x2d: {  	[sflag:s21] =	ssyncadd.s32 $0xFFFFC000  }
0x2e: {  	[spmem:s13] =	stream.linear.scatter [tilespmem:s20], [sflag:$0x2], $0x4000, $0x200038;
	[tilespmem:$0x1E800] =	vst v63  }
0x2f: {  	_ =	swait.ge [sflag:s21], $0x4000  }
0x30: {  	[sflag:s21] =	ssyncset.done $0x0  }
0x31: {  	[sflag:s21] =	ssyncadd.s32 $0xFFFFC000  }
0x32: {  	[spmem:s14] =	stream.linear.scatter [tilespmem:s20], [sflag:$0x2], $0x4000, $0x200038;
	[tilespmem:$0x1E800] =	vst v63  }
0x33: {  	_ =	swait.ge [sflag:s21], $0x4000  }
0x34: {  	[sflag:s21] =	ssyncset.done $0x0  }
0x35: {  	[sflag:s21] =	ssyncadd.s32 $0xFFFFC000  }
0x36: {  	[spmem:s15] =	stream.linear.scatter [tilespmem:s20], [sflag:$0x2], $0x4000, $0x200038;
	[tilespmem:$0x1E800] =	vst v63  }
0x37: {  	_ =	swait.ge [sflag:s21], $0x4000  }
0x38: {  	[sflag:s21] =	ssyncset.done $0x0  }
0x39: {  	[sflag:s21] =	ssyncadd.s32 $0xFFFFC000  }
0x3a: {  	[bflag:$0x0] =	sbarrier.arrive $0xFFFF  }
0x3b: {  	_ =	strace $0x9000004B  }
0x3c: {  	_ =	strace $0x8000004C  }
0x3d: {  	s6 =	simm.s32 $0x0;
	s7 =	rddreg [dreg:$0x4]  }
0x3e: {  	[tilespmem:s6], [sflag:$0x2] =	stream.linear.gather [hbm4b:s7+s6], $0x1400, $0x200038;
	[tilespmem:$0x1E800] =	vst v63  }
0x3f: {  	_ =	swait.ge [sflag:s21], $0x1400  }
0x40: {  	[sflag:s21] =	ssyncset.done $0x0  }
0x41: {  	s9 =	rddreg [dreg:$0x5];
	[sflag:s21] =	ssyncadd.s32 $0xFFFFEC00  }
0x42: {  	[tilespmem:s26], [sflag:$0x2] =	stream.linear.gather [hbm4b:s9+s6], $0x1400, $0x200038;
	[tilespmem:$0x1E800] =	vst v63  }
0x43: {  	_ =	swait.ge [sflag:s21], $0x1400  }
0x44: {  	[sflag:s21] =	ssyncset.done $0x0  }
0x45: {  	[sflag:s21] =	ssyncadd.s32 $0xFFFFEC00  }
0x46: {  	[tilespmem:s20], [sflag:$0x1] =	stream.indirect.gather [hbm4b:s1+s28], $0x80, s6, s28, $0x2000b8;
	[tilespmem:$0x1E800] =	vst v63  }
0x47: {  	_ = 	snop  }
0x48: {  	[tilespmem:s30], [sflag:$0x1] =	stream.indirect.gather [hbm4b:s1+s28], $0x80, s29, s28, $0x2000b8;
	[tilespmem:$0x1E800] =	vst v63  }
0x49: {  	_ =	swait.ge [sflag:s31], $0x3E80  }
0x4a: {  	[sflag:s31] =	ssyncset.done $0x0  }
0x4b: {  	s7 =	simm.s32 $0x1400;
	[sflag:s31] =	ssyncadd.s32 $0xFFFFC180  }
0x4c: {  	[spmem:s3] =	stream.indirect.scatter.add.f32 [tilespmem:s20], [sflag:$0x2], $0x80, s7, s28, $0x2000b8;
	[tilespmem:$0x1E800] =	vst v63  }
0x4d: {  	_ =	swait.ge [sflag:s21], $0x3E80  }
0x4e: {  	[sflag:s21] =	ssyncset.done $0x0  }
0x4f: {  	s8 =	simm.s32 $0x100;
	[sflag:s21] =	ssyncadd.s32 $0xFFFFC180  }
0x50: {  	[tilespmem:s20], [sflag:$0x1] =	stream.indirect.gather [hbm4b:s1+s28], $0x80, s8, s28, $0x2000b8;
	[tilespmem:$0x1E800] =	vst v63  }
0x51: {  	_ =	swait.ge [sflag:s31], $0x3E80  }
0x52: {  	[sflag:s31] =	ssyncset.done $0x0  }
0x53: {  	s9 =	simm.s32 $0x1480;
	[sflag:s31] =	ssyncadd.s32 $0xFFFFC180  }
0x54: {  	[spmem:s3] =	stream.indirect.scatter.add.f32 [tilespmem:s30], [sflag:$0x2], $0x80, s9, s28, $0x2000b8;
	[tilespmem:$0x1E800] =	vst v63  }
0x55: {  	_ =	swait.ge [sflag:s21], $0x3E80  }
0x56: {  	[sflag:s21] =	ssyncset.done $0x0  }
0x57: {  	s6 =	simm.s32 $0x400;
	s7 =	simm.s32 $0x180;
	[sflag:s21] =	ssyncadd.s32 $0xFFFFC180  }
.LBB2_4:
0x58: {  	[tilespmem:s30], [sflag:$0x1] =	stream.indirect.gather [hbm4b:s1+s28], $0x80, s7, s28, $0x2000b8;
	[tilespmem:$0x1E800] =	vst v63  }
0x59: {  	s7 =	smov.u32 s6  }
0x5a: {  	p0 =	sne.s32 s6, $0x4800;
	s6 =	sadd.s32 $0x400, s6;
	_ =	swait.ge [sflag:s31], $0x3E80  }
0x5b: {  	s7 =	sshra.s32 s7, $0x2;
	[sflag:s31] =	ssyncset.done $0x0  }
0x5c: {  	s8 =	sadd.s32 $0x1400, s7;
	[sflag:s31] =	ssyncadd.s32 $0xFFFFC180  }
0x5d: {  	[spmem:s3] =	stream.indirect.scatter.add.f32 [tilespmem:s20], [sflag:$0x2], $0x80, s8, s28, $0x2000b8;
	[tilespmem:$0x1E800] =	vst v63  }
0x5e: {  	_ =	swait.ge [sflag:s21], $0x3E80  }
0x5f: {  	[sflag:s21] =	ssyncset.done $0x0  }
0x60: {  	s8 =	sadd.s32 $0x100, s7;
	[sflag:s21] =	ssyncadd.s32 $0xFFFFC180  }
0x61: {  	[tilespmem:s20], [sflag:$0x1] =	stream.indirect.gather [hbm4b:s1+s28], $0x80, s8, s28, $0x2000b8;
	[tilespmem:$0x1E800] =	vst v63  }
0x62: {  	_ =	swait.ge [sflag:s31], $0x3E80  }
0x63: {  	[sflag:s31] =	ssyncset.done $0x0  }
.Ltmp1:
0x64: {  	s8 =	sadd.s32 $0x1480, s7;
	[sflag:s31] =	ssyncadd.s32 $0xFFFFC180;
	(pc) =	sbr.rel @p0 .LBB2_4-.Ltmp1, $4  }
0x65: {  	[spmem:s3] =	stream.indirect.scatter.add.f32 [tilespmem:s30], [sflag:$0x2], $0x80, s8, s28, $0x2000b8;
	[tilespmem:$0x1E800] =	vst v63  }
0x66: {  	_ =	swait.ge [sflag:s21], $0x3E80  }
0x67: {  	[sflag:s21] =	ssyncset.done $0x0  }
0x68: {  	s7 =	sadd.s32 $0x180, s7;
	[sflag:s21] =	ssyncadd.s32 $0xFFFFC180  }
0x69: {  	[tilespmem:s30], [sflag:$0x1] =	stream.indirect.gather [hbm4b:s1+s28], $0x80, s7, s28, $0x2000b8;
	[tilespmem:$0x1E800] =	vst v63  }
0x6a: {  	_ =	swait.ge [sflag:s31], $0x3E80  }
0x6b: {  	[sflag:s31] =	ssyncset.done $0x0  }
0x6c: {  	[sflag:s31] =	ssyncadd.s32 $0xFFFFC180  }
0x6d: {  	[spmem:s3] =	stream.indirect.scatter.add.f32 [tilespmem:s20], [sflag:$0x2], $0x80, s2, s28, $0x2000b8;
	[tilespmem:$0x1E800] =	vst v63  }
0x6e: {  	_ =	swait.ge [sflag:s21], $0x3E80  }
0x6f: {  	[sflag:s21] =	ssyncset.done $0x0  }
0x70: {  	[sflag:s21] =	ssyncadd.s32 $0xFFFFC180  }
0x71: {  	_ =	swait.ge [sflag:s31], $0x3E80  }
0x72: {  	[sflag:s31] =	ssyncset.done $0x0  }
0x73: {  	[sflag:s31] =	ssyncadd.s32 $0xFFFFC180  }
0x74: {  	[spmem:s3] =	stream.indirect.scatter.add.f32 [tilespmem:s30], [sflag:$0x2], $0x80, s0, s28, $0x2000b8;
	[tilespmem:$0x1E800] =	vst v63  }
0x75: {  	_ =	swait.ge [sflag:s21], $0x3E80  }
0x76: {  	[sflag:s21] =	ssyncset.done $0x0  }
0x77: {  	[sflag:s21] =	ssyncadd.s32 $0xFFFFC180  }
0x78: {  	_ =	strace $0x9000004C  }
0x79: {  	_ =	strace $0x8000004D  }
0x7a: {  	s6 =	simm.s32 $0x0;
	s8 =	rddreg [dreg:$0x6]  }
0x7b: {  	[tilespmem:s6], [sflag:$0x2] =	stream.linear.gather [hbm4b:s8+s6], $0x1400, $0x200038;
	[tilespmem:$0x1E800] =	vst v63  }
0x7c: {  	_ =	swait.ge [sflag:s21], $0x1400  }
0x7d: {  	[sflag:s21] =	ssyncset.done $0x0  }
0x7e: {  	s9 =	rddreg [dreg:$0x7];
	[sflag:s21] =	ssyncadd.s32 $0xFFFFEC00  }
0x7f: {  	[tilespmem:s26], [sflag:$0x2] =	stream.linear.gather [hbm4b:s9+s6], $0x1400, $0x200038;
	[tilespmem:$0x1E800] =	vst v63  }
0x80: {  	_ =	swait.ge [sflag:s21], $0x1400  }
0x81: {  	[sflag:s21] =	ssyncset.done $0x0  }
0x82: {  	[sflag:s21] =	ssyncadd.s32 $0xFFFFEC00  }
0x83: {  	[tilespmem:s20], [sflag:$0x1] =	stream.indirect.gather [hbm4b:s1+s28], $0x80, s6, s28, $0x2000b8;
	[tilespmem:$0x1E800] =	vst v63  }
0x84: {  	_ = 	snop  }
0x85: {  	[tilespmem:s30], [sflag:$0x1] =	stream.indirect.gather [hbm4b:s1+s28], $0x80, s29, s28, $0x2000b8;
	[tilespmem:$0x1E800] =	vst v63  }
0x86: {  	_ =	swait.ge [sflag:s31], $0x3E80  }
0x87: {  	[sflag:s31] =	ssyncset.done $0x0  }
0x88: {  	s7 =	simm.s32 $0x1400;
	[sflag:s31] =	ssyncadd.s32 $0xFFFFC180  }
0x89: {  	[spmem:s3] =	stream.indirect.scatter.add.f32 [tilespmem:s20], [sflag:$0x2], $0x80, s7, s28, $0x2000b8;
	[tilespmem:$0x1E800] =	vst v63  }
0x8a: {  	_ =	swait.ge [sflag:s21], $0x3E80  }
0x8b: {  	[sflag:s21] =	ssyncset.done $0x0  }
0x8c: {  	s8 =	simm.s32 $0x100;
	[sflag:s21] =	ssyncadd.s32 $0xFFFFC180  }
0x8d: {  	[tilespmem:s20], [sflag:$0x1] =	stream.indirect.gather [hbm4b:s1+s28], $0x80, s8, s28, $0x2000b8;
	[tilespmem:$0x1E800] =	vst v63  }
0x8e: {  	_ =	swait.ge [sflag:s31], $0x3E80  }
0x8f: {  	[sflag:s31] =	ssyncset.done $0x0  }
0x90: {  	s9 =	simm.s32 $0x1480;
	[sflag:s31] =	ssyncadd.s32 $0xFFFFC180  }
0x91: {  	[spmem:s3] =	stream.indirect.scatter.add.f32 [tilespmem:s30], [sflag:$0x2], $0x80, s9, s28, $0x2000b8;
	[tilespmem:$0x1E800] =	vst v63  }
0x92: {  	_ =	swait.ge [sflag:s21], $0x3E80  }
0x93: {  	[sflag:s21] =	ssyncset.done $0x0  }
0x94: {  	s6 =	simm.s32 $0x400;
	s7 =	simm.s32 $0x180;
	[sflag:s21] =	ssyncadd.s32 $0xFFFFC180  }
.LBB2_6:
0x95: {  	[tilespmem:s30], [sflag:$0x1] =	stream.indirect.gather [hbm4b:s1+s28], $0x80, s7, s28, $0x2000b8;
	[tilespmem:$0x1E800] =	vst v63  }
0x96: {  	s7 =	smov.u32 s6  }
0x97: {  	p0 =	sne.s32 s6, $0x4800;
	s6 =	sadd.s32 $0x400, s6;
	_ =	swait.ge [sflag:s31], $0x3E80  }
0x98: {  	s7 =	sshra.s32 s7, $0x2;
	[sflag:s31] =	ssyncset.done $0x0  }
0x99: {  	s8 =	sadd.s32 $0x1400, s7;
	[sflag:s31] =	ssyncadd.s32 $0xFFFFC180  }
0x9a: {  	[spmem:s3] =	stream.indirect.scatter.add.f32 [tilespmem:s20], [sflag:$0x2], $0x80, s8, s28, $0x2000b8;
	[tilespmem:$0x1E800] =	vst v63  }
0x9b: {  	_ =	swait.ge [sflag:s21], $0x3E80  }
0x9c: {  	[sflag:s21] =	ssyncset.done $0x0  }
0x9d: {  	s8 =	sadd.s32 $0x100, s7;
	[sflag:s21] =	ssyncadd.s32 $0xFFFFC180  }
0x9e: {  	[tilespmem:s20], [sflag:$0x1] =	stream.indirect.gather [hbm4b:s1+s28], $0x80, s8, s28, $0x2000b8;
	[tilespmem:$0x1E800] =	vst v63  }
0x9f: {  	_ =	swait.ge [sflag:s31], $0x3E80  }
0xa0: {  	[sflag:s31] =	ssyncset.done $0x0  }
.Ltmp2:
0xa1: {  	s8 =	sadd.s32 $0x1480, s7;
	[sflag:s31] =	ssyncadd.s32 $0xFFFFC180;
	(pc) =	sbr.rel @p0 .LBB2_6-.Ltmp2, $4  }
0xa2: {  	[spmem:s3] =	stream.indirect.scatter.add.f32 [tilespmem:s30], [sflag:$0x2], $0x80, s8, s28, $0x2000b8;
	[tilespmem:$0x1E800] =	vst v63  }
0xa3: {  	_ =	swait.ge [sflag:s21], $0x3E80  }
0xa4: {  	[sflag:s21] =	ssyncset.done $0x0  }
0xa5: {  	s7 =	sadd.s32 $0x180, s7;
	[sflag:s21] =	ssyncadd.s32 $0xFFFFC180  }
0xa6: {  	[tilespmem:s30], [sflag:$0x1] =	stream.indirect.gather [hbm4b:s1+s28], $0x80, s7, s28, $0x2000b8;
	[tilespmem:$0x1E800] =	vst v63  }
0xa7: {  	_ =	swait.ge [sflag:s31], $0x3E80  }
0xa8: {  	[sflag:s31] =	ssyncset.done $0x0  }
0xa9: {  	[sflag:s31] =	ssyncadd.s32 $0xFFFFC180  }
0xaa: {  	[spmem:s3] =	stream.indirect.scatter.add.f32 [tilespmem:s20], [sflag:$0x2], $0x80, s2, s28, $0x2000b8;
	[tilespmem:$0x1E800] =	vst v63  }
0xab: {  	_ =	swait.ge [sflag:s21], $0x3E80  }
0xac: {  	[sflag:s21] =	ssyncset.done $0x0  }
0xad: {  	[sflag:s21] =	ssyncadd.s32 $0xFFFFC180  }
0xae: {  	_ =	swait.ge [sflag:s31], $0x3E80  }
0xaf: {  	[sflag:s31] =	ssyncset.done $0x0  }
0xb0: {  	[sflag:s31] =	ssyncadd.s32 $0xFFFFC180  }
0xb1: {  	[spmem:s3] =	stream.indirect.scatter.add.f32 [tilespmem:s30], [sflag:$0x2], $0x80, s0, s28, $0x2000b8;
	[tilespmem:$0x1E800] =	vst v63  }
0xb2: {  	_ =	swait.ge [sflag:s21], $0x3E80  }
0xb3: {  	[sflag:s21] =	ssyncset.done $0x0  }
0xb4: {  	[sflag:s21] =	ssyncadd.s32 $0xFFFFC180  }
0xb5: {  	s6 =	stileid.u32;
	_ =	strace $0x9000004D  }
0xb6: {  	s6 =	sshll.u32 s6, $0x6;
	_ =	strace $0x8000004E  }
0xb7: {  	s9 =	sshrl.u32 s5, $0x3;
	s6 =	sor.u32 $0x1C02, s6;
	[bflag:$0x0] =	sbarrier.arrive $0xFFFF  }
0xb8: {  	[hbm:s10], [sflag:s6] =	dma.local [spmem:s9], $0x800  }
0xb9: {  	_ =	swait.ge [sflag:s21], $0x800  }
0xba: {  	[sflag:s21] =	ssyncset.done $0x0  }
0xbb: {  	[sflag:s21] =	ssyncadd.s32 $0xFFFFF800  }
0xbc: {  	[hbm:s16], [sflag:s6] =	dma.local [spmem:s22], $0x800  }
0xbd: {  	_ =	swait.ge [sflag:s21], $0x800  }
0xbe: {  	[sflag:s21] =	ssyncset.done $0x0  }
0xbf: {  	[sflag:s21] =	ssyncadd.s32 $0xFFFFF800  }
0xc0: {  	[hbm:s17], [sflag:s6] =	dma.local [spmem:s23], $0x800  }
0xc1: {  	_ =	swait.ge [sflag:s21], $0x800  }
0xc2: {  	[sflag:s21] =	ssyncset.done $0x0  }
0xc3: {  	[sflag:s21] =	ssyncadd.s32 $0xFFFFF800  }
0xc4: {  	[hbm:s18], [sflag:s6] =	dma.local [spmem:s24], $0x800  }
0xc5: {  	_ =	swait.ge [sflag:s21], $0x800  }
0xc6: {  	s4 =	sadd.s32 $0x1, s4;
	[sflag:s21] =	ssyncset.done $0x0  }
0xc7: {  	p0 =	sne.s32 s4, s11;
	[sflag:s21] =	ssyncadd.s32 $0xFFFFF800  }
0xc8: {  	[hbm:s19], [sflag:s6] =	dma.local [spmem:s25], $0x800  }
.Ltmp3:
0xc9: {  	_ = 	snop;
	(pc) =	sbr.rel @p0 .LBB2_1-.Ltmp3, $4  }
0xca: {  	_ =	swait.ge [sflag:s21], $0x800  }
0xcb: {  	[sflag:s21] =	ssyncset.done $0x0  }
0xcc: {  	[sflag:s21] =	ssyncadd.s32 $0xFFFFF800  }
0xcd: {  	_ =	strace $0x9000004E  }
0xce: {  	_ =	sfence.sel $0x180000  }
0xcf: {  	[bflag:$0x0] =	sbarrier.arrive $0xFFFF  }
0xd0: {  	_ =	strace $0x9000004A  }
0xd1: {  	s0 =	stileid.u32;
	[bflag:$0x2] =	sbarrier.arrive $0xFFFF  }
0xd2: {  	p0 =	sne.s32 s0, $0x0;
	s0 =	rddreg [dreg:$0x3]  }
0xd3: {  	s0 =	sadd.s32 @!p0 $0x100000, s0  }
0xd4: {  	[sflag:s0] =	ssyncadd.tile.s32 @!p0 $0x1;
	_ =	shalt  }
.Lfunc_end2:
_tile_overlayer_lowered:
.L_overlay_start_2:
0xd5: {  	(tag) =	ssettag $0x2  }
0xd6: {  	s0 =	rddreg [dreg:$0x0];
	s2 =	stileid.u32  }
0xd7: {  	s1 =	rddreg [dreg:$0x1];
	p0 =	sne.s32 s2, $0x0  }
0xd8: {  	s3 =	rddreg [dreg:$0x2];
	[bflag:$0x3] =	sbarrier.arrive $0xFFFF;
	s2 =	simm.s32 @!p0 $0x1C02  }
0xd9: {  	[timem:s3], [sflag:s2] =	dma.local @!p0 [hbm:s0], s1  }
0xda: {  	s0 =	simm.s32 @!p0 $0x2  }
0xdb: {  	_ =	swait.ge @!p0 [sflag:s0], s1  }
0xdc: {  	s1 =	ssub.s32 @!p0 $0x0, s1;
	[sflag:s0] =	ssyncset.done @!p0 $0x0  }
0xdd: {  	[sflag:s0] =	ssyncadd.s32 @!p0 s1  }
0xde: {  	[bflag:$0x3] =	sbarrier.arrive $0xFFFF  }
0xdf: {  	_ =	shalt  }

// kernel: kernel.14.cloned.1.call-start
scs
__scs_entry_jumppad:
0x0: {  	(pc) =	sbr.rel $0x88, $3  }
0x1: {  	(tag) =	ssettag $0x0;
	lr =	simm.s32 $0x1  }
0x2: {  	[smem:$0x3F9B] =	sst lr;
	_ =	strace $0xD0000000  }
0x3: {  	_ = 	snop  }
0x4: {  	_ = 	snop  }
0x5: {  	_ = 	snop  }
0x6: {  	_ = 	snop  }
0x7: {  	_ = 	snop  }
__scs_overlays_trampoline_lowered:
0x8: {  	[smem:$0x3FAA] =	sst s0  }
0x9: {  	[smem:$0x3FAB] =	sst s1  }
0xa: {  	[smem:$0x3FAC] =	sst s2  }
0xb: {  	[smem:$0x3FAD] =	sst s3  }
0xc: {  	[smem:$0x3FAE] =	sst s4  }
0xd: {  	[smem:$0x3FAF] =	sst s5  }
0xe: {  	[smem:$0x3FB0] =	sst s6  }
0xf: {  	[smem:$0x3FB1] =	sst s7  }
0x10: {  	[smem:$0x3FB2] =	sst s8  }
0x11: {  	[smem:$0x3FB3] =	sst s9;
	s0 =	simm.s32 @!p0 $0x0  }
0x12: {  	s1 =	sld [smem:$0x3F99];
	s0 =	simm.s32 @p0 $0x1  }
0x13: {  	[smem:$0x3FB4] =	sst s0;
	s0 =	simm.s32 @!p1 $0x0  }
0x14: {  	s2 =	sld [smem:$0x3F98];
	s0 =	simm.s32 @p1 $0x1  }
0x15: {  	[smem:$0x3FB5] =	sst s0;
	s0 =	simm.s32 @!p2 $0x0  }
0x16: {  	s3 =	sld [smem:$0x3FDB];
	s0 =	simm.s32 @p2 $0x1  }
0x17: {  	s4 =	simm.s32 $0x1BF5;
	[smem:$0x3FB7] =	sst s0  }
0x18: {  	s0 =	sld [smem:$0x3F9A];
	_ =	swait.ge [sflag:s4], $0x0  }
0x19: {  	s7 =	sld [smem:$0x3F9B]  }
0x1a: {  	s8 =	sadd.s32 $0xFFFFE003, lr  }
0x1b: {  	s9 =	sadd.s32 $0xFFFFFEF7, lr;
	s5 =	simm.s32 $0xFFFFFFFF;
	p2 =	slt.u32 s8, $0xFFFFF086  }
0x1c: {  	p1 =	slt.u32 s9, $0xF7A;
	s5 =	simm.s32 @!p2 $0x0  }
0x1d: {  	s5 =	simm.s32 @p1 $0x1;
	p0 =	seq.s32 s7, s2  }
0x1e: {  	s7 =	smul.u32 @!p0 $0xF7A, s2;
	p2 =	seq.s32 @!p0 s5, $0x0  }
0x1f: {  	s9 =	smul.u32 $0xF7A, s1;
	s8 =	simm.s32 @!p0 $0x1BF5;
	p2 =	por !p2, p0  }
0x20: {  	[sflag:s8] =	ssyncset.s32 @!p0 $0xFFFFF086;
	s6 =	sadd.s32 @!p0 s3, s7;
	s7 =	simm.s32 @!p0 $0x108  }
0x21: {  	s3 =	sadd.s32 s3, s9;
	s6 =	sadd.s32 @!p0 $0x88, s6;
	s7 =	simm.s32 @p2 $0x1082  }
0x22: {  	[simem:s7], [sflag:s8] =	dma.local @!p0 [hbm:s6], $0xF7A  }
0x23: {  	s9 =	sor.u32 $0xD0000000, s2;
	s6 =	simm.s32 $0x108;
	_ =	swait.ge @!p0 [sflag:s8], $0x0  }
0x24: {  	s3 =	sadd.s32 $0x88, s3;
	s6 =	simm.s32 @!p1 $0x1082;
	[sflag:s4] =	ssyncset.s32 $0xFFFFF086  }
0x25: {  	[simem:s6], [sflag:s4] =	dma.local [hbm:s3], $0xF7A  }
0x26: {  	[smem:$0x3F9B] =	sst s1;
	(tag) =	ssettag s2;
	_ =	strace s9  }
0x27: {  	s1 =	sld [smem:$0x3FAB]  }
0x28: {  	s2 =	sld [smem:$0x3FAC]  }
0x29: {  	s4 =	sld [smem:$0x3FAE]  }
0x2a: {  	p0 =	seq.s32 s5, $0x0;
	s5 =	sld [smem:$0x3FAF]  }
0x2b: {  	s6 =	sld [smem:$0x3FB0]  }
0x2c: {  	s7 =	sld [smem:$0x3FB1]  }
0x2d: {  	s3 =	simm.s32 $0x108;
	s8 =	sld [smem:$0x3FB2]  }
0x2e: {  	s3 =	simm.s32 @!p0 $0x1082;
	s9 =	sld [smem:$0x3FB3]  }
0x2f: {  	lr =	sadd.s32 s0, s3;
	s0 =	sld [smem:$0x3FAA]  }
0x30: {  	s3 =	sld [smem:$0x3FAD]  }
0x31: {  	[smem:$0x3FB6] =	sst s10  }
0x32: {  	s10 =	sld [smem:$0x3FB4];
	_ =	sdelay $0x3  }
0x33: {  	p0 =	seq.s32 s10, $0x1;
	s10 =	sld [smem:$0x3FB6];
	_ =	sdelay $0x3  }
0x34: {  	[smem:$0x3FB6] =	sst s10  }
0x35: {  	s10 =	sld [smem:$0x3FB5];
	_ =	sdelay $0x3  }
0x36: {  	p1 =	seq.s32 s10, $0x1;
	s10 =	sld [smem:$0x3FB6];
	_ =	sdelay $0x3  }
0x37: {  	[smem:$0x3FB6] =	sst s10  }
0x38: {  	s10 =	sld [smem:$0x3FB7]  }
0x39: {  	_ = 	snop;
	(pc) =	sbr.ind lr, $3  }
0x3a: {  	_ = 	snop  }
0x3b: {  	_ = 	snop  }
0x3c: {  	p2 =	seq.s32 s10, $0x1;
	s10 =	sld [smem:$0x3FB6]  }
0x3d: {  	_ =	shalt  }
0x3e: {  	_ =	shalt  }
0x3f: {  	_ =	shalt  }
0x40: {  	_ =	shalt  }
0x41: {  	_ =	shalt  }
0x42: {  	_ =	shalt  }
0x43: {  	_ =	shalt  }
0x44: {  	_ =	shalt  }
0x45: {  	_ =	shalt  }
0x46: {  	_ =	shalt  }
0x47: {  	_ =	shalt  }
0x48: {  	_ =	shalt  }
0x49: {  	_ =	shalt  }
0x4a: {  	_ =	shalt  }
0x4b: {  	_ =	shalt  }
0x4c: {  	_ =	shalt  }
0x4d: {  	_ =	shalt  }
0x4e: {  	_ =	shalt  }
0x4f: {  	_ =	shalt  }
0x50: {  	_ =	shalt  }
0x51: {  	_ =	shalt  }
0x52: {  	_ =	shalt  }
0x53: {  	_ =	shalt  }
0x54: {  	_ =	shalt  }
0x55: {  	_ =	shalt  }
0x56: {  	_ =	shalt  }
0x57: {  	_ =	shalt  }
0x58: {  	_ =	shalt  }
0x59: {  	_ =	shalt  }
0x5a: {  	_ =	shalt  }
0x5b: {  	_ =	shalt  }
0x5c: {  	_ =	shalt  }
0x5d: {  	_ =	shalt  }
0x5e: {  	_ =	shalt  }
0x5f: {  	_ =	shalt  }
0x60: {  	_ =	shalt  }
0x61: {  	_ =	shalt  }
0x62: {  	_ =	shalt  }
0x63: {  	_ =	shalt  }
0x64: {  	_ =	shalt  }
0x65: {  	_ =	shalt  }
0x66: {  	_ =	shalt  }
0x67: {  	_ =	shalt  }
0x68: {  	_ =	shalt  }
0x69: {  	_ =	shalt  }
0x6a: {  	_ =	shalt  }
0x6b: {  	_ =	shalt  }
0x6c: {  	_ =	shalt  }
0x6d: {  	_ =	shalt  }
0x6e: {  	_ =	shalt  }
0x6f: {  	_ =	shalt  }
0x70: {  	_ =	shalt  }
0x71: {  	_ =	shalt  }
0x72: {  	_ =	shalt  }
0x73: {  	_ =	shalt  }
0x74: {  	_ =	shalt  }
0x75: {  	_ =	shalt  }
0x76: {  	_ =	shalt  }
0x77: {  	_ =	shalt  }
0x78: {  	_ =	shalt  }
0x79: {  	_ =	shalt  }
0x7a: {  	_ =	shalt  }
0x7b: {  	_ =	shalt  }
0x7c: {  	_ =	shalt  }
0x7d: {  	_ =	shalt  }
0x7e: {  	_ =	shalt  }
0x7f: {  	_ =	shalt  }
0x80: {  	_ =	shalt  }
0x81: {  	_ =	shalt  }
0x82: {  	_ =	shalt  }
0x83: {  	_ =	shalt  }
0x84: {  	_ =	shalt  }
0x85: {  	_ =	shalt  }
0x86: {  	_ =	shalt  }
0x87: {  	_ =	shalt  }
.Lfunc_end0:
.L_simem_size_0:
called_computation.2_lowered:
.L_overlay_start_0:
0x88: {  	s2 =	sld [smem:$0x3FD9]  }
0x89: {  	s3 =	sld [smem:$0x3FFE];
	_ =	sdelay $0x1  }
0x8a: {  	s1 =	srdreg.scid  }
0x8b: {  	s0 =	sand.u32 $0x1, s1  }
0x8c: {  	s17 =	sshll.u32 s0, $0xA;
	s2 =	sadd.s32 s3, s2  }
0x8d: {  	s2 =	sadd.s32 s2, s17  }
0x8e: {  	[smem:$0x3FC2] =	sst s2  }
0x8f: {  	_ = 	snop  }
0x90: {  	s2 =	sld [smem:$0x3FD0];
	(tm) =	ssettm $0x1  }
0x91: {  	s18 =	sld [smem:$0x3FFB];
	_ =	sdelay $0x3  }
0x92: {  	_ =	strace s18  }
0x93: {  	s3 =	sld [smem:$0x3FFC];
	_ =	sdelay $0x3  }
0x94: {  	_ =	strace s3  }
0x95: {  	s3 =	sld [smem:$0x3FFD];
	_ =	sdelay $0x3  }
0x96: {  	_ =	strace s3  }
0x97: {  	_ =	strace $0x8FFFFFFF  }
0x98: {  	s19 =	sld [smem:$0x3FDB];
	_ =	sdelay $0x1  }
0x99: {  	s4 =	simm.s32 $_scs_section_size  }
0x9a: {  	s5 =	simm.s32 $_size__tile_overlayer_lowered;
	s6 =	simm.s32 $_tile_overlayer_lowered  }
0x9b: {  	s22 =	simm.s32 $0x1BFF;
	s21 =	sshll.u32 s6, $0x1;
	s3 =	sadd.s32 s4, s19  }
0x9c: {  	s7 =	simm.s32 $0x0;
	s20 =	sshll.u32 s5, $0x1;
	s5 =	sadd.s32 s21, s3  }
0x9d: {  	[timem:s7], [sflag:s22] =	dma.local [hbm:s5], s20  }
0x9e: {  	_ =	swait.ge [sflag:s22], s20  }
0x9f: {  	s4 =	ssub.s32 $0x0, s20;
	[sflag:s22] =	ssyncset.done $0x0  }
0xa0: {  	[sflag:s22] =	ssyncadd.s32 s4;
	_ =	sdelay $0x1  }
0xa1: {  	s23 =	simm.s32 $0x1B8B  }
0xa2: {  	_ =	swait.ge [sflag:s23], $0x1  }
0xa3: {  	[sflag:s23] =	ssyncset.done $0x0  }
0xa4: {  	s25 =	simm.s32 $0x1B8E;
	s24 =	sld [smem:$0x3FFE];
	[sflag:s23] =	ssyncadd.s32 $0xFFFFFFFF  }
0xa5: {  	s26 =	simm.s32 $execute0_lowered;
	[smem:$0x3FD2] =	sst s25  }
0xa6: {  	s5 =	sshll.u32 s26, $0x1;
	_ =	strace $0x80000050;
	[dreg:$0x1] =	wrdreg $0xFFFFFFFF  }
0xa7: {  	s28 =	simm.s32 $_size_execute0_lowered;
	s3 =	sadd.s32 s3, s5;
	[dreg:$0x0] =	wrdreg $0x0  }
0xa8: {  	s5 =	sshll.u32 s28, $0x1;
	[dreg:$0x2] =	wrdreg s3  }
0xa9: {  	[dreg:$0x3] =	wrdreg s5  }
0xaa: {  	[dreg:$0x4] =	wrdreg $0xC0  }
0xab: {  	_ =	task [dreg:s7], $0x5FFFF  }
0xac: {  	[dreg:$0x1] =	wrdreg $0xFFFFFFFF  }
0xad: {  	[dreg:$0x0] =	wrdreg $0x60  }
0xae: {  	[dreg:$0x2] =	wrdreg s2  }
0xaf: {  	[dreg:$0x3] =	wrdreg s24  }
0xb0: {  	[dreg:$0x4] =	wrdreg $0xA8000  }
0xb1: {  	[dreg:$0x5] =	wrdreg $0x9  }
0xb2: {  	_ =	task.clear_ibuf [dreg:s7], $0x6FFFF;
	_ =	strace $0x90000050  }
0xb3: {  	s29 =	simm.s32 $0x9;
	_ =	strace $0x80000056  }
0xb4: {  	_ =	swait.ge [sflag:s29], $0x1  }
0xb5: {  	[sflag:s29] =	ssyncadd.s32 $0xFFFFFFFF  }
0xb6: {  	_ =	strace $0x90000056  }
0xb7: {  	_ =	sfence  }
0xb8: {  	s30 =	sld [smem:$0x0];
	_ =	sdelay $0x2  }
0xb9: {  	s31 =	sshll.u32 s1, $0xD;
	s1 =	sshrl.u32 s1, $0x2  }
0xba: {  	s3 =	sand.u32 $0x4000, s31;
	s1 =	sadd.s32 s1, s30  }
0xbb: {  	s0 =	sor.u32 s3, s0;
	s1 =	sshll.u32 s1, $0x11  }
0xbc: {  	s0 =	sor.u32 s1, s0  }
0xbd: {  	s0 =	sadd.s32 $0x8F2B, s0  }
0xbe: {  	[sflag:s0] =	ssyncadd.remote.s32 $0x1  }
0xbf: {  	_ =	sfence.sel $0xFFFF  }
0xc0: {  	[dreg:$0x0] =	wrdreg $0xFFFFFFFF;
	(pc) =	sbr.abs _section_cstart, $3  }
0xc1: {  	[dreg:$0x1] =	wrdreg $0xFFFFFFFF  }
0xc2: {  	_ =	task.clear_ibuf [dreg:s7], $0x2FFFF;
	_ =	strace $0x9FFFFFFF  }
0xc3: {  	(tm) =	ssettm $0x7FFFFFFF  }
tec
execute0_lowered:
.L_overlay_start_1:
0x0: {  	(tag) =	ssettag $0x1  }
0x1: {  	s0 =	srdreg.scid;
	s1 =	rddreg [dreg:$0x0]  }
0x2: {  	s2 =	rddreg [dreg:$0x1];
	s7 =	stileid.u32  }
0x3: {  	s3 =	rddreg [dreg:$0x2];
	s5 =	simm.s32 $0x0;
	s28 =	simm.s32 $0x7D  }
0x4: {  	s29 =	simm.s32 $0x80;
	s30 =	simm.s32 $0x6800;
	s31 =	simm.s32 $0x1  }
0x5: {  	s0 =	sand.u32 $0x1, s0;
	[smem:$0x7FF] =	sst s5;
	s16 =	smul.u32 $0x50000, s7  }
0x6: {  	s4 =	sshll.u32 s0, $0x4;
	_ =	strace $0x80000051;
	s6 =	smul.u32 $0x140000, s0  }
0x7: {  	s0 =	ssub.s32 $0x2, s0;
	s4 =	sor.u32 s7, s4;
	s7 =	smul.u32 $0x14000, s7  }
0x8: {  	s8 =	sshrl.u32 s0, $0x1;
	s5 =	sshrl.u32 s16, $0x2;
	s4 =	smul.u32 $0x2800, s4  }
0x9: {  	s0 =	ssub.s32 s0, s8;
	s5 =	sadd.s32 s5, s3;
	s17 =	sadd.s32 s6, s7  }
0xa: {  	s11 =	smax.u32 s0, $0x1;
	s12 =	sadd.s32 $0x4000, s5;
	s20 =	sadd.s32 $0x4000, s7  }
0xb: {  	s13 =	sadd.s32 $0x8000, s5;
	s14 =	sadd.s32 $0xC000, s5;
	s15 =	sadd.s32 $0x10000, s5  }
0xc: {  	s22 =	sadd.s32 $0x8000, s7;
	s4 =	sshrl.u32 s4, $0x3;
	s8 =	sshrl.u32 s17, $0x3  }
0xd: {  	s21 =	sadd.s32 s6, s20;
	s0 =	sadd.s32 s20, s3;
	s4 =	sadd.s32 s4, s2  }
0xe: {  	s23 =	sadd.s32 s6, s22;
	s20 =	simm.s32 $0x2800;
	s9 =	sadd.s32 $0x2600, s4  }
0xf: {  	s2 =	sadd.s32 $0x16600, s2;
	s18 =	sadd.s32 $0xC600, s4;
	[dreg:$0x4] =	wrdreg s9  }
0x10: {  	s19 =	sadd.s32 $0x2880, s4;
	s4 =	sadd.s32 $0xC880, s4;
	[dreg:$0x5] =	wrdreg s18  }
0x11: {  	s10 =	sadd.s32 s2, s8;
	s8 =	sadd.s32 s22, s3;
	[dreg:$0x6] =	wrdreg s19  }
0x12: {  	s22 =	sshrl.u32 s0, $0x3;
	s0 =	simm.s32 $0x2780;
	[dreg:$0x7] =	wrdreg s4  }
0x13: {  	s4 =	sshrl.u32 s21, $0x3;
	s19 =	sadd.s32 $0xC000, s7;
	s7 =	sadd.s32 $0x10000, s7  }
0x14: {  	s21 =	simm.s32 $0x2;
	s16 =	sadd.s32 s2, s4;
	s4 =	sshrl.u32 s23, $0x3  }
0x15: {  	s24 =	sadd.s32 s6, s19;
	s6 =	sadd.s32 s6, s7;
	s25 =	sadd.s32 s19, s3  }
0x16: {  	s26 =	sadd.s32 s7, s3;
	s23 =	sshrl.u32 s8, $0x3;
	s17 =	sadd.s32 s2, s4  }
0x17: {  	s4 =	sshrl.u32 s24, $0x3;
	s6 =	sshrl.u32 s6, $0x3;
	s24 =	sshrl.u32 s25, $0x3  }
0x18: {  	s25 =	sshrl.u32 s26, $0x3;
	s26 =	simm.s32 $0x1400;
	s18 =	sadd.s32 s2, s4  }
0x19: {  	v0 =	vimm.f32 $0.0e+00;
	s19 =	sadd.s32 s2, s6;
	s2 =	simm.s32 $0x2700;
	s4 =	simm.s32 $0x0  }
.LBB2_1:
0x1a: {  	s7 =	simm.s32 $0x0  }
0x1b: {  	s6 =	sand.u32 $0xFE00, s7  }
0x1c: {  	_ =	strace $0x80000052;
	s7 =	sand.u32 $0x70, s7;
	s8 =	sshrl.u32 s6, $0x2  }
0x1d: {  	s6 =	simm.s32 $0x40;
	s8 =	sor.u32 s7, s8;
	s7 =	simm.s32 $0x0  }
.LBB2_2:
0x1e: {  	p0 =	seq.s32 s6, $0xFFC0  }
0x1f: {  	[tilespmem:s8+$0x2800] =	vst v0;
	s7 =	sadd.s32 $0x10, s7;
	s8 =	smov.u32 s6;
	s6 =	sadd.s32 $0x40, s6  }
.Ltmp0:
0x20: {  	(pc) =	sbr.rel @!p0 .LBB2_2-.Ltmp0, $4  }
0x21: {  	_ = 	snop  }
0x22: {  	s8 =	sand.u32 $0xFE00, s8  }
0x23: {  	s9 =	sand.u32 $0x70, s7;
	s8 =	sshrl.u32 s8, $0x2  }
0x24: {  	s8 =	sor.u32 s9, s8  }
0x25: {  	[tilespmem:s8+$0x2800] =	vst v0  }
0x26: {  	[spmem:s5] =	stream.linear.scatter [tilespmem:s20], [sflag:$0x2], $0x4000, $0x200038;
	[tilespmem:$0x1E800] =	vst v63  }
0x27: {  	_ =	swait.ge [sflag:s21], $0x4000  }
0x28: {  	[sflag:s21] =	ssyncset.done $0x0  }
0x29: {  	[sflag:s21] =	ssyncadd.s32 $0xFFFFC000  }
0x2a: {  	[spmem:s12] =	stream.linear.scatter [tilespmem:s20], [sflag:$0x2], $0x4000, $0x200038;
	[tilespmem:$0x1E800] =	vst v63  }
0x2b: {  	_ =	swait.ge [sflag:s21], $0x4000  }
0x2c: {  	[sflag:s21] =	ssyncset.done $0x0  }
0x2d: {  	[sflag:s21] =	ssyncadd.s32 $0xFFFFC000  }
0x2e: {  	[spmem:s13] =	stream.linear.scatter [tilespmem:s20], [sflag:$0x2], $0x4000, $0x200038;
	[tilespmem:$0x1E800] =	vst v63  }
0x2f: {  	_ =	swait.ge [sflag:s21], $0x4000  }
0x30: {  	[sflag:s21] =	ssyncset.done $0x0  }
0x31: {  	[sflag:s21] =	ssyncadd.s32 $0xFFFFC000  }
0x32: {  	[spmem:s14] =	stream.linear.scatter [tilespmem:s20], [sflag:$0x2], $0x4000, $0x200038;
	[tilespmem:$0x1E800] =	vst v63  }
0x33: {  	_ =	swait.ge [sflag:s21], $0x4000  }
0x34: {  	[sflag:s21] =	ssyncset.done $0x0  }
0x35: {  	[sflag:s21] =	ssyncadd.s32 $0xFFFFC000  }
0x36: {  	[spmem:s15] =	stream.linear.scatter [tilespmem:s20], [sflag:$0x2], $0x4000, $0x200038;
	[tilespmem:$0x1E800] =	vst v63  }
0x37: {  	_ =	swait.ge [sflag:s21], $0x4000  }
0x38: {  	[sflag:s21] =	ssyncset.done $0x0  }
0x39: {  	[sflag:s21] =	ssyncadd.s32 $0xFFFFC000  }
0x3a: {  	[bflag:$0x0] =	sbarrier.arrive $0xFFFF  }
0x3b: {  	_ =	strace $0x90000052  }
0x3c: {  	_ =	strace $0x80000053  }
0x3d: {  	s6 =	simm.s32 $0x0;
	s7 =	rddreg [dreg:$0x4]  }
0x3e: {  	[tilespmem:s6], [sflag:$0x2] =	stream.linear.gather [hbm4b:s7+s6], $0x1400, $0x200038;
	[tilespmem:$0x1E800] =	vst v63  }
0x3f: {  	_ =	swait.ge [sflag:s21], $0x1400  }
0x40: {  	[sflag:s21] =	ssyncset.done $0x0  }
0x41: {  	s9 =	rddreg [dreg:$0x5];
	[sflag:s21] =	ssyncadd.s32 $0xFFFFEC00  }
0x42: {  	[tilespmem:s26], [sflag:$0x2] =	stream.linear.gather [hbm4b:s9+s6], $0x1400, $0x200038;
	[tilespmem:$0x1E800] =	vst v63  }
0x43: {  	_ =	swait.ge [sflag:s21], $0x1400  }
0x44: {  	[sflag:s21] =	ssyncset.done $0x0  }
0x45: {  	[sflag:s21] =	ssyncadd.s32 $0xFFFFEC00  }
0x46: {  	[tilespmem:s20], [sflag:$0x1] =	stream.indirect.gather [hbm4b:s1+s28], $0x80, s6, s28, $0x2000b8;
	[tilespmem:$0x1E800] =	vst v63  }
0x47: {  	_ = 	snop  }
0x48: {  	[tilespmem:s30], [sflag:$0x1] =	stream.indirect.gather [hbm4b:s1+s28], $0x80, s29, s28, $0x2000b8;
	[tilespmem:$0x1E800] =	vst v63  }
0x49: {  	_ =	swait.ge [sflag:s31], $0x3E80  }
0x4a: {  	[sflag:s31] =	ssyncset.done $0x0  }
0x4b: {  	s7 =	simm.s32 $0x1400;
	[sflag:s31] =	ssyncadd.s32 $0xFFFFC180  }
0x4c: {  	[spmem:s3] =	stream.indirect.scatter.add.f32 [tilespmem:s20], [sflag:$0x2], $0x80, s7, s28, $0x2000b8;
	[tilespmem:$0x1E800] =	vst v63  }
0x4d: {  	_ =	swait.ge [sflag:s21], $0x3E80  }
0x4e: {  	[sflag:s21] =	ssyncset.done $0x0  }
0x4f: {  	s8 =	simm.s32 $0x100;
	[sflag:s21] =	ssyncadd.s32 $0xFFFFC180  }
0x50: {  	[tilespmem:s20], [sflag:$0x1] =	stream.indirect.gather [hbm4b:s1+s28], $0x80, s8, s28, $0x2000b8;
	[tilespmem:$0x1E800] =	vst v63  }
0x51: {  	_ =	swait.ge [sflag:s31], $0x3E80  }
0x52: {  	[sflag:s31] =	ssyncset.done $0x0  }
0x53: {  	s9 =	simm.s32 $0x1480;
	[sflag:s31] =	ssyncadd.s32 $0xFFFFC180  }
0x54: {  	[spmem:s3] =	stream.indirect.scatter.add.f32 [tilespmem:s30], [sflag:$0x2], $0x80, s9, s28, $0x2000b8;
	[tilespmem:$0x1E800] =	vst v63  }
0x55: {  	_ =	swait.ge [sflag:s21], $0x3E80  }
0x56: {  	[sflag:s21] =	ssyncset.done $0x0  }
0x57: {  	s6 =	simm.s32 $0x400;
	s7 =	simm.s32 $0x180;
	[sflag:s21] =	ssyncadd.s32 $0xFFFFC180  }
.LBB2_4:
0x58: {  	[tilespmem:s30], [sflag:$0x1] =	stream.indirect.gather [hbm4b:s1+s28], $0x80, s7, s28, $0x2000b8;
	[tilespmem:$0x1E800] =	vst v63  }
0x59: {  	s7 =	smov.u32 s6  }
0x5a: {  	p0 =	sne.s32 s6, $0x4800;
	s6 =	sadd.s32 $0x400, s6;
	_ =	swait.ge [sflag:s31], $0x3E80  }
0x5b: {  	s7 =	sshra.s32 s7, $0x2;
	[sflag:s31] =	ssyncset.done $0x0  }
0x5c: {  	s8 =	sadd.s32 $0x1400, s7;
	[sflag:s31] =	ssyncadd.s32 $0xFFFFC180  }
0x5d: {  	[spmem:s3] =	stream.indirect.scatter.add.f32 [tilespmem:s20], [sflag:$0x2], $0x80, s8, s28, $0x2000b8;
	[tilespmem:$0x1E800] =	vst v63  }
0x5e: {  	_ =	swait.ge [sflag:s21], $0x3E80  }
0x5f: {  	[sflag:s21] =	ssyncset.done $0x0  }
0x60: {  	s8 =	sadd.s32 $0x100, s7;
	[sflag:s21] =	ssyncadd.s32 $0xFFFFC180  }
0x61: {  	[tilespmem:s20], [sflag:$0x1] =	stream.indirect.gather [hbm4b:s1+s28], $0x80, s8, s28, $0x2000b8;
	[tilespmem:$0x1E800] =	vst v63  }
0x62: {  	_ =	swait.ge [sflag:s31], $0x3E80  }
0x63: {  	[sflag:s31] =	ssyncset.done $0x0  }
.Ltmp1:
0x64: {  	s8 =	sadd.s32 $0x1480, s7;
	[sflag:s31] =	ssyncadd.s32 $0xFFFFC180;
	(pc) =	sbr.rel @p0 .LBB2_4-.Ltmp1, $4  }
0x65: {  	[spmem:s3] =	stream.indirect.scatter.add.f32 [tilespmem:s30], [sflag:$0x2], $0x80, s8, s28, $0x2000b8;
	[tilespmem:$0x1E800] =	vst v63  }
0x66: {  	_ =	swait.ge [sflag:s21], $0x3E80  }
0x67: {  	[sflag:s21] =	ssyncset.done $0x0  }
0x68: {  	s7 =	sadd.s32 $0x180, s7;
	[sflag:s21] =	ssyncadd.s32 $0xFFFFC180  }
0x69: {  	[tilespmem:s30], [sflag:$0x1] =	stream.indirect.gather [hbm4b:s1+s28], $0x80, s7, s28, $0x2000b8;
	[tilespmem:$0x1E800] =	vst v63  }
0x6a: {  	_ =	swait.ge [sflag:s31], $0x3E80  }
0x6b: {  	[sflag:s31] =	ssyncset.done $0x0  }
0x6c: {  	[sflag:s31] =	ssyncadd.s32 $0xFFFFC180  }
0x6d: {  	[spmem:s3] =	stream.indirect.scatter.add.f32 [tilespmem:s20], [sflag:$0x2], $0x80, s2, s28, $0x2000b8;
	[tilespmem:$0x1E800] =	vst v63  }
0x6e: {  	_ =	swait.ge [sflag:s21], $0x3E80  }
0x6f: {  	[sflag:s21] =	ssyncset.done $0x0  }
0x70: {  	[sflag:s21] =	ssyncadd.s32 $0xFFFFC180  }
0x71: {  	_ =	swait.ge [sflag:s31], $0x3E80  }
0x72: {  	[sflag:s31] =	ssyncset.done $0x0  }
0x73: {  	[sflag:s31] =	ssyncadd.s32 $0xFFFFC180  }
0x74: {  	[spmem:s3] =	stream.indirect.scatter.add.f32 [tilespmem:s30], [sflag:$0x2], $0x80, s0, s28, $0x2000b8;
	[tilespmem:$0x1E800] =	vst v63  }
0x75: {  	_ =	swait.ge [sflag:s21], $0x3E80  }
0x76: {  	[sflag:s21] =	ssyncset.done $0x0  }
0x77: {  	[sflag:s21] =	ssyncadd.s32 $0xFFFFC180  }
0x78: {  	_ =	strace $0x90000053  }
0x79: {  	_ =	strace $0x80000054  }
0x7a: {  	s6 =	simm.s32 $0x0;
	s8 =	rddreg [dreg:$0x6]  }
0x7b: {  	[tilespmem:s6], [sflag:$0x2] =	stream.linear.gather [hbm4b:s8+s6], $0x1400, $0x200038;
	[tilespmem:$0x1E800] =	vst v63  }
0x7c: {  	_ =	swait.ge [sflag:s21], $0x1400  }
0x7d: {  	[sflag:s21] =	ssyncset.done $0x0  }
0x7e: {  	s9 =	rddreg [dreg:$0x7];
	[sflag:s21] =	ssyncadd.s32 $0xFFFFEC00  }
0x7f: {  	[tilespmem:s26], [sflag:$0x2] =	stream.linear.gather [hbm4b:s9+s6], $0x1400, $0x200038;
	[tilespmem:$0x1E800] =	vst v63  }
0x80: {  	_ =	swait.ge [sflag:s21], $0x1400  }
0x81: {  	[sflag:s21] =	ssyncset.done $0x0  }
0x82: {  	[sflag:s21] =	ssyncadd.s32 $0xFFFFEC00  }
0x83: {  	[tilespmem:s20], [sflag:$0x1] =	stream.indirect.gather [hbm4b:s1+s28], $0x80, s6, s28, $0x2000b8;
	[tilespmem:$0x1E800] =	vst v63  }
0x84: {  	_ = 	snop  }
0x85: {  	[tilespmem:s30], [sflag:$0x1] =	stream.indirect.gather [hbm4b:s1+s28], $0x80, s29, s28, $0x2000b8;
	[tilespmem:$0x1E800] =	vst v63  }
0x86: {  	_ =	swait.ge [sflag:s31], $0x3E80  }
0x87: {  	[sflag:s31] =	ssyncset.done $0x0  }
0x88: {  	s7 =	simm.s32 $0x1400;
	[sflag:s31] =	ssyncadd.s32 $0xFFFFC180  }
0x89: {  	[spmem:s3] =	stream.indirect.scatter.add.f32 [tilespmem:s20], [sflag:$0x2], $0x80, s7, s28, $0x2000b8;
	[tilespmem:$0x1E800] =	vst v63  }
0x8a: {  	_ =	swait.ge [sflag:s21], $0x3E80  }
0x8b: {  	[sflag:s21] =	ssyncset.done $0x0  }
0x8c: {  	s8 =	simm.s32 $0x100;
	[sflag:s21] =	ssyncadd.s32 $0xFFFFC180  }
0x8d: {  	[tilespmem:s20], [sflag:$0x1] =	stream.indirect.gather [hbm4b:s1+s28], $0x80, s8, s28, $0x2000b8;
	[tilespmem:$0x1E800] =	vst v63  }
0x8e: {  	_ =	swait.ge [sflag:s31], $0x3E80  }
0x8f: {  	[sflag:s31] =	ssyncset.done $0x0  }
0x90: {  	s9 =	simm.s32 $0x1480;
	[sflag:s31] =	ssyncadd.s32 $0xFFFFC180  }
0x91: {  	[spmem:s3] =	stream.indirect.scatter.add.f32 [tilespmem:s30], [sflag:$0x2], $0x80, s9, s28, $0x2000b8;
	[tilespmem:$0x1E800] =	vst v63  }
0x92: {  	_ =	swait.ge [sflag:s21], $0x3E80  }
0x93: {  	[sflag:s21] =	ssyncset.done $0x0  }
0x94: {  	s6 =	simm.s32 $0x400;
	s7 =	simm.s32 $0x180;
	[sflag:s21] =	ssyncadd.s32 $0xFFFFC180  }
.LBB2_6:
0x95: {  	[tilespmem:s30], [sflag:$0x1] =	stream.indirect.gather [hbm4b:s1+s28], $0x80, s7, s28, $0x2000b8;
	[tilespmem:$0x1E800] =	vst v63  }
0x96: {  	s7 =	smov.u32 s6  }
0x97: {  	p0 =	sne.s32 s6, $0x4800;
	s6 =	sadd.s32 $0x400, s6;
	_ =	swait.ge [sflag:s31], $0x3E80  }
0x98: {  	s7 =	sshra.s32 s7, $0x2;
	[sflag:s31] =	ssyncset.done $0x0  }
0x99: {  	s8 =	sadd.s32 $0x1400, s7;
	[sflag:s31] =	ssyncadd.s32 $0xFFFFC180  }
0x9a: {  	[spmem:s3] =	stream.indirect.scatter.add.f32 [tilespmem:s20], [sflag:$0x2], $0x80, s8, s28, $0x2000b8;
	[tilespmem:$0x1E800] =	vst v63  }
0x9b: {  	_ =	swait.ge [sflag:s21], $0x3E80  }
0x9c: {  	[sflag:s21] =	ssyncset.done $0x0  }
0x9d: {  	s8 =	sadd.s32 $0x100, s7;
	[sflag:s21] =	ssyncadd.s32 $0xFFFFC180  }
0x9e: {  	[tilespmem:s20], [sflag:$0x1] =	stream.indirect.gather [hbm4b:s1+s28], $0x80, s8, s28, $0x2000b8;
	[tilespmem:$0x1E800] =	vst v63  }
0x9f: {  	_ =	swait.ge [sflag:s31], $0x3E80  }
0xa0: {  	[sflag:s31] =	ssyncset.done $0x0  }
.Ltmp2:
0xa1: {  	s8 =	sadd.s32 $0x1480, s7;
	[sflag:s31] =	ssyncadd.s32 $0xFFFFC180;
	(pc) =	sbr.rel @p0 .LBB2_6-.Ltmp2, $4  }
0xa2: {  	[spmem:s3] =	stream.indirect.scatter.add.f32 [tilespmem:s30], [sflag:$0x2], $0x80, s8, s28, $0x2000b8;
	[tilespmem:$0x1E800] =	vst v63  }
0xa3: {  	_ =	swait.ge [sflag:s21], $0x3E80  }
0xa4: {  	[sflag:s21] =	ssyncset.done $0x0  }
0xa5: {  	s7 =	sadd.s32 $0x180, s7;
	[sflag:s21] =	ssyncadd.s32 $0xFFFFC180  }
0xa6: {  	[tilespmem:s30], [sflag:$0x1] =	stream.indirect.gather [hbm4b:s1+s28], $0x80, s7, s28, $0x2000b8;
	[tilespmem:$0x1E800] =	vst v63  }
0xa7: {  	_ =	swait.ge [sflag:s31], $0x3E80  }
0xa8: {  	[sflag:s31] =	ssyncset.done $0x0  }
0xa9: {  	[sflag:s31] =	ssyncadd.s32 $0xFFFFC180  }
0xaa: {  	[spmem:s3] =	stream.indirect.scatter.add.f32 [tilespmem:s20], [sflag:$0x2], $0x80, s2, s28, $0x2000b8;
	[tilespmem:$0x1E800] =	vst v63  }
0xab: {  	_ =	swait.ge [sflag:s21], $0x3E80  }
0xac: {  	[sflag:s21] =	ssyncset.done $0x0  }
0xad: {  	[sflag:s21] =	ssyncadd.s32 $0xFFFFC180  }
0xae: {  	_ =	swait.ge [sflag:s31], $0x3E80  }
0xaf: {  	[sflag:s31] =	ssyncset.done $0x0  }
0xb0: {  	[sflag:s31] =	ssyncadd.s32 $0xFFFFC180  }
0xb1: {  	[spmem:s3] =	stream.indirect.scatter.add.f32 [tilespmem:s30], [sflag:$0x2], $0x80, s0, s28, $0x2000b8;
	[tilespmem:$0x1E800] =	vst v63  }
0xb2: {  	_ =	swait.ge [sflag:s21], $0x3E80  }
0xb3: {  	[sflag:s21] =	ssyncset.done $0x0  }
0xb4: {  	[sflag:s21] =	ssyncadd.s32 $0xFFFFC180  }
0xb5: {  	s6 =	stileid.u32;
	_ =	strace $0x90000054  }
0xb6: {  	s6 =	sshll.u32 s6, $0x6;
	_ =	strace $0x80000055  }
0xb7: {  	s9 =	sshrl.u32 s5, $0x3;
	s6 =	sor.u32 $0x1C02, s6;
	[bflag:$0x0] =	sbarrier.arrive $0xFFFF  }
0xb8: {  	[hbm:s10], [sflag:s6] =	dma.local [spmem:s9], $0x800  }
0xb9: {  	_ =	swait.ge [sflag:s21], $0x800  }
0xba: {  	[sflag:s21] =	ssyncset.done $0x0  }
0xbb: {  	[sflag:s21] =	ssyncadd.s32 $0xFFFFF800  }
0xbc: {  	[hbm:s16], [sflag:s6] =	dma.local [spmem:s22], $0x800  }
0xbd: {  	_ =	swait.ge [sflag:s21], $0x800  }
0xbe: {  	[sflag:s21] =	ssyncset.done $0x0  }
0xbf: {  	[sflag:s21] =	ssyncadd.s32 $0xFFFFF800  }
0xc0: {  	[hbm:s17], [sflag:s6] =	dma.local [spmem:s23], $0x800  }
0xc1: {  	_ =	swait.ge [sflag:s21], $0x800  }
0xc2: {  	[sflag:s21] =	ssyncset.done $0x0  }
0xc3: {  	[sflag:s21] =	ssyncadd.s32 $0xFFFFF800  }
0xc4: {  	[hbm:s18], [sflag:s6] =	dma.local [spmem:s24], $0x800  }
0xc5: {  	_ =	swait.ge [sflag:s21], $0x800  }
0xc6: {  	s4 =	sadd.s32 $0x1, s4;
	[sflag:s21] =	ssyncset.done $0x0  }
0xc7: {  	p0 =	sne.s32 s4, s11;
	[sflag:s21] =	ssyncadd.s32 $0xFFFFF800  }
0xc8: {  	[hbm:s19], [sflag:s6] =	dma.local [spmem:s25], $0x800  }
.Ltmp3:
0xc9: {  	_ = 	snop;
	(pc) =	sbr.rel @p0 .LBB2_1-.Ltmp3, $4  }
0xca: {  	_ =	swait.ge [sflag:s21], $0x800  }
0xcb: {  	[sflag:s21] =	ssyncset.done $0x0  }
0xcc: {  	[sflag:s21] =	ssyncadd.s32 $0xFFFFF800  }
0xcd: {  	_ =	strace $0x90000055  }
0xce: {  	_ =	sfence.sel $0x180000  }
0xcf: {  	[bflag:$0x0] =	sbarrier.arrive $0xFFFF  }
0xd0: {  	_ =	strace $0x90000051  }
0xd1: {  	s0 =	stileid.u32;
	[bflag:$0x2] =	sbarrier.arrive $0xFFFF  }
0xd2: {  	p0 =	sne.s32 s0, $0x0;
	s0 =	rddreg [dreg:$0x3]  }
0xd3: {  	s0 =	sadd.s32 @!p0 $0x100000, s0  }
0xd4: {  	[sflag:s0] =	ssyncadd.tile.s32 @!p0 $0x1;
	_ =	shalt  }
.Lfunc_end2:
_tile_overlayer_lowered:
.L_overlay_start_2:
0xd5: {  	(tag) =	ssettag $0x2  }
0xd6: {  	s0 =	rddreg [dreg:$0x0];
	s2 =	stileid.u32  }
0xd7: {  	s1 =	rddreg [dreg:$0x1];
	p0 =	sne.s32 s2, $0x0  }
0xd8: {  	s3 =	rddreg [dreg:$0x2];
	[bflag:$0x3] =	sbarrier.arrive $0xFFFF;
	s2 =	simm.s32 @!p0 $0x1C02  }
0xd9: {  	[timem:s3], [sflag:s2] =	dma.local @!p0 [hbm:s0], s1  }
0xda: {  	s0 =	simm.s32 @!p0 $0x2  }
0xdb: {  	_ =	swait.ge @!p0 [sflag:s0], s1  }
0xdc: {  	s1 =	ssub.s32 @!p0 $0x0, s1;
	[sflag:s0] =	ssyncset.done @!p0 $0x0  }
0xdd: {  	[sflag:s0] =	ssyncadd.s32 @!p0 s1  }
0xde: {  	[bflag:$0x3] =	sbarrier.arrive $0xFFFF  }
0xdf: {  	_ =	shalt  }

// kernel: kernel.8.cloned.1.call-start
scs
__scs_entry_jumppad:
0x0: {  	(pc) =	sbr.rel $0x88, $3  }
0x1: {  	(tag) =	ssettag $0x0;
	lr =	simm.s32 $0x1  }
0x2: {  	[smem:$0x3F9B] =	sst lr;
	_ =	strace $0xD0000000  }
0x3: {  	_ = 	snop  }
0x4: {  	_ = 	snop  }
0x5: {  	_ = 	snop  }
0x6: {  	_ = 	snop  }
0x7: {  	_ = 	snop  }
__scs_overlays_trampoline_lowered:
0x8: {  	[smem:$0x3FAA] =	sst s0  }
0x9: {  	[smem:$0x3FAB] =	sst s1  }
0xa: {  	[smem:$0x3FAC] =	sst s2  }
0xb: {  	[smem:$0x3FAD] =	sst s3  }
0xc: {  	[smem:$0x3FAE] =	sst s4  }
0xd: {  	[smem:$0x3FAF] =	sst s5  }
0xe: {  	[smem:$0x3FB0] =	sst s6  }
0xf: {  	[smem:$0x3FB1] =	sst s7  }
0x10: {  	[smem:$0x3FB2] =	sst s8  }
0x11: {  	[smem:$0x3FB3] =	sst s9;
	s0 =	simm.s32 @!p0 $0x0  }
0x12: {  	s1 =	sld [smem:$0x3F99];
	s0 =	simm.s32 @p0 $0x1  }
0x13: {  	[smem:$0x3FB4] =	sst s0;
	s0 =	simm.s32 @!p1 $0x0  }
0x14: {  	s2 =	sld [smem:$0x3F98];
	s0 =	simm.s32 @p1 $0x1  }
0x15: {  	[smem:$0x3FB5] =	sst s0;
	s0 =	simm.s32 @!p2 $0x0  }
0x16: {  	s3 =	sld [smem:$0x3FDB];
	s0 =	simm.s32 @p2 $0x1  }
0x17: {  	s4 =	simm.s32 $0x1BF5;
	[smem:$0x3FB7] =	sst s0  }
0x18: {  	s0 =	sld [smem:$0x3F9A];
	_ =	swait.ge [sflag:s4], $0x0  }
0x19: {  	s7 =	sld [smem:$0x3F9B]  }
0x1a: {  	s8 =	sadd.s32 $0xFFFFE003, lr  }
0x1b: {  	s9 =	sadd.s32 $0xFFFFFEF7, lr;
	s5 =	simm.s32 $0xFFFFFFFF;
	p2 =	slt.u32 s8, $0xFFFFF086  }
0x1c: {  	p1 =	slt.u32 s9, $0xF7A;
	s5 =	simm.s32 @!p2 $0x0  }
0x1d: {  	s5 =	simm.s32 @p1 $0x1;
	p0 =	seq.s32 s7, s2  }
0x1e: {  	s7 =	smul.u32 @!p0 $0xF7A, s2;
	p2 =	seq.s32 @!p0 s5, $0x0  }
0x1f: {  	s9 =	smul.u32 $0xF7A, s1;
	s8 =	simm.s32 @!p0 $0x1BF5;
	p2 =	por !p2, p0  }
0x20: {  	[sflag:s8] =	ssyncset.s32 @!p0 $0xFFFFF086;
	s6 =	sadd.s32 @!p0 s3, s7;
	s7 =	simm.s32 @!p0 $0x108  }
0x21: {  	s3 =	sadd.s32 s3, s9;
	s6 =	sadd.s32 @!p0 $0x88, s6;
	s7 =	simm.s32 @p2 $0x1082  }
0x22: {  	[simem:s7], [sflag:s8] =	dma.local @!p0 [hbm:s6], $0xF7A  }
0x23: {  	s9 =	sor.u32 $0xD0000000, s2;
	s6 =	simm.s32 $0x108;
	_ =	swait.ge @!p0 [sflag:s8], $0x0  }
0x24: {  	s3 =	sadd.s32 $0x88, s3;
	s6 =	simm.s32 @!p1 $0x1082;
	[sflag:s4] =	ssyncset.s32 $0xFFFFF086  }
0x25: {  	[simem:s6], [sflag:s4] =	dma.local [hbm:s3], $0xF7A  }
0x26: {  	[smem:$0x3F9B] =	sst s1;
	(tag) =	ssettag s2;
	_ =	strace s9  }
0x27: {  	s1 =	sld [smem:$0x3FAB]  }
0x28: {  	s2 =	sld [smem:$0x3FAC]  }
0x29: {  	s4 =	sld [smem:$0x3FAE]  }
0x2a: {  	p0 =	seq.s32 s5, $0x0;
	s5 =	sld [smem:$0x3FAF]  }
0x2b: {  	s6 =	sld [smem:$0x3FB0]  }
0x2c: {  	s7 =	sld [smem:$0x3FB1]  }
0x2d: {  	s3 =	simm.s32 $0x108;
	s8 =	sld [smem:$0x3FB2]  }
0x2e: {  	s3 =	simm.s32 @!p0 $0x1082;
	s9 =	sld [smem:$0x3FB3]  }
0x2f: {  	lr =	sadd.s32 s0, s3;
	s0 =	sld [smem:$0x3FAA]  }
0x30: {  	s3 =	sld [smem:$0x3FAD]  }
0x31: {  	[smem:$0x3FB6] =	sst s10  }
0x32: {  	s10 =	sld [smem:$0x3FB4];
	_ =	sdelay $0x3  }
0x33: {  	p0 =	seq.s32 s10, $0x1;
	s10 =	sld [smem:$0x3FB6];
	_ =	sdelay $0x3  }
0x34: {  	[smem:$0x3FB6] =	sst s10  }
0x35: {  	s10 =	sld [smem:$0x3FB5];
	_ =	sdelay $0x3  }
0x36: {  	p1 =	seq.s32 s10, $0x1;
	s10 =	sld [smem:$0x3FB6];
	_ =	sdelay $0x3  }
0x37: {  	[smem:$0x3FB6] =	sst s10  }
0x38: {  	s10 =	sld [smem:$0x3FB7]  }
0x39: {  	_ = 	snop;
	(pc) =	sbr.ind lr, $3  }
0x3a: {  	_ = 	snop  }
0x3b: {  	_ = 	snop  }
0x3c: {  	p2 =	seq.s32 s10, $0x1;
	s10 =	sld [smem:$0x3FB6]  }
0x3d: {  	_ =	shalt  }
0x3e: {  	_ =	shalt  }
0x3f: {  	_ =	shalt  }
0x40: {  	_ =	shalt  }
0x41: {  	_ =	shalt  }
0x42: {  	_ =	shalt  }
0x43: {  	_ =	shalt  }
0x44: {  	_ =	shalt  }
0x45: {  	_ =	shalt  }
0x46: {  	_ =	shalt  }
0x47: {  	_ =	shalt  }
0x48: {  	_ =	shalt  }
0x49: {  	_ =	shalt  }
0x4a: {  	_ =	shalt  }
0x4b: {  	_ =	shalt  }
0x4c: {  	_ =	shalt  }
0x4d: {  	_ =	shalt  }
0x4e: {  	_ =	shalt  }
0x4f: {  	_ =	shalt  }
0x50: {  	_ =	shalt  }
0x51: {  	_ =	shalt  }
0x52: {  	_ =	shalt  }
0x53: {  	_ =	shalt  }
0x54: {  	_ =	shalt  }
0x55: {  	_ =	shalt  }
0x56: {  	_ =	shalt  }
0x57: {  	_ =	shalt  }
0x58: {  	_ =	shalt  }
0x59: {  	_ =	shalt  }
0x5a: {  	_ =	shalt  }
0x5b: {  	_ =	shalt  }
0x5c: {  	_ =	shalt  }
0x5d: {  	_ =	shalt  }
0x5e: {  	_ =	shalt  }
0x5f: {  	_ =	shalt  }
0x60: {  	_ =	shalt  }
0x61: {  	_ =	shalt  }
0x62: {  	_ =	shalt  }
0x63: {  	_ =	shalt  }
0x64: {  	_ =	shalt  }
0x65: {  	_ =	shalt  }
0x66: {  	_ =	shalt  }
0x67: {  	_ =	shalt  }
0x68: {  	_ =	shalt  }
0x69: {  	_ =	shalt  }
0x6a: {  	_ =	shalt  }
0x6b: {  	_ =	shalt  }
0x6c: {  	_ =	shalt  }
0x6d: {  	_ =	shalt  }
0x6e: {  	_ =	shalt  }
0x6f: {  	_ =	shalt  }
0x70: {  	_ =	shalt  }
0x71: {  	_ =	shalt  }
0x72: {  	_ =	shalt  }
0x73: {  	_ =	shalt  }
0x74: {  	_ =	shalt  }
0x75: {  	_ =	shalt  }
0x76: {  	_ =	shalt  }
0x77: {  	_ =	shalt  }
0x78: {  	_ =	shalt  }
0x79: {  	_ =	shalt  }
0x7a: {  	_ =	shalt  }
0x7b: {  	_ =	shalt  }
0x7c: {  	_ =	shalt  }
0x7d: {  	_ =	shalt  }
0x7e: {  	_ =	shalt  }
0x7f: {  	_ =	shalt  }
0x80: {  	_ =	shalt  }
0x81: {  	_ =	shalt  }
0x82: {  	_ =	shalt  }
0x83: {  	_ =	shalt  }
0x84: {  	_ =	shalt  }
0x85: {  	_ =	shalt  }
0x86: {  	_ =	shalt  }
0x87: {  	_ =	shalt  }
.Lfunc_end0:
.L_simem_size_0:
called_computation_lowered:
.L_overlay_start_0:
0x88: {  	s2 =	sld [smem:$0x3FD9]  }
0x89: {  	s3 =	sld [smem:$0x3FFE];
	_ =	sdelay $0x1  }
0x8a: {  	s1 =	srdreg.scid  }
0x8b: {  	s0 =	sand.u32 $0x1, s1  }
0x8c: {  	s17 =	sshll.u32 s0, $0xA;
	s2 =	sadd.s32 s3, s2  }
0x8d: {  	s2 =	sadd.s32 s2, s17  }
0x8e: {  	[smem:$0x3FC2] =	sst s2  }
0x8f: {  	_ = 	snop  }
0x90: {  	s2 =	sld [smem:$0x3FD0];
	(tm) =	ssettm $0x1  }
0x91: {  	s18 =	sld [smem:$0x3FFB];
	_ =	sdelay $0x3  }
0x92: {  	_ =	strace s18  }
0x93: {  	s3 =	sld [smem:$0x3FFC];
	_ =	sdelay $0x3  }
0x94: {  	_ =	strace s3  }
0x95: {  	s3 =	sld [smem:$0x3FFD];
	_ =	sdelay $0x3  }
0x96: {  	_ =	strace s3  }
0x97: {  	_ =	strace $0x8FFFFFFF  }
0x98: {  	s19 =	sld [smem:$0x3FDB];
	_ =	sdelay $0x1  }
0x99: {  	s4 =	simm.s32 $_scs_section_size  }
0x9a: {  	s5 =	simm.s32 $_size__tile_overlayer_lowered;
	s6 =	simm.s32 $_tile_overlayer_lowered  }
0x9b: {  	s22 =	simm.s32 $0x1BFF;
	s21 =	sshll.u32 s6, $0x1;
	s3 =	sadd.s32 s4, s19  }
0x9c: {  	s7 =	simm.s32 $0x0;
	s20 =	sshll.u32 s5, $0x1;
	s5 =	sadd.s32 s21, s3  }
0x9d: {  	[timem:s7], [sflag:s22] =	dma.local [hbm:s5], s20  }
0x9e: {  	_ =	swait.ge [sflag:s22], s20  }
0x9f: {  	s4 =	ssub.s32 $0x0, s20;
	[sflag:s22] =	ssyncset.done $0x0  }
0xa0: {  	[sflag:s22] =	ssyncadd.s32 s4;
	_ =	sdelay $0x1  }
0xa1: {  	s23 =	simm.s32 $0x1B8B  }
0xa2: {  	_ =	swait.ge [sflag:s23], $0x1  }
0xa3: {  	[sflag:s23] =	ssyncset.done $0x0  }
0xa4: {  	s25 =	simm.s32 $0x1B8E;
	s24 =	sld [smem:$0x3FFE];
	[sflag:s23] =	ssyncadd.s32 $0xFFFFFFFF  }
0xa5: {  	s26 =	simm.s32 $execute0_lowered;
	[smem:$0x3FD2] =	sst s25  }
0xa6: {  	s5 =	sshll.u32 s26, $0x1;
	_ =	strace $0x80000046;
	[dreg:$0x1] =	wrdreg $0xFFFFFFFF  }
0xa7: {  	s28 =	simm.s32 $_size_execute0_lowered;
	s3 =	sadd.s32 s3, s5;
	[dreg:$0x0] =	wrdreg $0x0  }
0xa8: {  	s5 =	sshll.u32 s28, $0x1;
	[dreg:$0x2] =	wrdreg s3  }
0xa9: {  	[dreg:$0x3] =	wrdreg s5  }
0xaa: {  	[dreg:$0x4] =	wrdreg $0xC0  }
0xab: {  	_ =	task [dreg:s7], $0x5FFFF  }
0xac: {  	[dreg:$0x1] =	wrdreg $0xFFFFFFFF  }
0xad: {  	[dreg:$0x0] =	wrdreg $0x60  }
0xae: {  	[dreg:$0x2] =	wrdreg s24  }
0xaf: {  	[dreg:$0x3] =	wrdreg s2  }
0xb0: {  	[dreg:$0x4] =	wrdreg $0x53000  }
0xb1: {  	[dreg:$0x5] =	wrdreg $0x55800  }
0xb2: {  	[dreg:$0x6] =	wrdreg $0x9  }
0xb3: {  	_ =	task.clear_ibuf [dreg:s7], $0x7FFFF;
	_ =	strace $0x90000046  }
0xb4: {  	s29 =	simm.s32 $0x9;
	_ =	strace $0x80000048  }
0xb5: {  	_ =	swait.ge [sflag:s29], $0x1  }
0xb6: {  	[sflag:s29] =	ssyncadd.s32 $0xFFFFFFFF  }
0xb7: {  	_ =	strace $0x90000048  }
0xb8: {  	_ =	sfence  }
0xb9: {  	s30 =	sld [smem:$0x0];
	_ =	sdelay $0x2  }
0xba: {  	s31 =	sshll.u32 s1, $0xD;
	s1 =	sshrl.u32 s1, $0x2  }
0xbb: {  	s3 =	sand.u32 $0x4000, s31;
	s1 =	sadd.s32 s1, s30  }
0xbc: {  	s0 =	sor.u32 s3, s0;
	s1 =	sshll.u32 s1, $0x11  }
0xbd: {  	s0 =	sor.u32 s1, s0  }
0xbe: {  	s0 =	sadd.s32 $0x8F2B, s0  }
0xbf: {  	[sflag:s0] =	ssyncadd.remote.s32 $0x1  }
0xc0: {  	_ =	sfence.sel $0xFFFF  }
0xc1: {  	[dreg:$0x0] =	wrdreg $0xFFFFFFFF;
	(pc) =	sbr.abs _section_cstart, $3  }
0xc2: {  	[dreg:$0x1] =	wrdreg $0xFFFFFFFF  }
0xc3: {  	_ =	task.clear_ibuf [dreg:s7], $0x2FFFF;
	_ =	strace $0x9FFFFFFF  }
0xc4: {  	(tm) =	ssettm $0x7FFFFFFF  }
0xc5: {  	_ =	shalt  }
tec
execute0_lowered:
.L_overlay_start_1:
0x0: {  	(tag) =	ssettag $0x1  }
0x1: {  	s5 =	rddreg [dreg:$0x0]  }
0x2: {  	s9 =	rddreg [dreg:$0x1]  }
0x3: {  	s2 =	rddreg [dreg:$0x2]  }
0x4: {  	s0 =	srdreg.scid;
	s3 =	rddreg [dreg:$0x3]  }
0x5: {  	s4 =	simm.s32 $0x0;
	s14 =	simm.s32 $0x2800;
	s15 =	simm.s32 $0x7D  }
0x6: {  	s16 =	simm.s32 $0x5000;
	s17 =	simm.s32 $0x1;
	s20 =	simm.s32 $0x20  }
0x7: {  	s21 =	simm.s32 $0x10;
	s6 =	sand.u32 $0x1, s0;
	s0 =	stileid.u32  }
0x8: {  	s23 =	simm.s32 $0x0;
	[smem:$0x7FF] =	sst s4;
	s8 =	smul.u32 $0x5000, s6  }
0x9: {  	s1 =	sshll.u32 s6, $0x4;
	s6 =	ssub.s32 $0x2, s6;
	s10 =	smul.u32 $0x500, s0  }
0xa: {  	s12 =	smul.u32 $0x280, s0;
	s18 =	sshll.u32 s0, $0x6;
	s7 =	sor.u32 s0, s1  }
0xb: {  	s1 =	rddreg [dreg:$0x4];
	_ =	strace $0x80000047;
	s11 =	sshrl.u32 s6, $0x1  }
0xc: {  	s18 =	sor.u32 $0x1C02, s18;
	s7 =	smul.u32 $0x2800, s7;
	s31 =	sadd.s32 s10, s8  }
0xd: {  	s11 =	ssub.s32 s6, s11;
	s6 =	sadd.s32 s12, s3;
	s10 =	sshrl.u32 s31, $0x3  }
0xe: {  	s11 =	smax.u32 s11, $0x1;
	s22 =	sshrl.u32 s6, $0x3;
	s7 =	sshrl.u32 s7, $0x3  }
0xf: {  	s9 =	sadd.s32 s9, s10;
	s13 =	sadd.s32 s7, s5;
	s5 =	sadd.s32 s12, s2  }
0x10: {  	s10 =	sadd.s32 $0x10, s9;
	s12 =	simm.s32 $0x5080;
	s7 =	sadd.s32 $0x2600, s13  }
0x11: {  	v0 =	vimm.f32 $0.0e+00;
	v1 =	vimm.f32 $1.000000000e+00;
	s8 =	sadd.s32 $0xC600, s13;
	s13 =	simm.s32 $0x2;
	s19 =	sshrl.u32 s5, $0x3  }
.LBB2_1:
0x12: {  	[tilespmem:$0x5080] =	vst v0  }
0x13: {  	[tilespmem:$0x5090] =	vst v0  }
0x14: {  	[tilespmem:$0x50A0] =	vst v0  }
0x15: {  	[tilespmem:$0x50B0] =	vst v0  }
0x16: {  	[tilespmem:$0x50C0] =	vst v0  }
0x17: {  	[tilespmem:$0x50D0] =	vst v0  }
0x18: {  	[tilespmem:$0x50E0] =	vst v0  }
0x19: {  	[tilespmem:$0x50F0] =	vst v0  }
0x1a: {  	[tilespmem:$0x5100] =	vst v0  }
0x1b: {  	[tilespmem:$0x5110] =	vst v0  }
0x1c: {  	[tilespmem:$0x5120] =	vst v0  }
0x1d: {  	[tilespmem:$0x5130] =	vst v0  }
0x1e: {  	[tilespmem:$0x5140] =	vst v0  }
0x1f: {  	[tilespmem:$0x5150] =	vst v0  }
0x20: {  	[tilespmem:$0x5160] =	vst v0  }
0x21: {  	[tilespmem:$0x5170] =	vst v0  }
0x22: {  	[tilespmem:$0x5180] =	vst v0  }
0x23: {  	[tilespmem:$0x5190] =	vst v0  }
0x24: {  	[tilespmem:$0x51A0] =	vst v0  }
0x25: {  	[tilespmem:$0x51B0] =	vst v0  }
0x26: {  	[tilespmem:$0x51C0] =	vst v0  }
0x27: {  	[tilespmem:$0x51D0] =	vst v0  }
0x28: {  	[tilespmem:$0x51E0] =	vst v0  }
0x29: {  	[tilespmem:$0x51F0] =	vst v0  }
0x2a: {  	[tilespmem:$0x5200] =	vst v0  }
0x2b: {  	[tilespmem:$0x5210] =	vst v0  }
0x2c: {  	[tilespmem:$0x5220] =	vst v0  }
0x2d: {  	[tilespmem:$0x5230] =	vst v0  }
0x2e: {  	[tilespmem:$0x5240] =	vst v0  }
0x2f: {  	[tilespmem:$0x5250] =	vst v0  }
0x30: {  	[tilespmem:$0x5260] =	vst v0  }
0x31: {  	[tilespmem:$0x5270] =	vst v0  }
0x32: {  	[tilespmem:$0x5280] =	vst v0  }
0x33: {  	[tilespmem:$0x5290] =	vst v0  }
0x34: {  	[tilespmem:$0x52A0] =	vst v0  }
0x35: {  	[tilespmem:$0x52B0] =	vst v0  }
0x36: {  	[tilespmem:$0x52C0] =	vst v0  }
0x37: {  	[tilespmem:$0x52D0] =	vst v0  }
0x38: {  	[tilespmem:$0x52E0] =	vst v0  }
0x39: {  	[tilespmem:$0x52F0] =	vst v0  }
0x3a: {  	[tilespmem:$0x5000] =	vst v1  }
0x3b: {  	[tilespmem:$0x5010] =	vst v1  }
0x3c: {  	[tilespmem:$0x5020] =	vst v1  }
0x3d: {  	[tilespmem:$0x5030] =	vst v1  }
0x3e: {  	[tilespmem:$0x5040] =	vst v1  }
0x3f: {  	[tilespmem:$0x5050] =	vst v1  }
0x40: {  	[tilespmem:$0x5060] =	vst v1  }
0x41: {  	[tilespmem:$0x5070] =	vst v1  }
0x42: {  	[spmem:s5] =	stream.linear.scatter [tilespmem:s12], [sflag:$0x2], $0x280, $0x38;
	[tilespmem:$0x5800] =	vst v63  }
0x43: {  	_ =	swait.ge [sflag:s13], $0x280  }
0x44: {  	[sflag:s13] =	ssyncset.done $0x0  }
0x45: {  	[sflag:s13] =	ssyncadd.s32 $0xFFFFFD80  }
0x46: {  	[spmem:s6] =	stream.linear.scatter [tilespmem:s12], [sflag:$0x2], $0x280, $0x38;
	[tilespmem:$0x5800] =	vst v63  }
0x47: {  	_ =	swait.ge [sflag:s13], $0x280  }
0x48: {  	[sflag:s13] =	ssyncset.done $0x0  }
0x49: {  	[sflag:s13] =	ssyncadd.s32 $0xFFFFFD80  }
0x4a: {  	[tilespmem:s4], [sflag:$0x2] =	stream.linear.gather [hbm4b:s7+s4], $0x2800, $0x38;
	[tilespmem:$0x5800] =	vst v63  }
0x4b: {  	_ =	swait.ge [sflag:s13], $0x2800  }
0x4c: {  	[sflag:s13] =	ssyncset.done $0x0  }
0x4d: {  	[sflag:s13] =	ssyncadd.s32 $0xFFFFD800  }
0x4e: {  	[tilespmem:s14], [sflag:$0x2] =	stream.linear.gather [hbm4b:s8+s4], $0x2800, $0x38;
	[tilespmem:$0x5800] =	vst v63  }
0x4f: {  	_ =	swait.ge [sflag:s13], $0x2800  }
0x50: {  	[sflag:s13] =	ssyncset.done $0x0  }
0x51: {  	[sflag:s13] =	ssyncadd.s32 $0xFFFFD800  }
0x52: {  	s24 =	simm.s32 $0x0;
	[bflag:$0x0] =	sbarrier.arrive $0xFFFF  }
0x53: {  	[spmem:s2] =	stream.indirect.scatter.add.f32 [tilespmem:s16], [sflag:$0x1], $0x1, s24, s15, $0xb8;
	[tilespmem:$0x5800] =	vst v63  }
0x54: {  	s31 =	simm.s32 $0x2800  }
0x55: {  	[spmem:s3] =	stream.indirect.scatter.add.f32 [tilespmem:s16], [sflag:$0x1], $0x1, s31, s15, $0xb8;
	[tilespmem:$0x5800] =	vst v63  }
0x56: {  	s25 =	simm.s32 $0x80  }
0x57: {  	[spmem:s2] =	stream.indirect.scatter.add.f32 [tilespmem:s16], [sflag:$0x1], $0x1, s25, s15, $0xb8;
	[tilespmem:$0x5800] =	vst v63  }
0x58: {  	s26 =	simm.s32 $0x2880  }
0x59: {  	[spmem:s3] =	stream.indirect.scatter.add.f32 [tilespmem:s16], [sflag:$0x1], $0x1, s26, s15, $0xb8;
	[tilespmem:$0x5800] =	vst v63  }
0x5a: {  	s28 =	simm.s32 $0x100  }
0x5b: {  	[spmem:s2] =	stream.indirect.scatter.add.f32 [tilespmem:s16], [sflag:$0x1], $0x1, s28, s15, $0xb8;
	[tilespmem:$0x5800] =	vst v63  }
0x5c: {  	s29 =	simm.s32 $0x2900  }
0x5d: {  	[spmem:s3] =	stream.indirect.scatter.add.f32 [tilespmem:s16], [sflag:$0x1], $0x1, s29, s15, $0xb8;
	[tilespmem:$0x5800] =	vst v63  }
0x5e: {  	s30 =	simm.s32 $0x180  }
0x5f: {  	[spmem:s2] =	stream.indirect.scatter.add.f32 [tilespmem:s16], [sflag:$0x1], $0x1, s30, s15, $0xb8;
	[tilespmem:$0x5800] =	vst v63  }
0x60: {  	s31 =	simm.s32 $0x2980  }
0x61: {  	[spmem:s3] =	stream.indirect.scatter.add.f32 [tilespmem:s16], [sflag:$0x1], $0x1, s31, s15, $0xb8;
	[tilespmem:$0x5800] =	vst v63  }
0x62: {  	_ =	swait.ge [sflag:s17], $0x7D  }
0x63: {  	[sflag:s17] =	ssyncset.done $0x0  }
0x64: {  	[sflag:s17] =	ssyncadd.s32 $0xFFFFFF83  }
0x65: {  	_ =	swait.ge [sflag:s17], $0x7D  }
0x66: {  	[sflag:s17] =	ssyncset.done $0x0  }
0x67: {  	[sflag:s17] =	ssyncadd.s32 $0xFFFFFF83  }
0x68: {  	_ =	swait.ge [sflag:s17], $0x7D  }
0x69: {  	[sflag:s17] =	ssyncset.done $0x0  }
0x6a: {  	[sflag:s17] =	ssyncadd.s32 $0xFFFFFF83  }
0x6b: {  	_ =	swait.ge [sflag:s17], $0x7D  }
0x6c: {  	[sflag:s17] =	ssyncset.done $0x0  }
0x6d: {  	[sflag:s17] =	ssyncadd.s32 $0xFFFFFF83  }
0x6e: {  	_ =	swait.ge [sflag:s17], $0x7D  }
0x6f: {  	[sflag:s17] =	ssyncset.done $0x0  }
0x70: {  	[sflag:s17] =	ssyncadd.s32 $0xFFFFFF83  }
0x71: {  	_ =	swait.ge [sflag:s17], $0x7D  }
0x72: {  	[sflag:s17] =	ssyncset.done $0x0  }
0x73: {  	[sflag:s17] =	ssyncadd.s32 $0xFFFFFF83  }
0x74: {  	_ =	swait.ge [sflag:s17], $0x7D  }
0x75: {  	[sflag:s17] =	ssyncset.done $0x0  }
0x76: {  	[sflag:s17] =	ssyncadd.s32 $0xFFFFFF83  }
0x77: {  	_ =	swait.ge [sflag:s17], $0x7D  }
0x78: {  	s24 =	simm.s32 $0x800;
	s26 =	simm.s32 $0x1000;
	[sflag:s17] =	ssyncset.done $0x0  }
.LBB2_2:
0x79: {  	s28 =	sshra.s32 s24, $0x2  }
0x7a: {  	[sflag:s17] =	ssyncadd.s32 $0xFFFFFF83;
	s24 =	smov.u32 s26;
	s25 =	sadd.s32 $0x800, s26  }
0x7b: {  	[spmem:s2] =	stream.indirect.scatter.add.f32 [tilespmem:s16], [sflag:$0x1], $0x1, s28, s15, $0xb8;
	[tilespmem:$0x5800] =	vst v63  }
0x7c: {  	p0 =	sne.s32 s26, $0x9800;
	s26 =	sadd.s32 $0x2800, s28  }
0x7d: {  	[spmem:s3] =	stream.indirect.scatter.add.f32 [tilespmem:s16], [sflag:$0x1], $0x1, s26, s15, $0xb8;
	[tilespmem:$0x5800] =	vst v63  }
0x7e: {  	s26 =	sadd.s32 $0x80, s28  }
0x7f: {  	[spmem:s2] =	stream.indirect.scatter.add.f32 [tilespmem:s16], [sflag:$0x1], $0x1, s26, s15, $0xb8;
	[tilespmem:$0x5800] =	vst v63  }
0x80: {  	s26 =	sadd.s32 $0x2880, s28  }
0x81: {  	[spmem:s3] =	stream.indirect.scatter.add.f32 [tilespmem:s16], [sflag:$0x1], $0x1, s26, s15, $0xb8;
	[tilespmem:$0x5800] =	vst v63  }
0x82: {  	s26 =	sadd.s32 $0x100, s28  }
0x83: {  	[spmem:s2] =	stream.indirect.scatter.add.f32 [tilespmem:s16], [sflag:$0x1], $0x1, s26, s15, $0xb8;
	[tilespmem:$0x5800] =	vst v63  }
0x84: {  	s26 =	sadd.s32 $0x2900, s28  }
0x85: {  	[spmem:s3] =	stream.indirect.scatter.add.f32 [tilespmem:s16], [sflag:$0x1], $0x1, s26, s15, $0xb8;
	[tilespmem:$0x5800] =	vst v63  }
0x86: {  	s26 =	sadd.s32 $0x180, s28  }
0x87: {  	[spmem:s2] =	stream.indirect.scatter.add.f32 [tilespmem:s16], [sflag:$0x1], $0x1, s26, s15, $0xb8;
	[tilespmem:$0x5800] =	vst v63  }
0x88: {  	s26 =	sadd.s32 $0x2980, s28  }
0x89: {  	[spmem:s3] =	stream.indirect.scatter.add.f32 [tilespmem:s16], [sflag:$0x1], $0x1, s26, s15, $0xb8;
	[tilespmem:$0x5800] =	vst v63  }
0x8a: {  	_ =	swait.ge [sflag:s17], $0x7D  }
0x8b: {  	[sflag:s17] =	ssyncset.done $0x0  }
0x8c: {  	[sflag:s17] =	ssyncadd.s32 $0xFFFFFF83  }
0x8d: {  	_ =	swait.ge [sflag:s17], $0x7D  }
0x8e: {  	[sflag:s17] =	ssyncset.done $0x0  }
0x8f: {  	[sflag:s17] =	ssyncadd.s32 $0xFFFFFF83  }
0x90: {  	_ =	swait.ge [sflag:s17], $0x7D  }
0x91: {  	[sflag:s17] =	ssyncset.done $0x0  }
0x92: {  	[sflag:s17] =	ssyncadd.s32 $0xFFFFFF83  }
0x93: {  	_ =	swait.ge [sflag:s17], $0x7D  }
0x94: {  	[sflag:s17] =	ssyncset.done $0x0  }
0x95: {  	[sflag:s17] =	ssyncadd.s32 $0xFFFFFF83  }
0x96: {  	_ =	swait.ge [sflag:s17], $0x7D  }
0x97: {  	[sflag:s17] =	ssyncset.done $0x0  }
0x98: {  	[sflag:s17] =	ssyncadd.s32 $0xFFFFFF83  }
0x99: {  	_ =	swait.ge [sflag:s17], $0x7D  }
0x9a: {  	[sflag:s17] =	ssyncset.done $0x0  }
0x9b: {  	[sflag:s17] =	ssyncadd.s32 $0xFFFFFF83  }
.Ltmp0:
0x9c: {  	_ =	swait.ge [sflag:s17], $0x7D;
	(pc) =	sbr.rel @p0 .LBB2_2-.Ltmp0, $4  }
0x9d: {  	[sflag:s17] =	ssyncset.done $0x0  }
0x9e: {  	[sflag:s17] =	ssyncadd.s32 $0xFFFFFF83  }
0x9f: {  	_ =	swait.ge [sflag:s17], $0x7D  }
0xa0: {  	s26 =	smov.u32 s25;
	[sflag:s17] =	ssyncset.done $0x0  }
0xa1: {  	s24 =	sshra.s32 s24, $0x2;
	[sflag:s17] =	ssyncadd.s32 $0xFFFFFF83  }
0xa2: {  	[spmem:s2] =	stream.indirect.scatter.add.f32 [tilespmem:s16], [sflag:$0x1], $0x1, s24, s15, $0xb8;
	[tilespmem:$0x5800] =	vst v63  }
0xa3: {  	s25 =	sadd.s32 $0x2800, s24  }
0xa4: {  	[spmem:s3] =	stream.indirect.scatter.add.f32 [tilespmem:s16], [sflag:$0x1], $0x1, s25, s15, $0xb8;
	[tilespmem:$0x5800] =	vst v63  }
0xa5: {  	s26 =	sadd.s32 $0x80, s24  }
0xa6: {  	[spmem:s2] =	stream.indirect.scatter.add.f32 [tilespmem:s16], [sflag:$0x1], $0x1, s26, s15, $0xb8;
	[tilespmem:$0x5800] =	vst v63  }
0xa7: {  	s28 =	sadd.s32 $0x2880, s24  }
0xa8: {  	[spmem:s3] =	stream.indirect.scatter.add.f32 [tilespmem:s16], [sflag:$0x1], $0x1, s28, s15, $0xb8;
	[tilespmem:$0x5800] =	vst v63  }
0xa9: {  	s29 =	sadd.s32 $0x100, s24  }
0xaa: {  	[spmem:s2] =	stream.indirect.scatter.add.f32 [tilespmem:s16], [sflag:$0x1], $0x1, s29, s15, $0xb8;
	[tilespmem:$0x5800] =	vst v63  }
0xab: {  	s30 =	sadd.s32 $0x2900, s24  }
0xac: {  	[spmem:s3] =	stream.indirect.scatter.add.f32 [tilespmem:s16], [sflag:$0x1], $0x1, s30, s15, $0xb8;
	[tilespmem:$0x5800] =	vst v63  }
0xad: {  	s31 =	sadd.s32 $0x180, s24  }
0xae: {  	[spmem:s2] =	stream.indirect.scatter.add.f32 [tilespmem:s16], [sflag:$0x1], $0x1, s31, s15, $0xb8;
	[tilespmem:$0x5800] =	vst v63  }
0xaf: {  	s24 =	sadd.s32 $0x2980, s24  }
0xb0: {  	[spmem:s3] =	stream.indirect.scatter.add.f32 [tilespmem:s16], [sflag:$0x1], $0x1, s24, s15, $0xb8;
	[tilespmem:$0x5800] =	vst v63  }
0xb1: {  	_ =	swait.ge [sflag:s17], $0x7D  }
0xb2: {  	[sflag:s17] =	ssyncset.done $0x0  }
0xb3: {  	[sflag:s17] =	ssyncadd.s32 $0xFFFFFF83  }
0xb4: {  	_ =	swait.ge [sflag:s17], $0x7D  }
0xb5: {  	[sflag:s17] =	ssyncset.done $0x0  }
0xb6: {  	[sflag:s17] =	ssyncadd.s32 $0xFFFFFF83  }
0xb7: {  	_ =	swait.ge [sflag:s17], $0x7D  }
0xb8: {  	[sflag:s17] =	ssyncset.done $0x0  }
0xb9: {  	[sflag:s17] =	ssyncadd.s32 $0xFFFFFF83  }
0xba: {  	_ =	swait.ge [sflag:s17], $0x7D  }
0xbb: {  	[sflag:s17] =	ssyncset.done $0x0  }
0xbc: {  	[sflag:s17] =	ssyncadd.s32 $0xFFFFFF83  }
0xbd: {  	_ =	swait.ge [sflag:s17], $0x7D  }
0xbe: {  	[sflag:s17] =	ssyncset.done $0x0  }
0xbf: {  	[sflag:s17] =	ssyncadd.s32 $0xFFFFFF83  }
0xc0: {  	_ =	swait.ge [sflag:s17], $0x7D  }
0xc1: {  	[sflag:s17] =	ssyncset.done $0x0  }
0xc2: {  	[sflag:s17] =	ssyncadd.s32 $0xFFFFFF83  }
0xc3: {  	_ =	swait.ge [sflag:s17], $0x7D  }
0xc4: {  	[sflag:s17] =	ssyncset.done $0x0  }
0xc5: {  	[sflag:s17] =	ssyncadd.s32 $0xFFFFFF83  }
0xc6: {  	_ =	swait.ge [sflag:s17], $0x7D  }
0xc7: {  	[sflag:s17] =	ssyncset.done $0x0  }
0xc8: {  	[sflag:s17] =	ssyncadd.s32 $0xFFFFFF83  }
0xc9: {  	[bflag:$0x0] =	sbarrier.arrive $0xFFFF  }
0xca: {  	[hbm:s9@s20], [sflag:s18] =	dma.strided [spmem:s19@s21], $0x50, s17, $0x10   }
0xcb: {  	s23 =	sadd.s32 $0x1, s23;
	_ =	swait.ge [sflag:s13], $0x50  }
0xcc: {  	p0 =	sne.s32 s23, s11;
	[sflag:s13] =	ssyncset.done $0x0  }
.Ltmp1:
0xcd: {  	[sflag:s13] =	ssyncadd.s32 $0xFFFFFFB0;
	(pc) =	sbr.rel @p0 .LBB2_1-.Ltmp1, $4  }
0xce: {  	[hbm:s10@s20], [sflag:s18] =	dma.strided [spmem:s22@s21], $0x50, s17, $0x10   }
0xcf: {  	_ =	swait.ge [sflag:s13], $0x50  }
0xd0: {  	[sflag:s13] =	ssyncset.done $0x0  }
0xd1: {  	[sflag:s13] =	ssyncadd.s32 $0xFFFFFFB0  }
0xd2: {  	_ =	sfence.sel $0x180000  }
0xd3: {  	[bflag:$0x0] =	sbarrier.arrive $0xFFFF  }
0xd4: {  	p0 =	sne.s32 s0, $0x0;
	_ =	strace $0x90000047  }
0xd5: {  	s0 =	sadd.s32 @!p0 $0x100000, s1;
	[bflag:$0x2] =	sbarrier.arrive $0xFFFF  }
0xd6: {  	[sflag:s0] =	ssyncadd.tile.s32 @!p0 $0x1;
	_ =	shalt  }
.Lfunc_end2:
_tile_overlayer_lowered:
.L_overlay_start_2:
0xd7: {  	(tag) =	ssettag $0x2  }
0xd8: {  	s0 =	rddreg [dreg:$0x0];
	s2 =	stileid.u32  }
0xd9: {  	s1 =	rddreg [dreg:$0x1];
	p0 =	sne.s32 s2, $0x0  }
0xda: {  	s3 =	rddreg [dreg:$0x2];
	[bflag:$0x3] =	sbarrier.arrive $0xFFFF;
	s2 =	simm.s32 @!p0 $0x1C02  }
0xdb: {  	[timem:s3], [sflag:s2] =	dma.local @!p0 [hbm:s0], s1  }
0xdc: {  	s0 =	simm.s32 @!p0 $0x2  }
0xdd: {  	_ =	swait.ge @!p0 [sflag:s0], s1  }
0xde: {  	s1 =	ssub.s32 @!p0 $0x0, s1;
	[sflag:s0] =	ssyncset.done @!p0 $0x0  }
0xdf: {  	[sflag:s0] =	ssyncadd.s32 @!p0 s1  }
0xe0: {  	[bflag:$0x3] =	sbarrier.arrive $0xFFFF  }
0xe1: {  	_ =	shalt  }

</sc_bundles>
